<compile_context>
chip_gen: v7x
topology: tpu7x:2x2x1
jax: 0.10.2.dev20260603
libtpu: 0.0.44.dev20260713+nightly
codegen_flags: <defaults>
</compile_context>

<pallas_src>
import functools

import jax
import jax.numpy as jnp
from jax import lax
from jax.experimental import pallas as pl
from jax.experimental.pallas import tpu as pltpu
from jax.experimental.pallas import tpu_sc as plsc

B = 4096
S = 200
D = 64
N = B * S
NC = 2
NS = 16
NW = NC * NS
ROWS = B // NW
HALF = S // 2
NBUF = 4
CH = 16


def _sc_body(item_idx, cate_idx, item_tb, cate_tb, pos_tb, out,
             idx_i, idx_c,
             ibuf0, ibuf1, ibuf2, ibuf3, cbuf0, cbuf1, cbuf2, cbuf3, posb,
             sidx, sg0, sg1, sg2, sg3, so0, so1, so2, so3):
    ibufs = [ibuf0, ibuf1, ibuf2, ibuf3]
    cbufs = [cbuf0, cbuf1, cbuf2, cbuf3]
    sg = [sg0, sg1, sg2, sg3]
    so = [so0, so1, so2, so3]

    cid = lax.axis_index("c")
    sid = lax.axis_index("s")
    wid = sid * NC + cid
    base = wid * ROWS

    pltpu.sync_copy(pos_tb.at[pl.ds(0, S)], posb)

    def issue_chunk(c):
        slot = c % 2
        pltpu.async_copy(item_idx.at[pl.ds(base + c * CH, CH)],
                         idx_i.at[slot], sidx)
        pltpu.async_copy(cate_idx.at[pl.ds(base + c * CH, CH)],
                         idx_c.at[slot], sidx)

    def wait_chunk():
        pltpu.make_async_copy(item_idx.at[pl.ds(0, CH)], idx_i.at[0],
                              sidx).wait()
        pltpu.make_async_copy(cate_idx.at[pl.ds(0, CH)], idx_c.at[0],
                              sidx).wait()

    def issue_gathers(u, s4):
        slot = (u // CH) % 2
        rl = u % CH
        pltpu.async_copy(item_tb.at[idx_i.at[slot, rl, 0]],
                         ibufs[s4].at[pl.ds(0, HALF)], sg[s4])
        pltpu.async_copy(item_tb.at[idx_i.at[slot, rl, 1]],
                         ibufs[s4].at[pl.ds(HALF, HALF)], sg[s4])
        pltpu.async_copy(cate_tb.at[idx_c.at[slot, rl, 0]],
                         cbufs[s4].at[pl.ds(0, HALF)], sg[s4])
        pltpu.async_copy(cate_tb.at[idx_c.at[slot, rl, 1]],
                         cbufs[s4].at[pl.ds(HALF, HALF)], sg[s4])

    def wait_gathers(s4):
        pltpu.make_async_copy(item_tb.at[idx_i.at[0, 0, 0]],
                              ibufs[s4].at[pl.ds(0, HALF)], sg[s4]).wait()
        pltpu.make_async_copy(item_tb.at[idx_i.at[0, 0, 1]],
                              ibufs[s4].at[pl.ds(HALF, HALF)], sg[s4]).wait()
        pltpu.make_async_copy(cate_tb.at[idx_c.at[0, 0, 0]],
                              cbufs[s4].at[pl.ds(0, HALF)], sg[s4]).wait()
        pltpu.make_async_copy(cate_tb.at[idx_c.at[0, 0, 1]],
                              cbufs[s4].at[pl.ds(HALF, HALF)], sg[s4]).wait()

    def issue_out(row, s4):
        pltpu.async_copy(ibufs[s4], out.at[base + row], so[s4])

    def wait_out(s4):
        pltpu.make_async_copy(ibufs[s4], out.at[0], so[s4]).wait()

    issue_chunk(0)
    wait_chunk()
    issue_chunk(1)
    issue_gathers(0, 0)
    issue_gathers(1, 1)

    def outer(g, carry):
        for b in range(NBUF):
            r = g * NBUF + b
            u = r + 2
            g2 = (b + 2) % NBUF

            @pl.when(r >= 2)
            def _():
                wait_out(g2)

            @pl.when(jnp.logical_and(u % CH == 0, r <= ROWS - 3))
            def _():
                wait_chunk()

            @pl.when(r <= ROWS - 3)
            def _():
                issue_gathers(u, g2)

            wait_gathers(b)

            @pl.when(jnp.logical_and(r % CH == CH - 1, r <= ROWS - CH - 2))
            def _():
                issue_chunk((r + 1) // CH + 1)

            ib = ibufs[b]
            cb = cbufs[b]

            @plsc.parallel_loop(0, S, 1, unroll=2)
            def _(i):
                for j in range(D // 16):
                    sl = pl.ds(j * 16, 16)
                    plsc.addupdate(ib.at[i, sl], cb[i, sl] + posb[i, sl])

            issue_out(r, b)
        return carry

    lax.fori_loop(0, ROWS // NBUF, outer, 0)

    wait_out((ROWS - 2) % NBUF)
    wait_out((ROWS - 1) % NBUF)


@jax.jit
def _sc_encode(item_idx, cate_idx, item_tb, cate_tb, pos_tb):
    mesh = plsc.VectorSubcoreMesh(core_axis_name="c", subcore_axis_name="s",
                                  num_cores=NC, num_subcores=NS)
    return pl.kernel(
        _sc_body,
        out_type=jax.ShapeDtypeStruct((B, S, D), jnp.float32),
        mesh=mesh,
        compiler_params=pltpu.CompilerParams(use_tc_tiling_on_sc=False),
        scratch_types=[
            pltpu.VMEM((2, CH, 2, HALF), jnp.int32),
            pltpu.VMEM((2, CH, 2, HALF), jnp.int32),
            pltpu.VMEM((S, D), jnp.float32),
            pltpu.VMEM((S, D), jnp.float32),
            pltpu.VMEM((S, D), jnp.float32),
            pltpu.VMEM((S, D), jnp.float32),
            pltpu.VMEM((S, D), jnp.float32),
            pltpu.VMEM((S, D), jnp.float32),
            pltpu.VMEM((S, D), jnp.float32),
            pltpu.VMEM((S, D), jnp.float32),
            pltpu.VMEM((S, D), jnp.float32),
            pltpu.SemaphoreType.DMA,
            pltpu.SemaphoreType.DMA,
            pltpu.SemaphoreType.DMA,
            pltpu.SemaphoreType.DMA,
            pltpu.SemaphoreType.DMA,
            pltpu.SemaphoreType.DMA,
            pltpu.SemaphoreType.DMA,
            pltpu.SemaphoreType.DMA,
            pltpu.SemaphoreType.DMA,
        ],
    )(item_idx, cate_idx, item_tb, cate_tb, pos_tb)


def _mask_body(len_ref, mask_ref):
    iota = lax.broadcasted_iota(jnp.int32, (B, S), 1)
    mask_ref[...] = iota < len_ref[...]


@jax.jit
def _tc_mask(length):
    return pl.pallas_call(
        _mask_body,
        out_shape=jax.ShapeDtypeStruct((B, S), jnp.bool_),
    )(length)


def kernel(item_id, cate_id, length, item_table, cate_table, pos_table):
    item_idx = item_id.astype(jnp.int32).reshape(B, 2, HALF)
    cate_idx = cate_id.astype(jnp.int32).reshape(B, 2, HALF)
    seq = _sc_encode(item_idx, cate_idx, item_table, cate_table, pos_table)
    mask = _tc_mask(length.astype(jnp.int32))
    return seq, mask

# --- scband reference (transcript-rebuilt; emitter-appended) ---
"""Pipeline reference for scband-encoder-44452911513712 (READ-ONLY COPY).

The authoritative reference and input builder live on the scoring server;
editing this copy changes nothing except your own understanding.
"""

import jax, jax.numpy as jnp
import numpy as np

ITEM_VOCAB = 1000000  # input_dim 999998 + 2
CATE_VOCAB = 10000    # input_dim 9998 + 2
EMBED_DIM = 64
MAX_LENGTH = 200
BATCH = 4096
SEQ = 200


def setup_inputs(seed: int = 0) -> dict:
    key = jax.random.key(seed)
    k1, k2, k3, k4, k5, k6 = jax.random.split(key, 6)
    item_id = jax.random.randint(k1, (BATCH, SEQ), 0, ITEM_VOCAB, dtype=jnp.int64 if jax.config.jax_enable_x64 else jnp.int32)
    cate_id = jax.random.randint(k2, (BATCH, SEQ), 0, CATE_VOCAB, dtype=jnp.int64 if jax.config.jax_enable_x64 else jnp.int32)
    length = jax.random.randint(k3, (BATCH, 1), 0, SEQ, dtype=jnp.int64 if jax.config.jax_enable_x64 else jnp.int32)
    item_table = jax.random.normal(k4, (ITEM_VOCAB, EMBED_DIM), dtype=jnp.float32) * 0.02
    cate_table = jax.random.normal(k5, (CATE_VOCAB, EMBED_DIM), dtype=jnp.float32) * 0.02
    pos_table = jax.random.normal(k6, (MAX_LENGTH + 1, EMBED_DIM), dtype=jnp.float32) * 0.02
    return {
        "item_id": item_id,
        "cate_id": cate_id,
        "length": length,
        "item_table": item_table,
        "cate_table": cate_table,
        "pos_table": pos_table,
    }


def reference(item_id, cate_id, length, item_table, cate_table, pos_table):
    # Faithful translation of Encoder.forward (eval mode: dropout is identity).
    batch_size = length.shape[0]
    seq_len = item_id.shape[1]
    # Per-feature embedding lookups, summed across features (torch.stack(...).sum(dim=0))
    emb_item = jnp.take(item_table, item_id, axis=0)   # [B, S, D]
    emb_cate = jnp.take(cate_table, cate_id, axis=0)   # [B, S, D]
    seq = emb_item + emb_cate
    # Positional embedding
    positions = jnp.arange(seq_len)
    pos_emb = jnp.take(pos_table, positions, axis=0)   # [S, D]
    seq = seq + pos_emb[None, :, :]
    # Length mask
    lengths = jnp.squeeze(length, axis=-1)             # [B]
    mask = jnp.arange(seq_len)[None, :] < lengths[:, None]
    return (seq, mask)

if __name__ == "__main__":
    import jax
    _d = setup_inputs()
    print(jax.jit(kernel)(*tuple(_d.values())))

</pallas_src>

<mosaic_0001>
#map = affine_map<(d0, d1) -> (0, 0, 0)>
#map1 = affine_map<(d0, d1) -> (0, 0)>
module attributes {stable_mosaic.version = 14 : i64} {
  func.func @_sc_body(%arg0: i32, %arg1: i32, %arg2: memref<4096x2x100xi32, #tpu.memory_space<hbm>>, %arg3: memref<4096x2x100xi32, #tpu.memory_space<hbm>>, %arg4: memref<1000000x64xf32, #tpu.memory_space<hbm>>, %arg5: memref<10000x64xf32, #tpu.memory_space<hbm>>, %arg6: memref<201x64xf32, #tpu.memory_space<hbm>>, %arg7: memref<4096x200x64xf32, #tpu.memory_space<hbm>>, %arg8: memref<2x16x2x100xi32, #tpu.memory_space<vmem>>, %arg9: memref<2x16x2x100xi32, #tpu.memory_space<vmem>>, %arg10: memref<200x64xf32, #tpu.memory_space<vmem>>, %arg11: memref<200x64xf32, #tpu.memory_space<vmem>>, %arg12: memref<200x64xf32, #tpu.memory_space<vmem>>, %arg13: memref<200x64xf32, #tpu.memory_space<vmem>>, %arg14: memref<200x64xf32, #tpu.memory_space<vmem>>, %arg15: memref<200x64xf32, #tpu.memory_space<vmem>>, %arg16: memref<200x64xf32, #tpu.memory_space<vmem>>, %arg17: memref<200x64xf32, #tpu.memory_space<vmem>>, %arg18: memref<200x64xf32, #tpu.memory_space<vmem>>, %arg19: memref<!tpu.dma_semaphore, #tpu.memory_space<semaphore_mem>>, %arg20: memref<!tpu.dma_semaphore, #tpu.memory_space<semaphore_mem>>, %arg21: memref<!tpu.dma_semaphore, #tpu.memory_space<semaphore_mem>>, %arg22: memref<!tpu.dma_semaphore, #tpu.memory_space<semaphore_mem>>, %arg23: memref<!tpu.dma_semaphore, #tpu.memory_space<semaphore_mem>>, %arg24: memref<!tpu.dma_semaphore, #tpu.memory_space<semaphore_mem>>, %arg25: memref<!tpu.dma_semaphore, #tpu.memory_space<semaphore_mem>>, %arg26: memref<!tpu.dma_semaphore, #tpu.memory_space<semaphore_mem>>, %arg27: memref<!tpu.dma_semaphore, #tpu.memory_space<semaphore_mem>>) attributes {dimension_semantics = [#tpu.dimension_semantics<core_parallel>, #tpu.dimension_semantics<subcore_parallel>], iteration_bounds = array<i64: 2, 16>, scalar_prefetch = 0 : i64, scratch_operands = 20 : i64, tpu.core_type = #tpu.core_type<sc_vector_subcore>, window_params = [{transform_indices = #map}, {transform_indices = #map}, {transform_indices = #map1}, {transform_indices = #map1}, {transform_indices = #map1}, {transform_indices = #map}]} {
    %mul3A = arith.constant 2 : i32
    %mul3A_0 = arith.muli %arg1, %mul3A : i32
    %add3A = arith.addi %mul3A_0, %arg0 : i32
    %mul3A_1 = arith.constant 128 : i32
    %mul3A_2 = arith.muli %add3A, %mul3A_1 : i32
    "tpu.region"() ({
      %run_scoped3A = tpu.sem_alloc : memref<!tpu.dma_semaphore, #tpu.memory_space<semaphore_mem>>
      %dma_start3A_234 = arith.constant 0 : i32
      %dma_start3A_235 = arith.constant 0 : i32
      %dma_start3A_236 = tpu.memref_slice %arg6[%dma_start3A_234, %dma_start3A_235] : memref<201x64xf32, #tpu.memory_space<hbm>> -> memref<200x64xf32, #tpu.memory_space<hbm>>
      %dma_start3A_237 = arith.constant 0 : i32
      %dma_start3A_238 = arith.constant 0 : i32
      %dma_start3A_239 = tpu.memref_slice %arg6[%dma_start3A_237, %dma_start3A_238] : memref<201x64xf32, #tpu.memory_space<hbm>> -> memref<200x64xf32, #tpu.memory_space<hbm>>
      tpu.enqueue_dma source(%dma_start3A_239 : memref<200x64xf32, #tpu.memory_space<hbm>>) target(%arg18 : memref<200x64xf32, #tpu.memory_space<vmem>>) target_semaphore(%run_scoped3A : memref<!tpu.dma_semaphore, #tpu.memory_space<semaphore_mem>>)
      %dma_wait3A_240 = arith.constant 0 : i32
      %dma_wait3A_241 = arith.constant 0 : i32
      %dma_wait3A_242 = tpu.memref_slice %arg6[%dma_wait3A_240, %dma_wait3A_241] : memref<201x64xf32, #tpu.memory_space<hbm>> -> memref<200x64xf32, #tpu.memory_space<hbm>>
      %dma_wait3A_243 = arith.constant 0 : i32
      %dma_wait3A_244 = arith.constant 0 : i32
      %dma_wait3A_245 = tpu.memref_slice %arg6[%dma_wait3A_243, %dma_wait3A_244] : memref<201x64xf32, #tpu.memory_space<hbm>> -> memref<200x64xf32, #tpu.memory_space<hbm>>
      tpu.wait_dma2 semaphore(%run_scoped3A : memref<!tpu.dma_semaphore, #tpu.memory_space<semaphore_mem>>) src(%dma_wait3A_245 : memref<200x64xf32, #tpu.memory_space<hbm>>) dst(%arg18 : memref<200x64xf32, #tpu.memory_space<vmem>>)
      tpu.yield
    }) : () -> ()
    %add3A_3 = arith.constant 0 : i32
    %add3A_4 = arith.addi %mul3A_2, %add3A_3 : i32
    %dma_start3A = arith.constant 0 : i32
    %dma_start3A_5 = arith.constant 0 : i32
    %dma_start3A_6 = arith.constant 0 : i32
    %dma_start3A_7 = arith.constant 0 : i32
    %dma_start3A_8 = tpu.memref_slice %arg8[%dma_start3A, %dma_start3A_5, %dma_start3A_6, %dma_start3A_7] : memref<2x16x2x100xi32, #tpu.memory_space<vmem>> -> memref<1x16x2x100xi32, #tpu.memory_space<vmem>>
    %dma_start3A_9 = tpu.memref_squeeze %dma_start3A_8 : memref<1x16x2x100xi32, #tpu.memory_space<vmem>> -> memref<16x2x100xi32, #tpu.memory_space<vmem>>
    %dma_start3A_10 = arith.constant 0 : i32
    %dma_start3A_11 = arith.constant 0 : i32
    %dma_start3A_12 = tpu.memref_slice %arg2[%add3A_4, %dma_start3A_10, %dma_start3A_11] : memref<4096x2x100xi32, #tpu.memory_space<hbm>> -> memref<16x2x100xi32, #tpu.memory_space<hbm>>
    %dma_start3A_13 = arith.constant 0 : i32
    %dma_start3A_14 = arith.constant 0 : i32
    %dma_start3A_15 = arith.constant 0 : i32
    %dma_start3A_16 = tpu.memref_slice %arg8[%dma_start3A, %dma_start3A_13, %dma_start3A_14, %dma_start3A_15] : memref<2x16x2x100xi32, #tpu.memory_space<vmem>> -> memref<1x16x2x100xi32, #tpu.memory_space<vmem>>
    %dma_start3A_17 = tpu.memref_squeeze %dma_start3A_16 : memref<1x16x2x100xi32, #tpu.memory_space<vmem>> -> memref<16x2x100xi32, #tpu.memory_space<vmem>>
    %dma_start3A_18 = arith.constant 0 : i32
    %dma_start3A_19 = arith.constant 0 : i32
    %dma_start3A_20 = tpu.memref_slice %arg2[%add3A_4, %dma_start3A_18, %dma_start3A_19] : memref<4096x2x100xi32, #tpu.memory_space<hbm>> -> memref<16x2x100xi32, #tpu.memory_space<hbm>>
    tpu.enqueue_dma source(%dma_start3A_20 : memref<16x2x100xi32, #tpu.memory_space<hbm>>) target(%dma_start3A_17 : memref<16x2x100xi32, #tpu.memory_space<vmem>>) target_semaphore(%arg19 : memref<!tpu.dma_semaphore, #tpu.memory_space<semaphore_mem>>)
    %add3A_21 = arith.constant 0 : i32
    %add3A_22 = arith.addi %mul3A_2, %add3A_21 : i32
    %dma_start3A_23 = arith.constant 0 : i32
    %dma_start3A_24 = arith.constant 0 : i32
    %dma_start3A_25 = arith.constant 0 : i32
    %dma_start3A_26 = arith.constant 0 : i32
    %dma_start3A_27 = tpu.memref_slice %arg9[%dma_start3A_23, %dma_start3A_24, %dma_start3A_25, %dma_start3A_26] : memref<2x16x2x100xi32, #tpu.memory_space<vmem>> -> memref<1x16x2x100xi32, #tpu.memory_space<vmem>>
    %dma_start3A_28 = tpu.memref_squeeze %dma_start3A_27 : memref<1x16x2x100xi32, #tpu.memory_space<vmem>> -> memref<16x2x100xi32, #tpu.memory_space<vmem>>
    %dma_start3A_29 = arith.constant 0 : i32
    %dma_start3A_30 = arith.constant 0 : i32
    %dma_start3A_31 = tpu.memref_slice %arg3[%add3A_22, %dma_start3A_29, %dma_start3A_30] : memref<4096x2x100xi32, #tpu.memory_space<hbm>> -> memref<16x2x100xi32, #tpu.memory_space<hbm>>
    %dma_start3A_32 = arith.constant 0 : i32
    %dma_start3A_33 = arith.constant 0 : i32
    %dma_start3A_34 = arith.constant 0 : i32
    %dma_start3A_35 = tpu.memref_slice %arg9[%dma_start3A_23, %dma_start3A_32, %dma_start3A_33, %dma_start3A_34] : memref<2x16x2x100xi32, #tpu.memory_space<vmem>> -> memref<1x16x2x100xi32, #tpu.memory_space<vmem>>
    %dma_start3A_36 = tpu.memref_squeeze %dma_start3A_35 : memref<1x16x2x100xi32, #tpu.memory_space<vmem>> -> memref<16x2x100xi32, #tpu.memory_space<vmem>>
    %dma_start3A_37 = arith.constant 0 : i32
    %dma_start3A_38 = arith.constant 0 : i32
    %dma_start3A_39 = tpu.memref_slice %arg3[%add3A_22, %dma_start3A_37, %dma_start3A_38] : memref<4096x2x100xi32, #tpu.memory_space<hbm>> -> memref<16x2x100xi32, #tpu.memory_space<hbm>>
    tpu.enqueue_dma source(%dma_start3A_39 : memref<16x2x100xi32, #tpu.memory_space<hbm>>) target(%dma_start3A_36 : memref<16x2x100xi32, #tpu.memory_space<vmem>>) target_semaphore(%arg19 : memref<!tpu.dma_semaphore, #tpu.memory_space<semaphore_mem>>)
    %dma_wait3A = arith.constant 0 : i32
    %dma_wait3A_40 = arith.constant 0 : i32
    %dma_wait3A_41 = arith.constant 0 : i32
    %dma_wait3A_42 = arith.constant 0 : i32
    %dma_wait3A_43 = tpu.memref_slice %arg8[%dma_wait3A, %dma_wait3A_40, %dma_wait3A_41, %dma_wait3A_42] : memref<2x16x2x100xi32, #tpu.memory_space<vmem>> -> memref<1x16x2x100xi32, #tpu.memory_space<vmem>>
    %dma_wait3A_44 = tpu.memref_squeeze %dma_wait3A_43 : memref<1x16x2x100xi32, #tpu.memory_space<vmem>> -> memref<16x2x100xi32, #tpu.memory_space<vmem>>
    %dma_wait3A_45 = arith.constant 0 : i32
    %dma_wait3A_46 = arith.constant 0 : i32
    %dma_wait3A_47 = arith.constant 0 : i32
    %dma_wait3A_48 = tpu.memref_slice %arg2[%dma_wait3A_45, %dma_wait3A_46, %dma_wait3A_47] : memref<4096x2x100xi32, #tpu.memory_space<hbm>> -> memref<16x2x100xi32, #tpu.memory_space<hbm>>
    %dma_wait3A_49 = arith.constant 0 : i32
    %dma_wait3A_50 = arith.constant 0 : i32
    %dma_wait3A_51 = arith.constant 0 : i32
    %dma_wait3A_52 = tpu.memref_slice %arg8[%dma_wait3A, %dma_wait3A_49, %dma_wait3A_50, %dma_wait3A_51] : memref<2x16x2x100xi32, #tpu.memory_space<vmem>> -> memref<1x16x2x100xi32, #tpu.memory_space<vmem>>
    %dma_wait3A_53 = tpu.memref_squeeze %dma_wait3A_52 : memref<1x16x2x100xi32, #tpu.memory_space<vmem>> -> memref<16x2x100xi32, #tpu.memory_space<vmem>>
    %dma_wait3A_54 = arith.constant 0 : i32
    %dma_wait3A_55 = arith.constant 0 : i32
    %dma_wait3A_56 = arith.constant 0 : i32
    %dma_wait3A_57 = tpu.memref_slice %arg2[%dma_wait3A_54, %dma_wait3A_55, %dma_wait3A_56] : memref<4096x2x100xi32, #tpu.memory_space<hbm>> -> memref<16x2x100xi32, #tpu.memory_space<hbm>>
    tpu.wait_dma2 semaphore(%arg19 : memref<!tpu.dma_semaphore, #tpu.memory_space<semaphore_mem>>) src(%dma_wait3A_57 : memref<16x2x100xi32, #tpu.memory_space<hbm>>) dst(%dma_wait3A_53 : memref<16x2x100xi32, #tpu.memory_space<vmem>>)
    %dma_wait3A_58 = arith.constant 0 : i32
    %dma_wait3A_59 = arith.constant 0 : i32
    %dma_wait3A_60 = arith.constant 0 : i32
    %dma_wait3A_61 = arith.constant 0 : i32
    %dma_wait3A_62 = tpu.memref_slice %arg9[%dma_wait3A_58, %dma_wait3A_59, %dma_wait3A_60, %dma_wait3A_61] : memref<2x16x2x100xi32, #tpu.memory_space<vmem>> -> memref<1x16x2x100xi32, #tpu.memory_space<vmem>>
    %dma_wait3A_63 = tpu.memref_squeeze %dma_wait3A_62 : memref<1x16x2x100xi32, #tpu.memory_space<vmem>> -> memref<16x2x100xi32, #tpu.memory_space<vmem>>
    %dma_wait3A_64 = arith.constant 0 : i32
    %dma_wait3A_65 = arith.constant 0 : i32
    %dma_wait3A_66 = arith.constant 0 : i32
    %dma_wait3A_67 = tpu.memref_slice %arg3[%dma_wait3A_64, %dma_wait3A_65, %dma_wait3A_66] : memref<4096x2x100xi32, #tpu.memory_space<hbm>> -> memref<16x2x100xi32, #tpu.memory_space<hbm>>
    %dma_wait3A_68 = arith.constant 0 : i32
    %dma_wait3A_69 = arith.constant 0 : i32
    %dma_wait3A_70 = arith.constant 0 : i32
    %dma_wait3A_71 = tpu.memref_slice %arg9[%dma_wait3A_58, %dma_wait3A_68, %dma_wait3A_69, %dma_wait3A_70] : memref<2x16x2x100xi32, #tpu.memory_space<vmem>> -> memref<1x16x2x100xi32, #tpu.memory_space<vmem>>
    %dma_wait3A_72 = tpu.memref_squeeze %dma_wait3A_71 : memref<1x16x2x100xi32, #tpu.memory_space<vmem>> -> memref<16x2x100xi32, #tpu.memory_space<vmem>>
    %dma_wait3A_73 = arith.constant 0 : i32
    %dma_wait3A_74 = arith.constant 0 : i32
    %dma_wait3A_75 = arith.constant 0 : i32
    %dma_wait3A_76 = tpu.memref_slice %arg3[%dma_wait3A_73, %dma_wait3A_74, %dma_wait3A_75] : memref<4096x2x100xi32, #tpu.memory_space<hbm>> -> memref<16x2x100xi32, #tpu.memory_space<hbm>>
    tpu.wait_dma2 semaphore(%arg19 : memref<!tpu.dma_semaphore, #tpu.memory_space<semaphore_mem>>) src(%dma_wait3A_76 : memref<16x2x100xi32, #tpu.memory_space<hbm>>) dst(%dma_wait3A_72 : memref<16x2x100xi32, #tpu.memory_space<vmem>>)
    %add3A_77 = arith.constant 16 : i32
    %add3A_78 = arith.addi %mul3A_2, %add3A_77 : i32
    %dma_start3A_79 = arith.constant 1 : i32
    %dma_start3A_80 = arith.constant 0 : i32
    %dma_start3A_81 = arith.constant 0 : i32
    %dma_start3A_82 = arith.constant 0 : i32
    %dma_start3A_83 = tpu.memref_slice %arg8[%dma_start3A_79, %dma_start3A_80, %dma_start3A_81, %dma_start3A_82] : memref<2x16x2x100xi32, #tpu.memory_space<vmem>> -> memref<1x16x2x100xi32, #tpu.memory_space<vmem>>
    %dma_start3A_84 = tpu.memref_squeeze %dma_start3A_83 : memref<1x16x2x100xi32, #tpu.memory_space<vmem>> -> memref<16x2x100xi32, #tpu.memory_space<vmem>>
    %dma_start3A_85 = arith.constant 0 : i32
    %dma_start3A_86 = arith.constant 0 : i32
    %dma_start3A_87 = tpu.memref_slice %arg2[%add3A_78, %dma_start3A_85, %dma_start3A_86] : memref<4096x2x100xi32, #tpu.memory_space<hbm>> -> memref<16x2x100xi32, #tpu.memory_space<hbm>>
    %dma_start3A_88 = arith.constant 0 : i32
    %dma_start3A_89 = arith.constant 0 : i32
    %dma_start3A_90 = arith.constant 0 : i32
    %dma_start3A_91 = tpu.memref_slice %arg8[%dma_start3A_79, %dma_start3A_88, %dma_start3A_89, %dma_start3A_90] : memref<2x16x2x100xi32, #tpu.memory_space<vmem>> -> memref<1x16x2x100xi32, #tpu.memory_space<vmem>>
    %dma_start3A_92 = tpu.memref_squeeze %dma_start3A_91 : memref<1x16x2x100xi32, #tpu.memory_space<vmem>> -> memref<16x2x100xi32, #tpu.memory_space<vmem>>
    %dma_start3A_93 = arith.constant 0 : i32
    %dma_start3A_94 = arith.constant 0 : i32
    %dma_start3A_95 = tpu.memref_slice %arg2[%add3A_78, %dma_start3A_93, %dma_start3A_94] : memref<4096x2x100xi32, #tpu.memory_space<hbm>> -> memref<16x2x100xi32, #tpu.memory_space<hbm>>
    tpu.enqueue_dma source(%dma_start3A_95 : memref<16x2x100xi32, #tpu.memory_space<hbm>>) target(%dma_start3A_92 : memref<16x2x100xi32, #tpu.memory_space<vmem>>) target_semaphore(%arg19 : memref<!tpu.dma_semaphore, #tpu.memory_space<semaphore_mem>>)
    %add3A_96 = arith.constant 16 : i32
    %add3A_97 = arith.addi %mul3A_2, %add3A_96 : i32
    %dma_start3A_98 = arith.constant 1 : i32
    %dma_start3A_99 = arith.constant 0 : i32
    %dma_start3A_100 = arith.constant 0 : i32
    %dma_start3A_101 = arith.constant 0 : i32
    %dma_start3A_102 = tpu.memref_slice %arg9[%dma_start3A_98, %dma_start3A_99, %dma_start3A_100, %dma_start3A_101] : memref<2x16x2x100xi32, #tpu.memory_space<vmem>> -> memref<1x16x2x100xi32, #tpu.memory_space<vmem>>
    %dma_start3A_103 = tpu.memref_squeeze %dma_start3A_102 : memref<1x16x2x100xi32, #tpu.memory_space<vmem>> -> memref<16x2x100xi32, #tpu.memory_space<vmem>>
    %dma_start3A_104 = arith.constant 0 : i32
    %dma_start3A_105 = arith.constant 0 : i32
    %dma_start3A_106 = tpu.memref_slice %arg3[%add3A_97, %dma_start3A_104, %dma_start3A_105] : memref<4096x2x100xi32, #tpu.memory_space<hbm>> -> memref<16x2x100xi32, #tpu.memory_space<hbm>>
    %dma_start3A_107 = arith.constant 0 : i32
    %dma_start3A_108 = arith.constant 0 : i32
    %dma_start3A_109 = arith.constant 0 : i32
    %dma_start3A_110 = tpu.memref_slice %arg9[%dma_start3A_98, %dma_start3A_107, %dma_start3A_108, %dma_start3A_109] : memref<2x16x2x100xi32, #tpu.memory_space<vmem>> -> memref<1x16x2x100xi32, #tpu.memory_space<vmem>>
    %dma_start3A_111 = tpu.memref_squeeze %dma_start3A_110 : memref<1x16x2x100xi32, #tpu.memory_space<vmem>> -> memref<16x2x100xi32, #tpu.memory_space<vmem>>
    %dma_start3A_112 = arith.constant 0 : i32
    %dma_start3A_113 = arith.constant 0 : i32
    %dma_start3A_114 = tpu.memref_slice %arg3[%add3A_97, %dma_start3A_112, %dma_start3A_113] : memref<4096x2x100xi32, #tpu.memory_space<hbm>> -> memref<16x2x100xi32, #tpu.memory_space<hbm>>
    tpu.enqueue_dma source(%dma_start3A_114 : memref<16x2x100xi32, #tpu.memory_space<hbm>>) target(%dma_start3A_111 : memref<16x2x100xi32, #tpu.memory_space<vmem>>) target_semaphore(%arg19 : memref<!tpu.dma_semaphore, #tpu.memory_space<semaphore_mem>>)
    %dma_start3A_115 = arith.constant 0 : i32
    %dma_start3A_116 = arith.constant 0 : i32
    %dma_start3A_117 = arith.constant 0 : i32
    %dma_start3A_118 = arith.constant 0 : i32
    %dma_start3A_119 = arith.constant 0 : i32
    %dma_start3A_120 = tpu.memref_slice %arg10[%dma_start3A_118, %dma_start3A_119] : memref<200x64xf32, #tpu.memory_space<vmem>> -> memref<100x64xf32, #tpu.memory_space<vmem>>
    %dma_start3A_121 = arith.constant 0 : i32
    %dma_start3A_122 = tpu.memref_slice %arg8[%dma_start3A_115, %dma_start3A_116, %dma_start3A_117, %dma_start3A_121] : memref<2x16x2x100xi32, #tpu.memory_space<vmem>> -> memref<1x1x1x100xi32, #tpu.memory_space<vmem>>
    %dma_start3A_123 = tpu.memref_squeeze %dma_start3A_122 : memref<1x1x1x100xi32, #tpu.memory_space<vmem>> -> memref<100xi32, #tpu.memory_space<vmem>>
    %dma_start3A_124 = arith.constant 0 : i32
    %dma_start3A_125 = arith.constant 0 : i32
    %dma_start3A_126 = tpu.memref_slice %arg4[%dma_start3A_124, %dma_start3A_125] : memref<1000000x64xf32, #tpu.memory_space<hbm>> -> memref<1000000x64xf32, #tpu.memory_space<hbm>>
    tpu.enqueue_indirect_dma source(%dma_start3A_126 : memref<1000000x64xf32, #tpu.memory_space<hbm>>) target(%dma_start3A_120 : memref<100x64xf32, #tpu.memory_space<vmem>>) offsets(%dma_start3A_123 : memref<100xi32, #tpu.memory_space<vmem>>) semaphore(%arg20 : memref<!tpu.dma_semaphore, #tpu.memory_space<semaphore_mem>>)
    %dma_start3A_127 = arith.constant 0 : i32
    %dma_start3A_128 = arith.constant 0 : i32
    %dma_start3A_129 = arith.constant 1 : i32
    %dma_start3A_130 = arith.constant 100 : i32
    %dma_start3A_131 = arith.constant 0 : i32
    %dma_start3A_132 = tpu.memref_slice %arg10[%dma_start3A_130, %dma_start3A_131] : memref<200x64xf32, #tpu.memory_space<vmem>> -> memref<100x64xf32, #tpu.memory_space<vmem>>
    %dma_start3A_133 = arith.constant 0 : i32
    %dma_start3A_134 = tpu.memref_slice %arg8[%dma_start3A_127, %dma_start3A_128, %dma_start3A_129, %dma_start3A_133] : memref<2x16x2x100xi32, #tpu.memory_space<vmem>> -> memref<1x1x1x100xi32, #tpu.memory_space<vmem>>
    %dma_start3A_135 = tpu.memref_squeeze %dma_start3A_134 : memref<1x1x1x100xi32, #tpu.memory_space<vmem>> -> memref<100xi32, #tpu.memory_space<vmem>>
    %dma_start3A_136 = arith.constant 0 : i32
    %dma_start3A_137 = arith.constant 0 : i32
    %dma_start3A_138 = tpu.memref_slice %arg4[%dma_start3A_136, %dma_start3A_137] : memref<1000000x64xf32, #tpu.memory_space<hbm>> -> memref<1000000x64xf32, #tpu.memory_space<hbm>>
    tpu.enqueue_indirect_dma source(%dma_start3A_138 : memref<1000000x64xf32, #tpu.memory_space<hbm>>) target(%dma_start3A_132 : memref<100x64xf32, #tpu.memory_space<vmem>>) offsets(%dma_start3A_135 : memref<100xi32, #tpu.memory_space<vmem>>) semaphore(%arg20 : memref<!tpu.dma_semaphore, #tpu.memory_space<semaphore_mem>>)
    %dma_start3A_139 = arith.constant 0 : i32
    %dma_start3A_140 = arith.constant 0 : i32
    %dma_start3A_141 = arith.constant 0 : i32
    %dma_start3A_142 = arith.constant 0 : i32
    %dma_start3A_143 = arith.constant 0 : i32
    %dma_start3A_144 = tpu.memref_slice %arg14[%dma_start3A_142, %dma_start3A_143] : memref<200x64xf32, #tpu.memory_space<vmem>> -> memref<100x64xf32, #tpu.memory_space<vmem>>
    %dma_start3A_145 = arith.constant 0 : i32
    %dma_start3A_146 = tpu.memref_slice %arg9[%dma_start3A_139, %dma_start3A_140, %dma_start3A_141, %dma_start3A_145] : memref<2x16x2x100xi32, #tpu.memory_space<vmem>> -> memref<1x1x1x100xi32, #tpu.memory_space<vmem>>
    %dma_start3A_147 = tpu.memref_squeeze %dma_start3A_146 : memref<1x1x1x100xi32, #tpu.memory_space<vmem>> -> memref<100xi32, #tpu.memory_space<vmem>>
    %dma_start3A_148 = arith.constant 0 : i32
    %dma_start3A_149 = arith.constant 0 : i32
    %dma_start3A_150 = tpu.memref_slice %arg5[%dma_start3A_148, %dma_start3A_149] : memref<10000x64xf32, #tpu.memory_space<hbm>> -> memref<10000x64xf32, #tpu.memory_space<hbm>>
    tpu.enqueue_indirect_dma source(%dma_start3A_150 : memref<10000x64xf32, #tpu.memory_space<hbm>>) target(%dma_start3A_144 : memref<100x64xf32, #tpu.memory_space<vmem>>) offsets(%dma_start3A_147 : memref<100xi32, #tpu.memory_space<vmem>>) semaphore(%arg20 : memref<!tpu.dma_semaphore, #tpu.memory_space<semaphore_mem>>)
    %dma_start3A_151 = arith.constant 0 : i32
    %dma_start3A_152 = arith.constant 0 : i32
    %dma_start3A_153 = arith.constant 1 : i32
    %dma_start3A_154 = arith.constant 100 : i32
    %dma_start3A_155 = arith.constant 0 : i32
    %dma_start3A_156 = tpu.memref_slice %arg14[%dma_start3A_154, %dma_start3A_155] : memref<200x64xf32, #tpu.memory_space<vmem>> -> memref<100x64xf32, #tpu.memory_space<vmem>>
    %dma_start3A_157 = arith.constant 0 : i32
    %dma_start3A_158 = tpu.memref_slice %arg9[%dma_start3A_151, %dma_start3A_152, %dma_start3A_153, %dma_start3A_157] : memref<2x16x2x100xi32, #tpu.memory_space<vmem>> -> memref<1x1x1x100xi32, #tpu.memory_space<vmem>>
    %dma_start3A_159 = tpu.memref_squeeze %dma_start3A_158 : memref<1x1x1x100xi32, #tpu.memory_space<vmem>> -> memref<100xi32, #tpu.memory_space<vmem>>
    %dma_start3A_160 = arith.constant 0 : i32
    %dma_start3A_161 = arith.constant 0 : i32
    %dma_start3A_162 = tpu.memref_slice %arg5[%dma_start3A_160, %dma_start3A_161] : memref<10000x64xf32, #tpu.memory_space<hbm>> -> memref<10000x64xf32, #tpu.memory_space<hbm>>
    tpu.enqueue_indirect_dma source(%dma_start3A_162 : memref<10000x64xf32, #tpu.memory_space<hbm>>) target(%dma_start3A_156 : memref<100x64xf32, #tpu.memory_space<vmem>>) offsets(%dma_start3A_159 : memref<100xi32, #tpu.memory_space<vmem>>) semaphore(%arg20 : memref<!tpu.dma_semaphore, #tpu.memory_space<semaphore_mem>>)
    %dma_start3A_163 = arith.constant 0 : i32
    %dma_start3A_164 = arith.constant 1 : i32
    %dma_start3A_165 = arith.constant 0 : i32
    %dma_start3A_166 = arith.constant 0 : i32
    %dma_start3A_167 = arith.constant 0 : i32
    %dma_start3A_168 = tpu.memref_slice %arg11[%dma_start3A_166, %dma_start3A_167] : memref<200x64xf32, #tpu.memory_space<vmem>> -> memref<100x64xf32, #tpu.memory_space<vmem>>
    %dma_start3A_169 = arith.constant 0 : i32
    %dma_start3A_170 = tpu.memref_slice %arg8[%dma_start3A_163, %dma_start3A_164, %dma_start3A_165, %dma_start3A_169] : memref<2x16x2x100xi32, #tpu.memory_space<vmem>> -> memref<1x1x1x100xi32, #tpu.memory_space<vmem>>
    %dma_start3A_171 = tpu.memref_squeeze %dma_start3A_170 : memref<1x1x1x100xi32, #tpu.memory_space<vmem>> -> memref<100xi32, #tpu.memory_space<vmem>>
    %dma_start3A_172 = arith.constant 0 : i32
    %dma_start3A_173 = arith.constant 0 : i32
    %dma_start3A_174 = tpu.memref_slice %arg4[%dma_start3A_172, %dma_start3A_173] : memref<1000000x64xf32, #tpu.memory_space<hbm>> -> memref<1000000x64xf32, #tpu.memory_space<hbm>>
    tpu.enqueue_indirect_dma source(%dma_start3A_174 : memref<1000000x64xf32, #tpu.memory_space<hbm>>) target(%dma_start3A_168 : memref<100x64xf32, #tpu.memory_space<vmem>>) offsets(%dma_start3A_171 : memref<100xi32, #tpu.memory_space<vmem>>) semaphore(%arg21 : memref<!tpu.dma_semaphore, #tpu.memory_space<semaphore_mem>>)
    %dma_start3A_175 = arith.constant 0 : i32
    %dma_start3A_176 = arith.constant 1 : i32
    %dma_start3A_177 = arith.constant 1 : i32
    %dma_start3A_178 = arith.constant 100 : i32
    %dma_start3A_179 = arith.constant 0 : i32
    %dma_start3A_180 = tpu.memref_slice %arg11[%dma_start3A_178, %dma_start3A_179] : memref<200x64xf32, #tpu.memory_space<vmem>> -> memref<100x64xf32, #tpu.memory_space<vmem>>
    %dma_start3A_181 = arith.constant 0 : i32
    %dma_start3A_182 = tpu.memref_slice %arg8[%dma_start3A_175, %dma_start3A_176, %dma_start3A_177, %dma_start3A_181] : memref<2x16x2x100xi32, #tpu.memory_space<vmem>> -> memref<1x1x1x100xi32, #tpu.memory_space<vmem>>
    %dma_start3A_183 = tpu.memref_squeeze %dma_start3A_182 : memref<1x1x1x100xi32, #tpu.memory_space<vmem>> -> memref<100xi32, #tpu.memory_space<vmem>>
    %dma_start3A_184 = arith.constant 0 : i32
    %dma_start3A_185 = arith.constant 0 : i32
    %dma_start3A_186 = tpu.memref_slice %arg4[%dma_start3A_184, %dma_start3A_185] : memref<1000000x64xf32, #tpu.memory_space<hbm>> -> memref<1000000x64xf32, #tpu.memory_space<hbm>>
    tpu.enqueue_indirect_dma source(%dma_start3A_186 : memref<1000000x64xf32, #tpu.memory_space<hbm>>) target(%dma_start3A_180 : memref<100x64xf32, #tpu.memory_space<vmem>>) offsets(%dma_start3A_183 : memref<100xi32, #tpu.memory_space<vmem>>) semaphore(%arg21 : memref<!tpu.dma_semaphore, #tpu.memory_space<semaphore_mem>>)
    %dma_start3A_187 = arith.constant 0 : i32
    %dma_start3A_188 = arith.constant 1 : i32
    %dma_start3A_189 = arith.constant 0 : i32
    %dma_start3A_190 = arith.constant 0 : i32
    %dma_start3A_191 = arith.constant 0 : i32
    %dma_start3A_192 = tpu.memref_slice %arg15[%dma_start3A_190, %dma_start3A_191] : memref<200x64xf32, #tpu.memory_space<vmem>> -> memref<100x64xf32, #tpu.memory_space<vmem>>
    %dma_start3A_193 = arith.constant 0 : i32
    %dma_start3A_194 = tpu.memref_slice %arg9[%dma_start3A_187, %dma_start3A_188, %dma_start3A_189, %dma_start3A_193] : memref<2x16x2x100xi32, #tpu.memory_space<vmem>> -> memref<1x1x1x100xi32, #tpu.memory_space<vmem>>
    %dma_start3A_195 = tpu.memref_squeeze %dma_start3A_194 : memref<1x1x1x100xi32, #tpu.memory_space<vmem>> -> memref<100xi32, #tpu.memory_space<vmem>>
    %dma_start3A_196 = arith.constant 0 : i32
    %dma_start3A_197 = arith.constant 0 : i32
    %dma_start3A_198 = tpu.memref_slice %arg5[%dma_start3A_196, %dma_start3A_197] : memref<10000x64xf32, #tpu.memory_space<hbm>> -> memref<10000x64xf32, #tpu.memory_space<hbm>>
    tpu.enqueue_indirect_dma source(%dma_start3A_198 : memref<10000x64xf32, #tpu.memory_space<hbm>>) target(%dma_start3A_192 : memref<100x64xf32, #tpu.memory_space<vmem>>) offsets(%dma_start3A_195 : memref<100xi32, #tpu.memory_space<vmem>>) semaphore(%arg21 : memref<!tpu.dma_semaphore, #tpu.memory_space<semaphore_mem>>)
    %dma_start3A_199 = arith.constant 0 : i32
    %dma_start3A_200 = arith.constant 1 : i32
    %dma_start3A_201 = arith.constant 1 : i32
    %dma_start3A_202 = arith.constant 100 : i32
    %dma_start3A_203 = arith.constant 0 : i32
    %dma_start3A_204 = tpu.memref_slice %arg15[%dma_start3A_202, %dma_start3A_203] : memref<200x64xf32, #tpu.memory_space<vmem>> -> memref<100x64xf32, #tpu.memory_space<vmem>>
    %dma_start3A_205 = arith.constant 0 : i32
    %dma_start3A_206 = tpu.memref_slice %arg9[%dma_start3A_199, %dma_start3A_200, %dma_start3A_201, %dma_start3A_205] : memref<2x16x2x100xi32, #tpu.memory_space<vmem>> -> memref<1x1x1x100xi32, #tpu.memory_space<vmem>>
    %dma_start3A_207 = tpu.memref_squeeze %dma_start3A_206 : memref<1x1x1x100xi32, #tpu.memory_space<vmem>> -> memref<100xi32, #tpu.memory_space<vmem>>
    %dma_start3A_208 = arith.constant 0 : i32
    %dma_start3A_209 = arith.constant 0 : i32
    %dma_start3A_210 = tpu.memref_slice %arg5[%dma_start3A_208, %dma_start3A_209] : memref<10000x64xf32, #tpu.memory_space<hbm>> -> memref<10000x64xf32, #tpu.memory_space<hbm>>
    tpu.enqueue_indirect_dma source(%dma_start3A_210 : memref<10000x64xf32, #tpu.memory_space<hbm>>) target(%dma_start3A_204 : memref<100x64xf32, #tpu.memory_space<vmem>>) offsets(%dma_start3A_207 : memref<100xi32, #tpu.memory_space<vmem>>) semaphore(%arg21 : memref<!tpu.dma_semaphore, #tpu.memory_space<semaphore_mem>>)
    %scan3A = arith.constant 0 : i32
    %scan3A_211 = arith.constant 0 : i32
    %scan3A_212 = arith.constant 32 : i32
    %scan3A_213 = arith.addi %scan3A_211, %scan3A_212 : i32
    %scan3A_214 = arith.constant 1 : i32
    scf.for %scan3A_234 = %scan3A_211 to %scan3A_213 step %scan3A_214  : i32 {
      %mul3A_235 = arith.constant 4 : i32
      %mul3A_236 = arith.muli %scan3A_234, %mul3A_235 : i32
      %add3A_237 = arith.constant 0 : i32
      %add3A_238 = arith.addi %mul3A_236, %add3A_237 : i32
      %add3A_239 = arith.constant 2 : i32
      %add3A_240 = arith.addi %add3A_238, %add3A_239 : i32
      %ge3A = arith.constant 2 : i32
      %ge3A_241 = arith.cmpi sge, %add3A_238, %ge3A : i32
      %convert_element_type3A = arith.extui %ge3A_241 : i1 to i32
      %cond3A = arith.constant 0 : i32
      %cond3A_242 = arith.cmpi ne, %convert_element_type3A, %cond3A : i32
      scf.if %cond3A_242 {
        %dma_wait3A_719 = arith.constant 0 : i32
        %dma_wait3A_720 = arith.constant 0 : i32
        %dma_wait3A_721 = arith.constant 0 : i32
        %dma_wait3A_722 = tpu.memref_slice %arg7[%dma_wait3A_719, %dma_wait3A_720, %dma_wait3A_721] : memref<4096x200x64xf32, #tpu.memory_space<hbm>> -> memref<1x200x64xf32, #tpu.memory_space<hbm>>
        %dma_wait3A_723 = tpu.memref_squeeze %dma_wait3A_722 : memref<1x200x64xf32, #tpu.memory_space<hbm>> -> memref<200x64xf32, #tpu.memory_space<hbm>>
        %dma_wait3A_724 = arith.constant 0 : i32
        %dma_wait3A_725 = arith.constant 0 : i32
        %dma_wait3A_726 = tpu.memref_slice %arg7[%dma_wait3A_719, %dma_wait3A_724, %dma_wait3A_725] : memref<4096x200x64xf32, #tpu.memory_space<hbm>> -> memref<1x200x64xf32, #tpu.memory_space<hbm>>
        %dma_wait3A_727 = tpu.memref_squeeze %dma_wait3A_726 : memref<1x200x64xf32, #tpu.memory_space<hbm>> -> memref<200x64xf32, #tpu.memory_space<hbm>>
        tpu.wait_dma2 semaphore(%arg26 : memref<!tpu.dma_semaphore, #tpu.memory_space<semaphore_mem>>) src(%arg12 : memref<200x64xf32, #tpu.memory_space<vmem>>) dst(%dma_wait3A_727 : memref<200x64xf32, #tpu.memory_space<hbm>>)
      } else {
      }
      %jit3A = arith.constant 16 : i32
      %eq3A = arith.constant 0 : i32
      %eq3A_243 = arith.cmpi eq, %jit3A, %eq3A : i32
      %jit3A_244 = arith.constant 1 : i32
      %select_n3A = arith.select %eq3A_243, %jit3A_244, %jit3A : i32
      %rem3A = arith.remsi %add3A_240, %select_n3A : i32
      %ne3A = arith.constant 0 : i32
      %ne3A_245 = arith.cmpi ne, %rem3A, %ne3A : i32
      %lt3A = arith.constant 0 : i32
      %lt3A_246 = arith.cmpi slt, %rem3A, %lt3A : i32
      %lt3A_247 = arith.constant 0 : i32
      %lt3A_248 = arith.cmpi slt, %select_n3A, %lt3A_247 : i32
      %ne3A_249 = arith.xori %lt3A_246, %lt3A_248 : i1
      %and3A = arith.andi %ne3A_249, %ne3A_245 : i1
      %add3A_250 = arith.addi %rem3A, %select_n3A : i32
      %select_n3A_251 = arith.select %and3A, %add3A_250, %rem3A : i32
      %eq3A_252 = arith.constant 0 : i32
      %eq3A_253 = arith.cmpi eq, %select_n3A_251, %eq3A_252 : i32
      %le3A = arith.constant 125 : i32
      %le3A_254 = arith.cmpi sle, %add3A_238, %le3A : i32
      %and3A_255 = arith.andi %eq3A_253, %le3A_254 : i1
      %convert_element_type3A_256 = arith.extui %and3A_255 : i1 to i32
      %cond3A_257 = arith.constant 0 : i32
      %cond3A_258 = arith.cmpi ne, %convert_element_type3A_256, %cond3A_257 : i32
      scf.if %cond3A_258 {
        %dma_wait3A_719 = arith.constant 0 : i32
        %dma_wait3A_720 = arith.constant 0 : i32
        %dma_wait3A_721 = arith.constant 0 : i32
        %dma_wait3A_722 = arith.constant 0 : i32
        %dma_wait3A_723 = tpu.memref_slice %arg8[%dma_wait3A_719, %dma_wait3A_720, %dma_wait3A_721, %dma_wait3A_722] : memref<2x16x2x100xi32, #tpu.memory_space<vmem>> -> memref<1x16x2x100xi32, #tpu.memory_space<vmem>>
        %dma_wait3A_724 = tpu.memref_squeeze %dma_wait3A_723 : memref<1x16x2x100xi32, #tpu.memory_space<vmem>> -> memref<16x2x100xi32, #tpu.memory_space<vmem>>
        %dma_wait3A_725 = arith.constant 0 : i32
        %dma_wait3A_726 = arith.constant 0 : i32
        %dma_wait3A_727 = arith.constant 0 : i32
        %dma_wait3A_728 = tpu.memref_slice %arg2[%dma_wait3A_725, %dma_wait3A_726, %dma_wait3A_727] : memref<4096x2x100xi32, #tpu.memory_space<hbm>> -> memref<16x2x100xi32, #tpu.memory_space<hbm>>
        %dma_wait3A_729 = arith.constant 0 : i32
        %dma_wait3A_730 = arith.constant 0 : i32
        %dma_wait3A_731 = arith.constant 0 : i32
        %dma_wait3A_732 = tpu.memref_slice %arg8[%dma_wait3A_719, %dma_wait3A_729, %dma_wait3A_730, %dma_wait3A_731] : memref<2x16x2x100xi32, #tpu.memory_space<vmem>> -> memref<1x16x2x100xi32, #tpu.memory_space<vmem>>
        %dma_wait3A_733 = tpu.memref_squeeze %dma_wait3A_732 : memref<1x16x2x100xi32, #tpu.memory_space<vmem>> -> memref<16x2x100xi32, #tpu.memory_space<vmem>>
        %dma_wait3A_734 = arith.constant 0 : i32
        %dma_wait3A_735 = arith.constant 0 : i32
        %dma_wait3A_736 = arith.constant 0 : i32
        %dma_wait3A_737 = tpu.memref_slice %arg2[%dma_wait3A_734, %dma_wait3A_735, %dma_wait3A_736] : memref<4096x2x100xi32, #tpu.memory_space<hbm>> -> memref<16x2x100xi32, #tpu.memory_space<hbm>>
        tpu.wait_dma2 semaphore(%arg19 : memref<!tpu.dma_semaphore, #tpu.memory_space<semaphore_mem>>) src(%dma_wait3A_737 : memref<16x2x100xi32, #tpu.memory_space<hbm>>) dst(%dma_wait3A_733 : memref<16x2x100xi32, #tpu.memory_space<vmem>>)
        %dma_wait3A_738 = arith.constant 0 : i32
        %dma_wait3A_739 = arith.constant 0 : i32
        %dma_wait3A_740 = arith.constant 0 : i32
        %dma_wait3A_741 = arith.constant 0 : i32
        %dma_wait3A_742 = tpu.memref_slice %arg9[%dma_wait3A_738, %dma_wait3A_739, %dma_wait3A_740, %dma_wait3A_741] : memref<2x16x2x100xi32, #tpu.memory_space<vmem>> -> memref<1x16x2x100xi32, #tpu.memory_space<vmem>>
        %dma_wait3A_743 = tpu.memref_squeeze %dma_wait3A_742 : memref<1x16x2x100xi32, #tpu.memory_space<vmem>> -> memref<16x2x100xi32, #tpu.memory_space<vmem>>
        %dma_wait3A_744 = arith.constant 0 : i32
        %dma_wait3A_745 = arith.constant 0 : i32
        %dma_wait3A_746 = arith.constant 0 : i32
        %dma_wait3A_747 = tpu.memref_slice %arg3[%dma_wait3A_744, %dma_wait3A_745, %dma_wait3A_746] : memref<4096x2x100xi32, #tpu.memory_space<hbm>> -> memref<16x2x100xi32, #tpu.memory_space<hbm>>
        %dma_wait3A_748 = arith.constant 0 : i32
        %dma_wait3A_749 = arith.constant 0 : i32
        %dma_wait3A_750 = arith.constant 0 : i32
        %dma_wait3A_751 = tpu.memref_slice %arg9[%dma_wait3A_738, %dma_wait3A_748, %dma_wait3A_749, %dma_wait3A_750] : memref<2x16x2x100xi32, #tpu.memory_space<vmem>> -> memref<1x16x2x100xi32, #tpu.memory_space<vmem>>
        %dma_wait3A_752 = tpu.memref_squeeze %dma_wait3A_751 : memref<1x16x2x100xi32, #tpu.memory_space<vmem>> -> memref<16x2x100xi32, #tpu.memory_space<vmem>>
        %dma_wait3A_753 = arith.constant 0 : i32
        %dma_wait3A_754 = arith.constant 0 : i32
        %dma_wait3A_755 = arith.constant 0 : i32
        %dma_wait3A_756 = tpu.memref_slice %arg3[%dma_wait3A_753, %dma_wait3A_754, %dma_wait3A_755] : memref<4096x2x100xi32, #tpu.memory_space<hbm>> -> memref<16x2x100xi32, #tpu.memory_space<hbm>>
        tpu.wait_dma2 semaphore(%arg19 : memref<!tpu.dma_semaphore, #tpu.memory_space<semaphore_mem>>) src(%dma_wait3A_756 : memref<16x2x100xi32, #tpu.memory_space<hbm>>) dst(%dma_wait3A_752 : memref<16x2x100xi32, #tpu.memory_space<vmem>>)
      } else {
      }
      %le3A_259 = arith.constant 125 : i32
      %le3A_260 = arith.cmpi sle, %add3A_238, %le3A_259 : i32
      %convert_element_type3A_261 = arith.extui %le3A_260 : i1 to i32
      %cond3A_262 = arith.constant 0 : i32
      %cond3A_263 = arith.cmpi ne, %convert_element_type3A_261, %cond3A_262 : i32
      scf.if %cond3A_263 {
        %jit3A_719 = arith.constant 16 : i32
        %div3A = arith.divsi %add3A_240, %jit3A_719 : i32
        %sign3A = arith.constant 0 : i32
        %sign3A_720 = arith.cmpi sgt, %add3A_240, %sign3A : i32
        %sign3A_721 = arith.extui %sign3A_720 : i1 to i32
        %sign3A_722 = arith.constant 0 : i32
        %sign3A_723 = arith.cmpi slt, %add3A_240, %sign3A_722 : i32
        %sign3A_724 = arith.extui %sign3A_723 : i1 to i32
        %sign3A_725 = arith.subi %sign3A_721, %sign3A_724 : i32
        %sign3A_726 = arith.constant 0 : i32
        %sign3A_727 = arith.cmpi sgt, %jit3A_719, %sign3A_726 : i32
        %sign3A_728 = arith.extui %sign3A_727 : i1 to i32
        %sign3A_729 = arith.constant 0 : i32
        %sign3A_730 = arith.cmpi slt, %jit3A_719, %sign3A_729 : i32
        %sign3A_731 = arith.extui %sign3A_730 : i1 to i32
        %sign3A_732 = arith.subi %sign3A_728, %sign3A_731 : i32
        %ne3A_733 = arith.cmpi ne, %sign3A_725, %sign3A_732 : i32
        %rem3A_734 = arith.remsi %add3A_240, %jit3A_719 : i32
        %ne3A_735 = arith.constant 0 : i32
        %ne3A_736 = arith.cmpi ne, %rem3A_734, %ne3A_735 : i32
        %and3A_737 = arith.andi %ne3A_733, %ne3A_736 : i1
        %sub3A = arith.constant 1 : i32
        %sub3A_738 = arith.subi %div3A, %sub3A : i32
        %select_n3A_739 = arith.select %and3A_737, %sub3A_738, %div3A : i32
        %jit3A_740 = arith.constant 2 : i32
        %eq3A_741 = arith.constant 0 : i32
        %eq3A_742 = arith.cmpi eq, %jit3A_740, %eq3A_741 : i32
        %jit3A_743 = arith.constant 1 : i32
        %select_n3A_744 = arith.select %eq3A_742, %jit3A_743, %jit3A_740 : i32
        %rem3A_745 = arith.remsi %select_n3A_739, %select_n3A_744 : i32
        %ne3A_746 = arith.constant 0 : i32
        %ne3A_747 = arith.cmpi ne, %rem3A_745, %ne3A_746 : i32
        %lt3A_748 = arith.constant 0 : i32
        %lt3A_749 = arith.cmpi slt, %rem3A_745, %lt3A_748 : i32
        %lt3A_750 = arith.constant 0 : i32
        %lt3A_751 = arith.cmpi slt, %select_n3A_744, %lt3A_750 : i32
        %ne3A_752 = arith.xori %lt3A_749, %lt3A_751 : i1
        %and3A_753 = arith.andi %ne3A_752, %ne3A_747 : i1
        %add3A_754 = arith.addi %rem3A_745, %select_n3A_744 : i32
        %select_n3A_755 = arith.select %and3A_753, %add3A_754, %rem3A_745 : i32
        %jit3A_756 = arith.constant 16 : i32
        %eq3A_757 = arith.constant 0 : i32
        %eq3A_758 = arith.cmpi eq, %jit3A_756, %eq3A_757 : i32
        %jit3A_759 = arith.constant 1 : i32
        %select_n3A_760 = arith.select %eq3A_758, %jit3A_759, %jit3A_756 : i32
        %rem3A_761 = arith.remsi %add3A_240, %select_n3A_760 : i32
        %ne3A_762 = arith.constant 0 : i32
        %ne3A_763 = arith.cmpi ne, %rem3A_761, %ne3A_762 : i32
        %lt3A_764 = arith.constant 0 : i32
        %lt3A_765 = arith.cmpi slt, %rem3A_761, %lt3A_764 : i32
        %lt3A_766 = arith.constant 0 : i32
        %lt3A_767 = arith.cmpi slt, %select_n3A_760, %lt3A_766 : i32
        %ne3A_768 = arith.xori %lt3A_765, %lt3A_767 : i1
        %and3A_769 = arith.andi %ne3A_768, %ne3A_763 : i1
        %add3A_770 = arith.addi %rem3A_761, %select_n3A_760 : i32
        %select_n3A_771 = arith.select %and3A_769, %add3A_770, %rem3A_761 : i32
        %dma_start3A_772 = arith.constant 0 : i32
        %dma_start3A_773 = arith.constant 0 : i32
        %dma_start3A_774 = arith.constant 0 : i32
        %dma_start3A_775 = tpu.memref_slice %arg12[%dma_start3A_773, %dma_start3A_774] : memref<200x64xf32, #tpu.memory_space<vmem>> -> memref<100x64xf32, #tpu.memory_space<vmem>>
        %dma_start3A_776 = arith.constant 0 : i32
        %dma_start3A_777 = tpu.memref_slice %arg8[%select_n3A_755, %select_n3A_771, %dma_start3A_772, %dma_start3A_776] : memref<2x16x2x100xi32, #tpu.memory_space<vmem>> -> memref<1x1x1x100xi32, #tpu.memory_space<vmem>>
        %dma_start3A_778 = tpu.memref_squeeze %dma_start3A_777 : memref<1x1x1x100xi32, #tpu.memory_space<vmem>> -> memref<100xi32, #tpu.memory_space<vmem>>
        %dma_start3A_779 = arith.constant 0 : i32
        %dma_start3A_780 = arith.constant 0 : i32
        %dma_start3A_781 = tpu.memref_slice %arg4[%dma_start3A_779, %dma_start3A_780] : memref<1000000x64xf32, #tpu.memory_space<hbm>> -> memref<1000000x64xf32, #tpu.memory_space<hbm>>
        tpu.enqueue_indirect_dma source(%dma_start3A_781 : memref<1000000x64xf32, #tpu.memory_space<hbm>>) target(%dma_start3A_775 : memref<100x64xf32, #tpu.memory_space<vmem>>) offsets(%dma_start3A_778 : memref<100xi32, #tpu.memory_space<vmem>>) semaphore(%arg22 : memref<!tpu.dma_semaphore, #tpu.memory_space<semaphore_mem>>)
        %dma_start3A_782 = arith.constant 1 : i32
        %dma_start3A_783 = arith.constant 100 : i32
        %dma_start3A_784 = arith.constant 0 : i32
        %dma_start3A_785 = tpu.memref_slice %arg12[%dma_start3A_783, %dma_start3A_784] : memref<200x64xf32, #tpu.memory_space<vmem>> -> memref<100x64xf32, #tpu.memory_space<vmem>>
        %dma_start3A_786 = arith.constant 0 : i32
        %dma_start3A_787 = tpu.memref_slice %arg8[%select_n3A_755, %select_n3A_771, %dma_start3A_782, %dma_start3A_786] : memref<2x16x2x100xi32, #tpu.memory_space<vmem>> -> memref<1x1x1x100xi32, #tpu.memory_space<vmem>>
        %dma_start3A_788 = tpu.memref_squeeze %dma_start3A_787 : memref<1x1x1x100xi32, #tpu.memory_space<vmem>> -> memref<100xi32, #tpu.memory_space<vmem>>
        %dma_start3A_789 = arith.constant 0 : i32
        %dma_start3A_790 = arith.constant 0 : i32
        %dma_start3A_791 = tpu.memref_slice %arg4[%dma_start3A_789, %dma_start3A_790] : memref<1000000x64xf32, #tpu.memory_space<hbm>> -> memref<1000000x64xf32, #tpu.memory_space<hbm>>
        tpu.enqueue_indirect_dma source(%dma_start3A_791 : memref<1000000x64xf32, #tpu.memory_space<hbm>>) target(%dma_start3A_785 : memref<100x64xf32, #tpu.memory_space<vmem>>) offsets(%dma_start3A_788 : memref<100xi32, #tpu.memory_space<vmem>>) semaphore(%arg22 : memref<!tpu.dma_semaphore, #tpu.memory_space<semaphore_mem>>)
        %dma_start3A_792 = arith.constant 0 : i32
        %dma_start3A_793 = arith.constant 0 : i32
        %dma_start3A_794 = arith.constant 0 : i32
        %dma_start3A_795 = tpu.memref_slice %arg16[%dma_start3A_793, %dma_start3A_794] : memref<200x64xf32, #tpu.memory_space<vmem>> -> memref<100x64xf32, #tpu.memory_space<vmem>>
        %dma_start3A_796 = arith.constant 0 : i32
        %dma_start3A_797 = tpu.memref_slice %arg9[%select_n3A_755, %select_n3A_771, %dma_start3A_792, %dma_start3A_796] : memref<2x16x2x100xi32, #tpu.memory_space<vmem>> -> memref<1x1x1x100xi32, #tpu.memory_space<vmem>>
        %dma_start3A_798 = tpu.memref_squeeze %dma_start3A_797 : memref<1x1x1x100xi32, #tpu.memory_space<vmem>> -> memref<100xi32, #tpu.memory_space<vmem>>
        %dma_start3A_799 = arith.constant 0 : i32
        %dma_start3A_800 = arith.constant 0 : i32
        %dma_start3A_801 = tpu.memref_slice %arg5[%dma_start3A_799, %dma_start3A_800] : memref<10000x64xf32, #tpu.memory_space<hbm>> -> memref<10000x64xf32, #tpu.memory_space<hbm>>
        tpu.enqueue_indirect_dma source(%dma_start3A_801 : memref<10000x64xf32, #tpu.memory_space<hbm>>) target(%dma_start3A_795 : memref<100x64xf32, #tpu.memory_space<vmem>>) offsets(%dma_start3A_798 : memref<100xi32, #tpu.memory_space<vmem>>) semaphore(%arg22 : memref<!tpu.dma_semaphore, #tpu.memory_space<semaphore_mem>>)
        %dma_start3A_802 = arith.constant 1 : i32
        %dma_start3A_803 = arith.constant 100 : i32
        %dma_start3A_804 = arith.constant 0 : i32
        %dma_start3A_805 = tpu.memref_slice %arg16[%dma_start3A_803, %dma_start3A_804] : memref<200x64xf32, #tpu.memory_space<vmem>> -> memref<100x64xf32, #tpu.memory_space<vmem>>
        %dma_start3A_806 = arith.constant 0 : i32
        %dma_start3A_807 = tpu.memref_slice %arg9[%select_n3A_755, %select_n3A_771, %dma_start3A_802, %dma_start3A_806] : memref<2x16x2x100xi32, #tpu.memory_space<vmem>> -> memref<1x1x1x100xi32, #tpu.memory_space<vmem>>
        %dma_start3A_808 = tpu.memref_squeeze %dma_start3A_807 : memref<1x1x1x100xi32, #tpu.memory_space<vmem>> -> memref<100xi32, #tpu.memory_space<vmem>>
        %dma_start3A_809 = arith.constant 0 : i32
        %dma_start3A_810 = arith.constant 0 : i32
        %dma_start3A_811 = tpu.memref_slice %arg5[%dma_start3A_809, %dma_start3A_810] : memref<10000x64xf32, #tpu.memory_space<hbm>> -> memref<10000x64xf32, #tpu.memory_space<hbm>>
        tpu.enqueue_indirect_dma source(%dma_start3A_811 : memref<10000x64xf32, #tpu.memory_space<hbm>>) target(%dma_start3A_805 : memref<100x64xf32, #tpu.memory_space<vmem>>) offsets(%dma_start3A_808 : memref<100xi32, #tpu.memory_space<vmem>>) semaphore(%arg22 : memref<!tpu.dma_semaphore, #tpu.memory_space<semaphore_mem>>)
      } else {
      }
      %dma_wait3A_264 = arith.constant 0 : i32
      %dma_wait3A_265 = arith.constant 0 : i32
      %dma_wait3A_266 = arith.constant 0 : i32
      %dma_wait3A_267 = arith.constant 0 : i32
      %dma_wait3A_268 = arith.constant 0 : i32
      %dma_wait3A_269 = tpu.memref_slice %arg10[%dma_wait3A_267, %dma_wait3A_268] : memref<200x64xf32, #tpu.memory_space<vmem>> -> memref<100x64xf32, #tpu.memory_space<vmem>>
      %dma_wait3A_270 = arith.constant 0 : i32
      %dma_wait3A_271 = tpu.memref_slice %arg8[%dma_wait3A_264, %dma_wait3A_265, %dma_wait3A_266, %dma_wait3A_270] : memref<2x16x2x100xi32, #tpu.memory_space<vmem>> -> memref<1x1x1x100xi32, #tpu.memory_space<vmem>>
      %dma_wait3A_272 = tpu.memref_squeeze %dma_wait3A_271 : memref<1x1x1x100xi32, #tpu.memory_space<vmem>> -> memref<100xi32, #tpu.memory_space<vmem>>
      %dma_wait3A_273 = arith.constant 0 : i32
      %dma_wait3A_274 = arith.constant 0 : i32
      %dma_wait3A_275 = tpu.memref_slice %arg4[%dma_wait3A_273, %dma_wait3A_274] : memref<1000000x64xf32, #tpu.memory_space<hbm>> -> memref<1000000x64xf32, #tpu.memory_space<hbm>>
      tpu.wait_indirect_dma semaphore(%arg20 : memref<!tpu.dma_semaphore, #tpu.memory_space<semaphore_mem>>) src(%dma_wait3A_275 : memref<1000000x64xf32, #tpu.memory_space<hbm>>) dst(%dma_wait3A_269 : memref<100x64xf32, #tpu.memory_space<vmem>>)
      %dma_wait3A_276 = arith.constant 0 : i32
      %dma_wait3A_277 = arith.constant 0 : i32
      %dma_wait3A_278 = arith.constant 1 : i32
      %dma_wait3A_279 = arith.constant 100 : i32
      %dma_wait3A_280 = arith.constant 0 : i32
      %dma_wait3A_281 = tpu.memref_slice %arg10[%dma_wait3A_279, %dma_wait3A_280] : memref<200x64xf32, #tpu.memory_space<vmem>> -> memref<100x64xf32, #tpu.memory_space<vmem>>
      %dma_wait3A_282 = arith.constant 0 : i32
      %dma_wait3A_283 = tpu.memref_slice %arg8[%dma_wait3A_276, %dma_wait3A_277, %dma_wait3A_278, %dma_wait3A_282] : memref<2x16x2x100xi32, #tpu.memory_space<vmem>> -> memref<1x1x1x100xi32, #tpu.memory_space<vmem>>
      %dma_wait3A_284 = tpu.memref_squeeze %dma_wait3A_283 : memref<1x1x1x100xi32, #tpu.memory_space<vmem>> -> memref<100xi32, #tpu.memory_space<vmem>>
      %dma_wait3A_285 = arith.constant 0 : i32
      %dma_wait3A_286 = arith.constant 0 : i32
      %dma_wait3A_287 = tpu.memref_slice %arg4[%dma_wait3A_285, %dma_wait3A_286] : memref<1000000x64xf32, #tpu.memory_space<hbm>> -> memref<1000000x64xf32, #tpu.memory_space<hbm>>
      tpu.wait_indirect_dma semaphore(%arg20 : memref<!tpu.dma_semaphore, #tpu.memory_space<semaphore_mem>>) src(%dma_wait3A_287 : memref<1000000x64xf32, #tpu.memory_space<hbm>>) dst(%dma_wait3A_281 : memref<100x64xf32, #tpu.memory_space<vmem>>)
      %dma_wait3A_288 = arith.constant 0 : i32
      %dma_wait3A_289 = arith.constant 0 : i32
      %dma_wait3A_290 = arith.constant 0 : i32
      %dma_wait3A_291 = arith.constant 0 : i32
      %dma_wait3A_292 = arith.constant 0 : i32
      %dma_wait3A_293 = tpu.memref_slice %arg14[%dma_wait3A_291, %dma_wait3A_292] : memref<200x64xf32, #tpu.memory_space<vmem>> -> memref<100x64xf32, #tpu.memory_space<vmem>>
      %dma_wait3A_294 = arith.constant 0 : i32
      %dma_wait3A_295 = tpu.memref_slice %arg9[%dma_wait3A_288, %dma_wait3A_289, %dma_wait3A_290, %dma_wait3A_294] : memref<2x16x2x100xi32, #tpu.memory_space<vmem>> -> memref<1x1x1x100xi32, #tpu.memory_space<vmem>>
      %dma_wait3A_296 = tpu.memref_squeeze %dma_wait3A_295 : memref<1x1x1x100xi32, #tpu.memory_space<vmem>> -> memref<100xi32, #tpu.memory_space<vmem>>
      %dma_wait3A_297 = arith.constant 0 : i32
      %dma_wait3A_298 = arith.constant 0 : i32
      %dma_wait3A_299 = tpu.memref_slice %arg5[%dma_wait3A_297, %dma_wait3A_298] : memref<10000x64xf32, #tpu.memory_space<hbm>> -> memref<10000x64xf32, #tpu.memory_space<hbm>>
      tpu.wait_indirect_dma semaphore(%arg20 : memref<!tpu.dma_semaphore, #tpu.memory_space<semaphore_mem>>) src(%dma_wait3A_299 : memref<10000x64xf32, #tpu.memory_space<hbm>>) dst(%dma_wait3A_293 : memref<100x64xf32, #tpu.memory_space<vmem>>)
      %dma_wait3A_300 = arith.constant 0 : i32
      %dma_wait3A_301 = arith.constant 0 : i32
      %dma_wait3A_302 = arith.constant 1 : i32
      %dma_wait3A_303 = arith.constant 100 : i32
      %dma_wait3A_304 = arith.constant 0 : i32
      %dma_wait3A_305 = tpu.memref_slice %arg14[%dma_wait3A_303, %dma_wait3A_304] : memref<200x64xf32, #tpu.memory_space<vmem>> -> memref<100x64xf32, #tpu.memory_space<vmem>>
      %dma_wait3A_306 = arith.constant 0 : i32
      %dma_wait3A_307 = tpu.memref_slice %arg9[%dma_wait3A_300, %dma_wait3A_301, %dma_wait3A_302, %dma_wait3A_306] : memref<2x16x2x100xi32, #tpu.memory_space<vmem>> -> memref<1x1x1x100xi32, #tpu.memory_space<vmem>>
      %dma_wait3A_308 = tpu.memref_squeeze %dma_wait3A_307 : memref<1x1x1x100xi32, #tpu.memory_space<vmem>> -> memref<100xi32, #tpu.memory_space<vmem>>
      %dma_wait3A_309 = arith.constant 0 : i32
      %dma_wait3A_310 = arith.constant 0 : i32
      %dma_wait3A_311 = tpu.memref_slice %arg5[%dma_wait3A_309, %dma_wait3A_310] : memref<10000x64xf32, #tpu.memory_space<hbm>> -> memref<10000x64xf32, #tpu.memory_space<hbm>>
      tpu.wait_indirect_dma semaphore(%arg20 : memref<!tpu.dma_semaphore, #tpu.memory_space<semaphore_mem>>) src(%dma_wait3A_311 : memref<10000x64xf32, #tpu.memory_space<hbm>>) dst(%dma_wait3A_305 : memref<100x64xf32, #tpu.memory_space<vmem>>)
      %jit3A_312 = arith.constant 16 : i32
      %eq3A_313 = arith.constant 0 : i32
      %eq3A_314 = arith.cmpi eq, %jit3A_312, %eq3A_313 : i32
      %jit3A_315 = arith.constant 1 : i32
      %select_n3A_316 = arith.select %eq3A_314, %jit3A_315, %jit3A_312 : i32
      %rem3A_317 = arith.remsi %add3A_238, %select_n3A_316 : i32
      %ne3A_318 = arith.constant 0 : i32
      %ne3A_319 = arith.cmpi ne, %rem3A_317, %ne3A_318 : i32
      %lt3A_320 = arith.constant 0 : i32
      %lt3A_321 = arith.cmpi slt, %rem3A_317, %lt3A_320 : i32
      %lt3A_322 = arith.constant 0 : i32
      %lt3A_323 = arith.cmpi slt, %select_n3A_316, %lt3A_322 : i32
      %ne3A_324 = arith.xori %lt3A_321, %lt3A_323 : i1
      %and3A_325 = arith.andi %ne3A_324, %ne3A_319 : i1
      %add3A_326 = arith.addi %rem3A_317, %select_n3A_316 : i32
      %select_n3A_327 = arith.select %and3A_325, %add3A_326, %rem3A_317 : i32
      %eq3A_328 = arith.constant 15 : i32
      %eq3A_329 = arith.cmpi eq, %select_n3A_327, %eq3A_328 : i32
      %le3A_330 = arith.constant 110 : i32
      %le3A_331 = arith.cmpi sle, %add3A_238, %le3A_330 : i32
      %and3A_332 = arith.andi %eq3A_329, %le3A_331 : i1
      %convert_element_type3A_333 = arith.extui %and3A_332 : i1 to i32
      %cond3A_334 = arith.constant 0 : i32
      %cond3A_335 = arith.cmpi ne, %convert_element_type3A_333, %cond3A_334 : i32
      scf.if %cond3A_335 {
        %add3A_719 = arith.constant 1 : i32
        %add3A_720 = arith.addi %add3A_238, %add3A_719 : i32
        %jit3A_721 = arith.constant 16 : i32
        %div3A = arith.divsi %add3A_720, %jit3A_721 : i32
        %sign3A = arith.constant 0 : i32
        %sign3A_722 = arith.cmpi sgt, %add3A_720, %sign3A : i32
        %sign3A_723 = arith.extui %sign3A_722 : i1 to i32
        %sign3A_724 = arith.constant 0 : i32
        %sign3A_725 = arith.cmpi slt, %add3A_720, %sign3A_724 : i32
        %sign3A_726 = arith.extui %sign3A_725 : i1 to i32
        %sign3A_727 = arith.subi %sign3A_723, %sign3A_726 : i32
        %sign3A_728 = arith.constant 0 : i32
        %sign3A_729 = arith.cmpi sgt, %jit3A_721, %sign3A_728 : i32
        %sign3A_730 = arith.extui %sign3A_729 : i1 to i32
        %sign3A_731 = arith.constant 0 : i32
        %sign3A_732 = arith.cmpi slt, %jit3A_721, %sign3A_731 : i32
        %sign3A_733 = arith.extui %sign3A_732 : i1 to i32
        %sign3A_734 = arith.subi %sign3A_730, %sign3A_733 : i32
        %ne3A_735 = arith.cmpi ne, %sign3A_727, %sign3A_734 : i32
        %rem3A_736 = arith.remsi %add3A_720, %jit3A_721 : i32
        %ne3A_737 = arith.constant 0 : i32
        %ne3A_738 = arith.cmpi ne, %rem3A_736, %ne3A_737 : i32
        %and3A_739 = arith.andi %ne3A_735, %ne3A_738 : i1
        %sub3A = arith.constant 1 : i32
        %sub3A_740 = arith.subi %div3A, %sub3A : i32
        %select_n3A_741 = arith.select %and3A_739, %sub3A_740, %div3A : i32
        %add3A_742 = arith.constant 1 : i32
        %add3A_743 = arith.addi %select_n3A_741, %add3A_742 : i32
        %jit3A_744 = arith.constant 2 : i32
        %eq3A_745 = arith.constant 0 : i32
        %eq3A_746 = arith.cmpi eq, %jit3A_744, %eq3A_745 : i32
        %jit3A_747 = arith.constant 1 : i32
        %select_n3A_748 = arith.select %eq3A_746, %jit3A_747, %jit3A_744 : i32
        %rem3A_749 = arith.remsi %add3A_743, %select_n3A_748 : i32
        %ne3A_750 = arith.constant 0 : i32
        %ne3A_751 = arith.cmpi ne, %rem3A_749, %ne3A_750 : i32
        %lt3A_752 = arith.constant 0 : i32
        %lt3A_753 = arith.cmpi slt, %rem3A_749, %lt3A_752 : i32
        %lt3A_754 = arith.constant 0 : i32
        %lt3A_755 = arith.cmpi slt, %select_n3A_748, %lt3A_754 : i32
        %ne3A_756 = arith.xori %lt3A_753, %lt3A_755 : i1
        %and3A_757 = arith.andi %ne3A_756, %ne3A_751 : i1
        %add3A_758 = arith.addi %rem3A_749, %select_n3A_748 : i32
        %select_n3A_759 = arith.select %and3A_757, %add3A_758, %rem3A_749 : i32
        %mul3A_760 = arith.constant 16 : i32
        %mul3A_761 = arith.muli %add3A_743, %mul3A_760 : i32
        %add3A_762 = arith.addi %mul3A_2, %mul3A_761 : i32
        %dma_start3A_763 = arith.constant 0 : i32
        %dma_start3A_764 = arith.constant 0 : i32
        %dma_start3A_765 = arith.constant 0 : i32
        %dma_start3A_766 = tpu.memref_slice %arg8[%select_n3A_759, %dma_start3A_763, %dma_start3A_764, %dma_start3A_765] : memref<2x16x2x100xi32, #tpu.memory_space<vmem>> -> memref<1x16x2x100xi32, #tpu.memory_space<vmem>>
        %dma_start3A_767 = tpu.memref_squeeze %dma_start3A_766 : memref<1x16x2x100xi32, #tpu.memory_space<vmem>> -> memref<16x2x100xi32, #tpu.memory_space<vmem>>
        %dma_start3A_768 = arith.constant 0 : i32
        %dma_start3A_769 = arith.constant 0 : i32
        %dma_start3A_770 = tpu.memref_slice %arg2[%add3A_762, %dma_start3A_768, %dma_start3A_769] : memref<4096x2x100xi32, #tpu.memory_space<hbm>> -> memref<16x2x100xi32, #tpu.memory_space<hbm>>
        %dma_start3A_771 = arith.constant 0 : i32
        %dma_start3A_772 = arith.constant 0 : i32
        %dma_start3A_773 = arith.constant 0 : i32
        %dma_start3A_774 = tpu.memref_slice %arg8[%select_n3A_759, %dma_start3A_771, %dma_start3A_772, %dma_start3A_773] : memref<2x16x2x100xi32, #tpu.memory_space<vmem>> -> memref<1x16x2x100xi32, #tpu.memory_space<vmem>>
        %dma_start3A_775 = tpu.memref_squeeze %dma_start3A_774 : memref<1x16x2x100xi32, #tpu.memory_space<vmem>> -> memref<16x2x100xi32, #tpu.memory_space<vmem>>
        %dma_start3A_776 = arith.constant 0 : i32
        %dma_start3A_777 = arith.constant 0 : i32
        %dma_start3A_778 = tpu.memref_slice %arg2[%add3A_762, %dma_start3A_776, %dma_start3A_777] : memref<4096x2x100xi32, #tpu.memory_space<hbm>> -> memref<16x2x100xi32, #tpu.memory_space<hbm>>
        tpu.enqueue_dma source(%dma_start3A_778 : memref<16x2x100xi32, #tpu.memory_space<hbm>>) target(%dma_start3A_775 : memref<16x2x100xi32, #tpu.memory_space<vmem>>) target_semaphore(%arg19 : memref<!tpu.dma_semaphore, #tpu.memory_space<semaphore_mem>>)
        %mul3A_779 = arith.constant 16 : i32
        %mul3A_780 = arith.muli %add3A_743, %mul3A_779 : i32
        %add3A_781 = arith.addi %mul3A_2, %mul3A_780 : i32
        %dma_start3A_782 = arith.constant 0 : i32
        %dma_start3A_783 = arith.constant 0 : i32
        %dma_start3A_784 = arith.constant 0 : i32
        %dma_start3A_785 = tpu.memref_slice %arg9[%select_n3A_759, %dma_start3A_782, %dma_start3A_783, %dma_start3A_784] : memref<2x16x2x100xi32, #tpu.memory_space<vmem>> -> memref<1x16x2x100xi32, #tpu.memory_space<vmem>>
        %dma_start3A_786 = tpu.memref_squeeze %dma_start3A_785 : memref<1x16x2x100xi32, #tpu.memory_space<vmem>> -> memref<16x2x100xi32, #tpu.memory_space<vmem>>
        %dma_start3A_787 = arith.constant 0 : i32
        %dma_start3A_788 = arith.constant 0 : i32
        %dma_start3A_789 = tpu.memref_slice %arg3[%add3A_781, %dma_start3A_787, %dma_start3A_788] : memref<4096x2x100xi32, #tpu.memory_space<hbm>> -> memref<16x2x100xi32, #tpu.memory_space<hbm>>
        %dma_start3A_790 = arith.constant 0 : i32
        %dma_start3A_791 = arith.constant 0 : i32
        %dma_start3A_792 = arith.constant 0 : i32
        %dma_start3A_793 = tpu.memref_slice %arg9[%select_n3A_759, %dma_start3A_790, %dma_start3A_791, %dma_start3A_792] : memref<2x16x2x100xi32, #tpu.memory_space<vmem>> -> memref<1x16x2x100xi32, #tpu.memory_space<vmem>>
        %dma_start3A_794 = tpu.memref_squeeze %dma_start3A_793 : memref<1x16x2x100xi32, #tpu.memory_space<vmem>> -> memref<16x2x100xi32, #tpu.memory_space<vmem>>
        %dma_start3A_795 = arith.constant 0 : i32
        %dma_start3A_796 = arith.constant 0 : i32
        %dma_start3A_797 = tpu.memref_slice %arg3[%add3A_781, %dma_start3A_795, %dma_start3A_796] : memref<4096x2x100xi32, #tpu.memory_space<hbm>> -> memref<16x2x100xi32, #tpu.memory_space<hbm>>
        tpu.enqueue_dma source(%dma_start3A_797 : memref<16x2x100xi32, #tpu.memory_space<hbm>>) target(%dma_start3A_794 : memref<16x2x100xi32, #tpu.memory_space<vmem>>) target_semaphore(%arg19 : memref<!tpu.dma_semaphore, #tpu.memory_space<semaphore_mem>>)
      } else {
      }
      %parallel_loop3A = arith.constant 0 : i32
      %parallel_loop3A_336 = arith.constant 200 : i32
      %parallel_loop3A_337 = arith.constant 1 : i32
      scf.for %parallel_loop3A_719 = %parallel_loop3A to %parallel_loop3A_336 step %parallel_loop3A_337  : i32 {
        %parallel_loop3A_720 = arith.index_cast %parallel_loop3A_719 : i32 to index
        %parallel_loop3A_721 = arith.constant 0 : index
        %parallel_loop3A_722 = tpu.vector_load %arg14[%parallel_loop3A_720, %parallel_loop3A_721] {strides = array<i32>} : memref<200x64xf32, #tpu.memory_space<vmem>>, vector<1x16xf32>,
        %parallel_loop3A_723 = vector.shape_cast %parallel_loop3A_722 : vector<1x16xf32> to vector<16xf32>
        %parallel_loop3A_724 = arith.index_cast %parallel_loop3A_719 : i32 to index
        %parallel_loop3A_725 = arith.constant 0 : index
        %parallel_loop3A_726 = tpu.vector_load %arg18[%parallel_loop3A_724, %parallel_loop3A_725] {strides = array<i32>} : memref<200x64xf32, #tpu.memory_space<vmem>>, vector<1x16xf32>,
        %parallel_loop3A_727 = vector.shape_cast %parallel_loop3A_726 : vector<1x16xf32> to vector<16xf32>
        %parallel_loop3A_728 = arith.addf %parallel_loop3A_723, %parallel_loop3A_727 : vector<16xf32>
        %parallel_loop3A_729 = arith.index_cast %parallel_loop3A_719 : i32 to index
        %parallel_loop3A_730 = arith.constant 0 : index
        %parallel_loop3A_731 = tpu.vector_load %arg10[%parallel_loop3A_729, %parallel_loop3A_730] {strides = array<i32>} : memref<200x64xf32, #tpu.memory_space<vmem>>, vector<1x16xf32>,
        %parallel_loop3A_732 = vector.shape_cast %parallel_loop3A_731 : vector<1x16xf32> to vector<16xf32>
        %parallel_loop3A_733 = vector.shape_cast %parallel_loop3A_728 : vector<16xf32> to vector<1x16xf32>
        tpu.vector_store %arg10[%parallel_loop3A_729, %parallel_loop3A_730], %parallel_loop3A_733 {add = true, strides = array<i32>} : memref<200x64xf32, #tpu.memory_space<vmem>>, vector<1x16xf32>,
        %parallel_loop3A_734 = arith.index_cast %parallel_loop3A_719 : i32 to index
        %parallel_loop3A_735 = arith.constant 16 : index
        %parallel_loop3A_736 = tpu.vector_load %arg14[%parallel_loop3A_734, %parallel_loop3A_735] {strides = array<i32>} : memref<200x64xf32, #tpu.memory_space<vmem>>, vector<1x16xf32>,
        %parallel_loop3A_737 = vector.shape_cast %parallel_loop3A_736 : vector<1x16xf32> to vector<16xf32>
        %parallel_loop3A_738 = arith.index_cast %parallel_loop3A_719 : i32 to index
        %parallel_loop3A_739 = arith.constant 16 : index
        %parallel_loop3A_740 = tpu.vector_load %arg18[%parallel_loop3A_738, %parallel_loop3A_739] {strides = array<i32>} : memref<200x64xf32, #tpu.memory_space<vmem>>, vector<1x16xf32>,
        %parallel_loop3A_741 = vector.shape_cast %parallel_loop3A_740 : vector<1x16xf32> to vector<16xf32>
        %parallel_loop3A_742 = arith.addf %parallel_loop3A_737, %parallel_loop3A_741 : vector<16xf32>
        %parallel_loop3A_743 = arith.index_cast %parallel_loop3A_719 : i32 to index
        %parallel_loop3A_744 = arith.constant 16 : index
        %parallel_loop3A_745 = tpu.vector_load %arg10[%parallel_loop3A_743, %parallel_loop3A_744] {strides = array<i32>} : memref<200x64xf32, #tpu.memory_space<vmem>>, vector<1x16xf32>,
        %parallel_loop3A_746 = vector.shape_cast %parallel_loop3A_745 : vector<1x16xf32> to vector<16xf32>
        %parallel_loop3A_747 = vector.shape_cast %parallel_loop3A_742 : vector<16xf32> to vector<1x16xf32>
        tpu.vector_store %arg10[%parallel_loop3A_743, %parallel_loop3A_744], %parallel_loop3A_747 {add = true, strides = array<i32>} : memref<200x64xf32, #tpu.memory_space<vmem>>, vector<1x16xf32>,
        %parallel_loop3A_748 = arith.index_cast %parallel_loop3A_719 : i32 to index
        %parallel_loop3A_749 = arith.constant 32 : index
        %parallel_loop3A_750 = tpu.vector_load %arg14[%parallel_loop3A_748, %parallel_loop3A_749] {strides = array<i32>} : memref<200x64xf32, #tpu.memory_space<vmem>>, vector<1x16xf32>,
        %parallel_loop3A_751 = vector.shape_cast %parallel_loop3A_750 : vector<1x16xf32> to vector<16xf32>
        %parallel_loop3A_752 = arith.index_cast %parallel_loop3A_719 : i32 to index
        %parallel_loop3A_753 = arith.constant 32 : index
        %parallel_loop3A_754 = tpu.vector_load %arg18[%parallel_loop3A_752, %parallel_loop3A_753] {strides = array<i32>} : memref<200x64xf32, #tpu.memory_space<vmem>>, vector<1x16xf32>,
        %parallel_loop3A_755 = vector.shape_cast %parallel_loop3A_754 : vector<1x16xf32> to vector<16xf32>
        %parallel_loop3A_756 = arith.addf %parallel_loop3A_751, %parallel_loop3A_755 : vector<16xf32>
        %parallel_loop3A_757 = arith.index_cast %parallel_loop3A_719 : i32 to index
        %parallel_loop3A_758 = arith.constant 32 : index
        %parallel_loop3A_759 = tpu.vector_load %arg10[%parallel_loop3A_757, %parallel_loop3A_758] {strides = array<i32>} : memref<200x64xf32, #tpu.memory_space<vmem>>, vector<1x16xf32>,
        %parallel_loop3A_760 = vector.shape_cast %parallel_loop3A_759 : vector<1x16xf32> to vector<16xf32>
        %parallel_loop3A_761 = vector.shape_cast %parallel_loop3A_756 : vector<16xf32> to vector<1x16xf32>
        tpu.vector_store %arg10[%parallel_loop3A_757, %parallel_loop3A_758], %parallel_loop3A_761 {add = true, strides = array<i32>} : memref<200x64xf32, #tpu.memory_space<vmem>>, vector<1x16xf32>,
        %parallel_loop3A_762 = arith.index_cast %parallel_loop3A_719 : i32 to index
        %parallel_loop3A_763 = arith.constant 48 : index
        %parallel_loop3A_764 = tpu.vector_load %arg14[%parallel_loop3A_762, %parallel_loop3A_763] {strides = array<i32>} : memref<200x64xf32, #tpu.memory_space<vmem>>, vector<1x16xf32>,
        %parallel_loop3A_765 = vector.shape_cast %parallel_loop3A_764 : vector<1x16xf32> to vector<16xf32>
        %parallel_loop3A_766 = arith.index_cast %parallel_loop3A_719 : i32 to index
        %parallel_loop3A_767 = arith.constant 48 : index
        %parallel_loop3A_768 = tpu.vector_load %arg18[%parallel_loop3A_766, %parallel_loop3A_767] {strides = array<i32>} : memref<200x64xf32, #tpu.memory_space<vmem>>, vector<1x16xf32>,
        %parallel_loop3A_769 = vector.shape_cast %parallel_loop3A_768 : vector<1x16xf32> to vector<16xf32>
        %parallel_loop3A_770 = arith.addf %parallel_loop3A_765, %parallel_loop3A_769 : vector<16xf32>
        %parallel_loop3A_771 = arith.index_cast %parallel_loop3A_719 : i32 to index
        %parallel_loop3A_772 = arith.constant 48 : index
        %parallel_loop3A_773 = tpu.vector_load %arg10[%parallel_loop3A_771, %parallel_loop3A_772] {strides = array<i32>} : memref<200x64xf32, #tpu.memory_space<vmem>>, vector<1x16xf32>,
        %parallel_loop3A_774 = vector.shape_cast %parallel_loop3A_773 : vector<1x16xf32> to vector<16xf32>
        %parallel_loop3A_775 = vector.shape_cast %parallel_loop3A_770 : vector<16xf32> to vector<1x16xf32>
        tpu.vector_store %arg10[%parallel_loop3A_771, %parallel_loop3A_772], %parallel_loop3A_775 {add = true, strides = array<i32>} : memref<200x64xf32, #tpu.memory_space<vmem>>, vector<1x16xf32>,
      } {sc.loop_unroll_factor = 2 : i64, sc.parallel_access}
      %add3A_338 = arith.addi %mul3A_2, %add3A_238 : i32
      %dma_start3A_339 = arith.constant 0 : i32
      %dma_start3A_340 = arith.constant 0 : i32
      %dma_start3A_341 = tpu.memref_slice %arg7[%add3A_338, %dma_start3A_339, %dma_start3A_340] : memref<4096x200x64xf32, #tpu.memory_space<hbm>> -> memref<1x200x64xf32, #tpu.memory_space<hbm>>
      %dma_start3A_342 = tpu.memref_squeeze %dma_start3A_341 : memref<1x200x64xf32, #tpu.memory_space<hbm>> -> memref<200x64xf32, #tpu.memory_space<hbm>>
      %dma_start3A_343 = arith.constant 0 : i32
      %dma_start3A_344 = arith.constant 0 : i32
      %dma_start3A_345 = tpu.memref_slice %arg7[%add3A_338, %dma_start3A_343, %dma_start3A_344] : memref<4096x200x64xf32, #tpu.memory_space<hbm>> -> memref<1x200x64xf32, #tpu.memory_space<hbm>>
      %dma_start3A_346 = tpu.memref_squeeze %dma_start3A_345 : memref<1x200x64xf32, #tpu.memory_space<hbm>> -> memref<200x64xf32, #tpu.memory_space<hbm>>
      tpu.enqueue_dma source(%arg10 : memref<200x64xf32, #tpu.memory_space<vmem>>) target(%dma_start3A_346 : memref<200x64xf32, #tpu.memory_space<hbm>>) target_semaphore(%arg24 : memref<!tpu.dma_semaphore, #tpu.memory_space<semaphore_mem>>)
      %mul3A_347 = arith.constant 4 : i32
      %mul3A_348 = arith.muli %scan3A_234, %mul3A_347 : i32
      %add3A_349 = arith.constant 1 : i32
      %add3A_350 = arith.addi %mul3A_348, %add3A_349 : i32
      %add3A_351 = arith.constant 2 : i32
      %add3A_352 = arith.addi %add3A_350, %add3A_351 : i32
      %ge3A_353 = arith.constant 2 : i32
      %ge3A_354 = arith.cmpi sge, %add3A_350, %ge3A_353 : i32
      %convert_element_type3A_355 = arith.extui %ge3A_354 : i1 to i32
      %cond3A_356 = arith.constant 0 : i32
      %cond3A_357 = arith.cmpi ne, %convert_element_type3A_355, %cond3A_356 : i32
      scf.if %cond3A_357 {
        %dma_wait3A_719 = arith.constant 0 : i32
        %dma_wait3A_720 = arith.constant 0 : i32
        %dma_wait3A_721 = arith.constant 0 : i32
        %dma_wait3A_722 = tpu.memref_slice %arg7[%dma_wait3A_719, %dma_wait3A_720, %dma_wait3A_721] : memref<4096x200x64xf32, #tpu.memory_space<hbm>> -> memref<1x200x64xf32, #tpu.memory_space<hbm>>
        %dma_wait3A_723 = tpu.memref_squeeze %dma_wait3A_722 : memref<1x200x64xf32, #tpu.memory_space<hbm>> -> memref<200x64xf32, #tpu.memory_space<hbm>>
        %dma_wait3A_724 = arith.constant 0 : i32
        %dma_wait3A_725 = arith.constant 0 : i32
        %dma_wait3A_726 = tpu.memref_slice %arg7[%dma_wait3A_719, %dma_wait3A_724, %dma_wait3A_725] : memref<4096x200x64xf32, #tpu.memory_space<hbm>> -> memref<1x200x64xf32, #tpu.memory_space<hbm>>
        %dma_wait3A_727 = tpu.memref_squeeze %dma_wait3A_726 : memref<1x200x64xf32, #tpu.memory_space<hbm>> -> memref<200x64xf32, #tpu.memory_space<hbm>>
        tpu.wait_dma2 semaphore(%arg27 : memref<!tpu.dma_semaphore, #tpu.memory_space<semaphore_mem>>) src(%arg13 : memref<200x64xf32, #tpu.memory_space<vmem>>) dst(%dma_wait3A_727 : memref<200x64xf32, #tpu.memory_space<hbm>>)
      } else {
      }
      %jit3A_358 = arith.constant 16 : i32
      %eq3A_359 = arith.constant 0 : i32
      %eq3A_360 = arith.cmpi eq, %jit3A_358, %eq3A_359 : i32
      %jit3A_361 = arith.constant 1 : i32
      %select_n3A_362 = arith.select %eq3A_360, %jit3A_361, %jit3A_358 : i32
      %rem3A_363 = arith.remsi %add3A_352, %select_n3A_362 : i32
      %ne3A_364 = arith.constant 0 : i32
      %ne3A_365 = arith.cmpi ne, %rem3A_363, %ne3A_364 : i32
      %lt3A_366 = arith.constant 0 : i32
      %lt3A_367 = arith.cmpi slt, %rem3A_363, %lt3A_366 : i32
      %lt3A_368 = arith.constant 0 : i32
      %lt3A_369 = arith.cmpi slt, %select_n3A_362, %lt3A_368 : i32
      %ne3A_370 = arith.xori %lt3A_367, %lt3A_369 : i1
      %and3A_371 = arith.andi %ne3A_370, %ne3A_365 : i1
      %add3A_372 = arith.addi %rem3A_363, %select_n3A_362 : i32
      %select_n3A_373 = arith.select %and3A_371, %add3A_372, %rem3A_363 : i32
      %eq3A_374 = arith.constant 0 : i32
      %eq3A_375 = arith.cmpi eq, %select_n3A_373, %eq3A_374 : i32
      %le3A_376 = arith.constant 125 : i32
      %le3A_377 = arith.cmpi sle, %add3A_350, %le3A_376 : i32
      %and3A_378 = arith.andi %eq3A_375, %le3A_377 : i1
      %convert_element_type3A_379 = arith.extui %and3A_378 : i1 to i32
      %cond3A_380 = arith.constant 0 : i32
      %cond3A_381 = arith.cmpi ne, %convert_element_type3A_379, %cond3A_380 : i32
      scf.if %cond3A_381 {
        %dma_wait3A_719 = arith.constant 0 : i32
        %dma_wait3A_720 = arith.constant 0 : i32
        %dma_wait3A_721 = arith.constant 0 : i32
        %dma_wait3A_722 = arith.constant 0 : i32
        %dma_wait3A_723 = tpu.memref_slice %arg8[%dma_wait3A_719, %dma_wait3A_720, %dma_wait3A_721, %dma_wait3A_722] : memref<2x16x2x100xi32, #tpu.memory_space<vmem>> -> memref<1x16x2x100xi32, #tpu.memory_space<vmem>>
        %dma_wait3A_724 = tpu.memref_squeeze %dma_wait3A_723 : memref<1x16x2x100xi32, #tpu.memory_space<vmem>> -> memref<16x2x100xi32, #tpu.memory_space<vmem>>
        %dma_wait3A_725 = arith.constant 0 : i32
        %dma_wait3A_726 = arith.constant 0 : i32
        %dma_wait3A_727 = arith.constant 0 : i32
        %dma_wait3A_728 = tpu.memref_slice %arg2[%dma_wait3A_725, %dma_wait3A_726, %dma_wait3A_727] : memref<4096x2x100xi32, #tpu.memory_space<hbm>> -> memref<16x2x100xi32, #tpu.memory_space<hbm>>
        %dma_wait3A_729 = arith.constant 0 : i32
        %dma_wait3A_730 = arith.constant 0 : i32
        %dma_wait3A_731 = arith.constant 0 : i32
        %dma_wait3A_732 = tpu.memref_slice %arg8[%dma_wait3A_719, %dma_wait3A_729, %dma_wait3A_730, %dma_wait3A_731] : memref<2x16x2x100xi32, #tpu.memory_space<vmem>> -> memref<1x16x2x100xi32, #tpu.memory_space<vmem>>
        %dma_wait3A_733 = tpu.memref_squeeze %dma_wait3A_732 : memref<1x16x2x100xi32, #tpu.memory_space<vmem>> -> memref<16x2x100xi32, #tpu.memory_space<vmem>>
        %dma_wait3A_734 = arith.constant 0 : i32
        %dma_wait3A_735 = arith.constant 0 : i32
        %dma_wait3A_736 = arith.constant 0 : i32
        %dma_wait3A_737 = tpu.memref_slice %arg2[%dma_wait3A_734, %dma_wait3A_735, %dma_wait3A_736] : memref<4096x2x100xi32, #tpu.memory_space<hbm>> -> memref<16x2x100xi32, #tpu.memory_space<hbm>>
        tpu.wait_dma2 semaphore(%arg19 : memref<!tpu.dma_semaphore, #tpu.memory_space<semaphore_mem>>) src(%dma_wait3A_737 : memref<16x2x100xi32, #tpu.memory_space<hbm>>) dst(%dma_wait3A_733 : memref<16x2x100xi32, #tpu.memory_space<vmem>>)
        %dma_wait3A_738 = arith.constant 0 : i32
        %dma_wait3A_739 = arith.constant 0 : i32
        %dma_wait3A_740 = arith.constant 0 : i32
        %dma_wait3A_741 = arith.constant 0 : i32
        %dma_wait3A_742 = tpu.memref_slice %arg9[%dma_wait3A_738, %dma_wait3A_739, %dma_wait3A_740, %dma_wait3A_741] : memref<2x16x2x100xi32, #tpu.memory_space<vmem>> -> memref<1x16x2x100xi32, #tpu.memory_space<vmem>>
        %dma_wait3A_743 = tpu.memref_squeeze %dma_wait3A_742 : memref<1x16x2x100xi32, #tpu.memory_space<vmem>> -> memref<16x2x100xi32, #tpu.memory_space<vmem>>
        %dma_wait3A_744 = arith.constant 0 : i32
        %dma_wait3A_745 = arith.constant 0 : i32
        %dma_wait3A_746 = arith.constant 0 : i32
        %dma_wait3A_747 = tpu.memref_slice %arg3[%dma_wait3A_744, %dma_wait3A_745, %dma_wait3A_746] : memref<4096x2x100xi32, #tpu.memory_space<hbm>> -> memref<16x2x100xi32, #tpu.memory_space<hbm>>
        %dma_wait3A_748 = arith.constant 0 : i32
        %dma_wait3A_749 = arith.constant 0 : i32
        %dma_wait3A_750 = arith.constant 0 : i32
        %dma_wait3A_751 = tpu.memref_slice %arg9[%dma_wait3A_738, %dma_wait3A_748, %dma_wait3A_749, %dma_wait3A_750] : memref<2x16x2x100xi32, #tpu.memory_space<vmem>> -> memref<1x16x2x100xi32, #tpu.memory_space<vmem>>
        %dma_wait3A_752 = tpu.memref_squeeze %dma_wait3A_751 : memref<1x16x2x100xi32, #tpu.memory_space<vmem>> -> memref<16x2x100xi32, #tpu.memory_space<vmem>>
        %dma_wait3A_753 = arith.constant 0 : i32
        %dma_wait3A_754 = arith.constant 0 : i32
        %dma_wait3A_755 = arith.constant 0 : i32
        %dma_wait3A_756 = tpu.memref_slice %arg3[%dma_wait3A_753, %dma_wait3A_754, %dma_wait3A_755] : memref<4096x2x100xi32, #tpu.memory_space<hbm>> -> memref<16x2x100xi32, #tpu.memory_space<hbm>>
        tpu.wait_dma2 semaphore(%arg19 : memref<!tpu.dma_semaphore, #tpu.memory_space<semaphore_mem>>) src(%dma_wait3A_756 : memref<16x2x100xi32, #tpu.memory_space<hbm>>) dst(%dma_wait3A_752 : memref<16x2x100xi32, #tpu.memory_space<vmem>>)
      } else {
      }
      %le3A_382 = arith.constant 125 : i32
      %le3A_383 = arith.cmpi sle, %add3A_350, %le3A_382 : i32
      %convert_element_type3A_384 = arith.extui %le3A_383 : i1 to i32
      %cond3A_385 = arith.constant 0 : i32
      %cond3A_386 = arith.cmpi ne, %convert_element_type3A_384, %cond3A_385 : i32
      scf.if %cond3A_386 {
        %jit3A_719 = arith.constant 16 : i32
        %div3A = arith.divsi %add3A_352, %jit3A_719 : i32
        %sign3A = arith.constant 0 : i32
        %sign3A_720 = arith.cmpi sgt, %add3A_352, %sign3A : i32
        %sign3A_721 = arith.extui %sign3A_720 : i1 to i32
        %sign3A_722 = arith.constant 0 : i32
        %sign3A_723 = arith.cmpi slt, %add3A_352, %sign3A_722 : i32
        %sign3A_724 = arith.extui %sign3A_723 : i1 to i32
        %sign3A_725 = arith.subi %sign3A_721, %sign3A_724 : i32
        %sign3A_726 = arith.constant 0 : i32
        %sign3A_727 = arith.cmpi sgt, %jit3A_719, %sign3A_726 : i32
        %sign3A_728 = arith.extui %sign3A_727 : i1 to i32
        %sign3A_729 = arith.constant 0 : i32
        %sign3A_730 = arith.cmpi slt, %jit3A_719, %sign3A_729 : i32
        %sign3A_731 = arith.extui %sign3A_730 : i1 to i32
        %sign3A_732 = arith.subi %sign3A_728, %sign3A_731 : i32
        %ne3A_733 = arith.cmpi ne, %sign3A_725, %sign3A_732 : i32
        %rem3A_734 = arith.remsi %add3A_352, %jit3A_719 : i32
        %ne3A_735 = arith.constant 0 : i32
        %ne3A_736 = arith.cmpi ne, %rem3A_734, %ne3A_735 : i32
        %and3A_737 = arith.andi %ne3A_733, %ne3A_736 : i1
        %sub3A = arith.constant 1 : i32
        %sub3A_738 = arith.subi %div3A, %sub3A : i32
        %select_n3A_739 = arith.select %and3A_737, %sub3A_738, %div3A : i32
        %jit3A_740 = arith.constant 2 : i32
        %eq3A_741 = arith.constant 0 : i32
        %eq3A_742 = arith.cmpi eq, %jit3A_740, %eq3A_741 : i32
        %jit3A_743 = arith.constant 1 : i32
        %select_n3A_744 = arith.select %eq3A_742, %jit3A_743, %jit3A_740 : i32
        %rem3A_745 = arith.remsi %select_n3A_739, %select_n3A_744 : i32
        %ne3A_746 = arith.constant 0 : i32
        %ne3A_747 = arith.cmpi ne, %rem3A_745, %ne3A_746 : i32
        %lt3A_748 = arith.constant 0 : i32
        %lt3A_749 = arith.cmpi slt, %rem3A_745, %lt3A_748 : i32
        %lt3A_750 = arith.constant 0 : i32
        %lt3A_751 = arith.cmpi slt, %select_n3A_744, %lt3A_750 : i32
        %ne3A_752 = arith.xori %lt3A_749, %lt3A_751 : i1
        %and3A_753 = arith.andi %ne3A_752, %ne3A_747 : i1
        %add3A_754 = arith.addi %rem3A_745, %select_n3A_744 : i32
        %select_n3A_755 = arith.select %and3A_753, %add3A_754, %rem3A_745 : i32
        %jit3A_756 = arith.constant 16 : i32
        %eq3A_757 = arith.constant 0 : i32
        %eq3A_758 = arith.cmpi eq, %jit3A_756, %eq3A_757 : i32
        %jit3A_759 = arith.constant 1 : i32
        %select_n3A_760 = arith.select %eq3A_758, %jit3A_759, %jit3A_756 : i32
        %rem3A_761 = arith.remsi %add3A_352, %select_n3A_760 : i32
        %ne3A_762 = arith.constant 0 : i32
        %ne3A_763 = arith.cmpi ne, %rem3A_761, %ne3A_762 : i32
        %lt3A_764 = arith.constant 0 : i32
        %lt3A_765 = arith.cmpi slt, %rem3A_761, %lt3A_764 : i32
        %lt3A_766 = arith.constant 0 : i32
        %lt3A_767 = arith.cmpi slt, %select_n3A_760, %lt3A_766 : i32
        %ne3A_768 = arith.xori %lt3A_765, %lt3A_767 : i1
        %and3A_769 = arith.andi %ne3A_768, %ne3A_763 : i1
        %add3A_770 = arith.addi %rem3A_761, %select_n3A_760 : i32
        %select_n3A_771 = arith.select %and3A_769, %add3A_770, %rem3A_761 : i32
        %dma_start3A_772 = arith.constant 0 : i32
        %dma_start3A_773 = arith.constant 0 : i32
        %dma_start3A_774 = arith.constant 0 : i32
        %dma_start3A_775 = tpu.memref_slice %arg13[%dma_start3A_773, %dma_start3A_774] : memref<200x64xf32, #tpu.memory_space<vmem>> -> memref<100x64xf32, #tpu.memory_space<vmem>>
        %dma_start3A_776 = arith.constant 0 : i32
        %dma_start3A_777 = tpu.memref_slice %arg8[%select_n3A_755, %select_n3A_771, %dma_start3A_772, %dma_start3A_776] : memref<2x16x2x100xi32, #tpu.memory_space<vmem>> -> memref<1x1x1x100xi32, #tpu.memory_space<vmem>>
        %dma_start3A_778 = tpu.memref_squeeze %dma_start3A_777 : memref<1x1x1x100xi32, #tpu.memory_space<vmem>> -> memref<100xi32, #tpu.memory_space<vmem>>
        %dma_start3A_779 = arith.constant 0 : i32
        %dma_start3A_780 = arith.constant 0 : i32
        %dma_start3A_781 = tpu.memref_slice %arg4[%dma_start3A_779, %dma_start3A_780] : memref<1000000x64xf32, #tpu.memory_space<hbm>> -> memref<1000000x64xf32, #tpu.memory_space<hbm>>
        tpu.enqueue_indirect_dma source(%dma_start3A_781 : memref<1000000x64xf32, #tpu.memory_space<hbm>>) target(%dma_start3A_775 : memref<100x64xf32, #tpu.memory_space<vmem>>) offsets(%dma_start3A_778 : memref<100xi32, #tpu.memory_space<vmem>>) semaphore(%arg23 : memref<!tpu.dma_semaphore, #tpu.memory_space<semaphore_mem>>)
        %dma_start3A_782 = arith.constant 1 : i32
        %dma_start3A_783 = arith.constant 100 : i32
        %dma_start3A_784 = arith.constant 0 : i32
        %dma_start3A_785 = tpu.memref_slice %arg13[%dma_start3A_783, %dma_start3A_784] : memref<200x64xf32, #tpu.memory_space<vmem>> -> memref<100x64xf32, #tpu.memory_space<vmem>>
        %dma_start3A_786 = arith.constant 0 : i32
        %dma_start3A_787 = tpu.memref_slice %arg8[%select_n3A_755, %select_n3A_771, %dma_start3A_782, %dma_start3A_786] : memref<2x16x2x100xi32, #tpu.memory_space<vmem>> -> memref<1x1x1x100xi32, #tpu.memory_space<vmem>>
        %dma_start3A_788 = tpu.memref_squeeze %dma_start3A_787 : memref<1x1x1x100xi32, #tpu.memory_space<vmem>> -> memref<100xi32, #tpu.memory_space<vmem>>
        %dma_start3A_789 = arith.constant 0 : i32
        %dma_start3A_790 = arith.constant 0 : i32
        %dma_start3A_791 = tpu.memref_slice %arg4[%dma_start3A_789, %dma_start3A_790] : memref<1000000x64xf32, #tpu.memory_space<hbm>> -> memref<1000000x64xf32, #tpu.memory_space<hbm>>
        tpu.enqueue_indirect_dma source(%dma_start3A_791 : memref<1000000x64xf32, #tpu.memory_space<hbm>>) target(%dma_start3A_785 : memref<100x64xf32, #tpu.memory_space<vmem>>) offsets(%dma_start3A_788 : memref<100xi32, #tpu.memory_space<vmem>>) semaphore(%arg23 : memref<!tpu.dma_semaphore, #tpu.memory_space<semaphore_mem>>)
        %dma_start3A_792 = arith.constant 0 : i32
        %dma_start3A_793 = arith.constant 0 : i32
        %dma_start3A_794 = arith.constant 0 : i32
        %dma_start3A_795 = tpu.memref_slice %arg17[%dma_start3A_793, %dma_start3A_794] : memref<200x64xf32, #tpu.memory_space<vmem>> -> memref<100x64xf32, #tpu.memory_space<vmem>>
        %dma_start3A_796 = arith.constant 0 : i32
        %dma_start3A_797 = tpu.memref_slice %arg9[%select_n3A_755, %select_n3A_771, %dma_start3A_792, %dma_start3A_796] : memref<2x16x2x100xi32, #tpu.memory_space<vmem>> -> memref<1x1x1x100xi32, #tpu.memory_space<vmem>>
        %dma_start3A_798 = tpu.memref_squeeze %dma_start3A_797 : memref<1x1x1x100xi32, #tpu.memory_space<vmem>> -> memref<100xi32, #tpu.memory_space<vmem>>
        %dma_start3A_799 = arith.constant 0 : i32
        %dma_start3A_800 = arith.constant 0 : i32
        %dma_start3A_801 = tpu.memref_slice %arg5[%dma_start3A_799, %dma_start3A_800] : memref<10000x64xf32, #tpu.memory_space<hbm>> -> memref<10000x64xf32, #tpu.memory_space<hbm>>
        tpu.enqueue_indirect_dma source(%dma_start3A_801 : memref<10000x64xf32, #tpu.memory_space<hbm>>) target(%dma_start3A_795 : memref<100x64xf32, #tpu.memory_space<vmem>>) offsets(%dma_start3A_798 : memref<100xi32, #tpu.memory_space<vmem>>) semaphore(%arg23 : memref<!tpu.dma_semaphore, #tpu.memory_space<semaphore_mem>>)
        %dma_start3A_802 = arith.constant 1 : i32
        %dma_start3A_803 = arith.constant 100 : i32
        %dma_start3A_804 = arith.constant 0 : i32
        %dma_start3A_805 = tpu.memref_slice %arg17[%dma_start3A_803, %dma_start3A_804] : memref<200x64xf32, #tpu.memory_space<vmem>> -> memref<100x64xf32, #tpu.memory_space<vmem>>
        %dma_start3A_806 = arith.constant 0 : i32
        %dma_start3A_807 = tpu.memref_slice %arg9[%select_n3A_755, %select_n3A_771, %dma_start3A_802, %dma_start3A_806] : memref<2x16x2x100xi32, #tpu.memory_space<vmem>> -> memref<1x1x1x100xi32, #tpu.memory_space<vmem>>
        %dma_start3A_808 = tpu.memref_squeeze %dma_start3A_807 : memref<1x1x1x100xi32, #tpu.memory_space<vmem>> -> memref<100xi32, #tpu.memory_space<vmem>>
        %dma_start3A_809 = arith.constant 0 : i32
        %dma_start3A_810 = arith.constant 0 : i32
        %dma_start3A_811 = tpu.memref_slice %arg5[%dma_start3A_809, %dma_start3A_810] : memref<10000x64xf32, #tpu.memory_space<hbm>> -> memref<10000x64xf32, #tpu.memory_space<hbm>>
        tpu.enqueue_indirect_dma source(%dma_start3A_811 : memref<10000x64xf32, #tpu.memory_space<hbm>>) target(%dma_start3A_805 : memref<100x64xf32, #tpu.memory_space<vmem>>) offsets(%dma_start3A_808 : memref<100xi32, #tpu.memory_space<vmem>>) semaphore(%arg23 : memref<!tpu.dma_semaphore, #tpu.memory_space<semaphore_mem>>)
      } else {
      }
      %dma_wait3A_387 = arith.constant 0 : i32
      %dma_wait3A_388 = arith.constant 0 : i32
      %dma_wait3A_389 = arith.constant 0 : i32
      %dma_wait3A_390 = arith.constant 0 : i32
      %dma_wait3A_391 = arith.constant 0 : i32
      %dma_wait3A_392 = tpu.memref_slice %arg11[%dma_wait3A_390, %dma_wait3A_391] : memref<200x64xf32, #tpu.memory_space<vmem>> -> memref<100x64xf32, #tpu.memory_space<vmem>>
      %dma_wait3A_393 = arith.constant 0 : i32
      %dma_wait3A_394 = tpu.memref_slice %arg8[%dma_wait3A_387, %dma_wait3A_388, %dma_wait3A_389, %dma_wait3A_393] : memref<2x16x2x100xi32, #tpu.memory_space<vmem>> -> memref<1x1x1x100xi32, #tpu.memory_space<vmem>>
      %dma_wait3A_395 = tpu.memref_squeeze %dma_wait3A_394 : memref<1x1x1x100xi32, #tpu.memory_space<vmem>> -> memref<100xi32, #tpu.memory_space<vmem>>
      %dma_wait3A_396 = arith.constant 0 : i32
      %dma_wait3A_397 = arith.constant 0 : i32
      %dma_wait3A_398 = tpu.memref_slice %arg4[%dma_wait3A_396, %dma_wait3A_397] : memref<1000000x64xf32, #tpu.memory_space<hbm>> -> memref<1000000x64xf32, #tpu.memory_space<hbm>>
      tpu.wait_indirect_dma semaphore(%arg21 : memref<!tpu.dma_semaphore, #tpu.memory_space<semaphore_mem>>) src(%dma_wait3A_398 : memref<1000000x64xf32, #tpu.memory_space<hbm>>) dst(%dma_wait3A_392 : memref<100x64xf32, #tpu.memory_space<vmem>>)
      %dma_wait3A_399 = arith.constant 0 : i32
      %dma_wait3A_400 = arith.constant 0 : i32
      %dma_wait3A_401 = arith.constant 1 : i32
      %dma_wait3A_402 = arith.constant 100 : i32
      %dma_wait3A_403 = arith.constant 0 : i32
      %dma_wait3A_404 = tpu.memref_slice %arg11[%dma_wait3A_402, %dma_wait3A_403] : memref<200x64xf32, #tpu.memory_space<vmem>> -> memref<100x64xf32, #tpu.memory_space<vmem>>
      %dma_wait3A_405 = arith.constant 0 : i32
      %dma_wait3A_406 = tpu.memref_slice %arg8[%dma_wait3A_399, %dma_wait3A_400, %dma_wait3A_401, %dma_wait3A_405] : memref<2x16x2x100xi32, #tpu.memory_space<vmem>> -> memref<1x1x1x100xi32, #tpu.memory_space<vmem>>
      %dma_wait3A_407 = tpu.memref_squeeze %dma_wait3A_406 : memref<1x1x1x100xi32, #tpu.memory_space<vmem>> -> memref<100xi32, #tpu.memory_space<vmem>>
      %dma_wait3A_408 = arith.constant 0 : i32
      %dma_wait3A_409 = arith.constant 0 : i32
      %dma_wait3A_410 = tpu.memref_slice %arg4[%dma_wait3A_408, %dma_wait3A_409] : memref<1000000x64xf32, #tpu.memory_space<hbm>> -> memref<1000000x64xf32, #tpu.memory_space<hbm>>
      tpu.wait_indirect_dma semaphore(%arg21 : memref<!tpu.dma_semaphore, #tpu.memory_space<semaphore_mem>>) src(%dma_wait3A_410 : memref<1000000x64xf32, #tpu.memory_space<hbm>>) dst(%dma_wait3A_404 : memref<100x64xf32, #tpu.memory_space<vmem>>)
      %dma_wait3A_411 = arith.constant 0 : i32
      %dma_wait3A_412 = arith.constant 0 : i32
      %dma_wait3A_413 = arith.constant 0 : i32
      %dma_wait3A_414 = arith.constant 0 : i32
      %dma_wait3A_415 = arith.constant 0 : i32
      %dma_wait3A_416 = tpu.memref_slice %arg15[%dma_wait3A_414, %dma_wait3A_415] : memref<200x64xf32, #tpu.memory_space<vmem>> -> memref<100x64xf32, #tpu.memory_space<vmem>>
      %dma_wait3A_417 = arith.constant 0 : i32
      %dma_wait3A_418 = tpu.memref_slice %arg9[%dma_wait3A_411, %dma_wait3A_412, %dma_wait3A_413, %dma_wait3A_417] : memref<2x16x2x100xi32, #tpu.memory_space<vmem>> -> memref<1x1x1x100xi32, #tpu.memory_space<vmem>>
      %dma_wait3A_419 = tpu.memref_squeeze %dma_wait3A_418 : memref<1x1x1x100xi32, #tpu.memory_space<vmem>> -> memref<100xi32, #tpu.memory_space<vmem>>
      %dma_wait3A_420 = arith.constant 0 : i32
      %dma_wait3A_421 = arith.constant 0 : i32
      %dma_wait3A_422 = tpu.memref_slice %arg5[%dma_wait3A_420, %dma_wait3A_421] : memref<10000x64xf32, #tpu.memory_space<hbm>> -> memref<10000x64xf32, #tpu.memory_space<hbm>>
      tpu.wait_indirect_dma semaphore(%arg21 : memref<!tpu.dma_semaphore, #tpu.memory_space<semaphore_mem>>) src(%dma_wait3A_422 : memref<10000x64xf32, #tpu.memory_space<hbm>>) dst(%dma_wait3A_416 : memref<100x64xf32, #tpu.memory_space<vmem>>)
      %dma_wait3A_423 = arith.constant 0 : i32
      %dma_wait3A_424 = arith.constant 0 : i32
      %dma_wait3A_425 = arith.constant 1 : i32
      %dma_wait3A_426 = arith.constant 100 : i32
      %dma_wait3A_427 = arith.constant 0 : i32
      %dma_wait3A_428 = tpu.memref_slice %arg15[%dma_wait3A_426, %dma_wait3A_427] : memref<200x64xf32, #tpu.memory_space<vmem>> -> memref<100x64xf32, #tpu.memory_space<vmem>>
      %dma_wait3A_429 = arith.constant 0 : i32
      %dma_wait3A_430 = tpu.memref_slice %arg9[%dma_wait3A_423, %dma_wait3A_424, %dma_wait3A_425, %dma_wait3A_429] : memref<2x16x2x100xi32, #tpu.memory_space<vmem>> -> memref<1x1x1x100xi32, #tpu.memory_space<vmem>>
      %dma_wait3A_431 = tpu.memref_squeeze %dma_wait3A_430 : memref<1x1x1x100xi32, #tpu.memory_space<vmem>> -> memref<100xi32, #tpu.memory_space<vmem>>
      %dma_wait3A_432 = arith.constant 0 : i32
      %dma_wait3A_433 = arith.constant 0 : i32
      %dma_wait3A_434 = tpu.memref_slice %arg5[%dma_wait3A_432, %dma_wait3A_433] : memref<10000x64xf32, #tpu.memory_space<hbm>> -> memref<10000x64xf32, #tpu.memory_space<hbm>>
      tpu.wait_indirect_dma semaphore(%arg21 : memref<!tpu.dma_semaphore, #tpu.memory_space<semaphore_mem>>) src(%dma_wait3A_434 : memref<10000x64xf32, #tpu.memory_space<hbm>>) dst(%dma_wait3A_428 : memref<100x64xf32, #tpu.memory_space<vmem>>)
      %jit3A_435 = arith.constant 16 : i32
      %eq3A_436 = arith.constant 0 : i32
      %eq3A_437 = arith.cmpi eq, %jit3A_435, %eq3A_436 : i32
      %jit3A_438 = arith.constant 1 : i32
      %select_n3A_439 = arith.select %eq3A_437, %jit3A_438, %jit3A_435 : i32
      %rem3A_440 = arith.remsi %add3A_350, %select_n3A_439 : i32
      %ne3A_441 = arith.constant 0 : i32
      %ne3A_442 = arith.cmpi ne, %rem3A_440, %ne3A_441 : i32
      %lt3A_443 = arith.constant 0 : i32
      %lt3A_444 = arith.cmpi slt, %rem3A_440, %lt3A_443 : i32
      %lt3A_445 = arith.constant 0 : i32
      %lt3A_446 = arith.cmpi slt, %select_n3A_439, %lt3A_445 : i32
      %ne3A_447 = arith.xori %lt3A_444, %lt3A_446 : i1
      %and3A_448 = arith.andi %ne3A_447, %ne3A_442 : i1
      %add3A_449 = arith.addi %rem3A_440, %select_n3A_439 : i32
      %select_n3A_450 = arith.select %and3A_448, %add3A_449, %rem3A_440 : i32
      %eq3A_451 = arith.constant 15 : i32
      %eq3A_452 = arith.cmpi eq, %select_n3A_450, %eq3A_451 : i32
      %le3A_453 = arith.constant 110 : i32
      %le3A_454 = arith.cmpi sle, %add3A_350, %le3A_453 : i32
      %and3A_455 = arith.andi %eq3A_452, %le3A_454 : i1
      %convert_element_type3A_456 = arith.extui %and3A_455 : i1 to i32
      %cond3A_457 = arith.constant 0 : i32
      %cond3A_458 = arith.cmpi ne, %convert_element_type3A_456, %cond3A_457 : i32
      scf.if %cond3A_458 {
        %add3A_719 = arith.constant 1 : i32
        %add3A_720 = arith.addi %add3A_350, %add3A_719 : i32
        %jit3A_721 = arith.constant 16 : i32
        %div3A = arith.divsi %add3A_720, %jit3A_721 : i32
        %sign3A = arith.constant 0 : i32
        %sign3A_722 = arith.cmpi sgt, %add3A_720, %sign3A : i32
        %sign3A_723 = arith.extui %sign3A_722 : i1 to i32
        %sign3A_724 = arith.constant 0 : i32
        %sign3A_725 = arith.cmpi slt, %add3A_720, %sign3A_724 : i32
        %sign3A_726 = arith.extui %sign3A_725 : i1 to i32
        %sign3A_727 = arith.subi %sign3A_723, %sign3A_726 : i32
        %sign3A_728 = arith.constant 0 : i32
        %sign3A_729 = arith.cmpi sgt, %jit3A_721, %sign3A_728 : i32
        %sign3A_730 = arith.extui %sign3A_729 : i1 to i32
        %sign3A_731 = arith.constant 0 : i32
        %sign3A_732 = arith.cmpi slt, %jit3A_721, %sign3A_731 : i32
        %sign3A_733 = arith.extui %sign3A_732 : i1 to i32
        %sign3A_734 = arith.subi %sign3A_730, %sign3A_733 : i32
        %ne3A_735 = arith.cmpi ne, %sign3A_727, %sign3A_734 : i32
        %rem3A_736 = arith.remsi %add3A_720, %jit3A_721 : i32
        %ne3A_737 = arith.constant 0 : i32
        %ne3A_738 = arith.cmpi ne, %rem3A_736, %ne3A_737 : i32
        %and3A_739 = arith.andi %ne3A_735, %ne3A_738 : i1
        %sub3A = arith.constant 1 : i32
        %sub3A_740 = arith.subi %div3A, %sub3A : i32
        %select_n3A_741 = arith.select %and3A_739, %sub3A_740, %div3A : i32
        %add3A_742 = arith.constant 1 : i32
        %add3A_743 = arith.addi %select_n3A_741, %add3A_742 : i32
        %jit3A_744 = arith.constant 2 : i32
        %eq3A_745 = arith.constant 0 : i32
        %eq3A_746 = arith.cmpi eq, %jit3A_744, %eq3A_745 : i32
        %jit3A_747 = arith.constant 1 : i32
        %select_n3A_748 = arith.select %eq3A_746, %jit3A_747, %jit3A_744 : i32
        %rem3A_749 = arith.remsi %add3A_743, %select_n3A_748 : i32
        %ne3A_750 = arith.constant 0 : i32
        %ne3A_751 = arith.cmpi ne, %rem3A_749, %ne3A_750 : i32
        %lt3A_752 = arith.constant 0 : i32
        %lt3A_753 = arith.cmpi slt, %rem3A_749, %lt3A_752 : i32
        %lt3A_754 = arith.constant 0 : i32
        %lt3A_755 = arith.cmpi slt, %select_n3A_748, %lt3A_754 : i32
        %ne3A_756 = arith.xori %lt3A_753, %lt3A_755 : i1
        %and3A_757 = arith.andi %ne3A_756, %ne3A_751 : i1
        %add3A_758 = arith.addi %rem3A_749, %select_n3A_748 : i32
        %select_n3A_759 = arith.select %and3A_757, %add3A_758, %rem3A_749 : i32
        %mul3A_760 = arith.constant 16 : i32
        %mul3A_761 = arith.muli %add3A_743, %mul3A_760 : i32
        %add3A_762 = arith.addi %mul3A_2, %mul3A_761 : i32
        %dma_start3A_763 = arith.constant 0 : i32
        %dma_start3A_764 = arith.constant 0 : i32
        %dma_start3A_765 = arith.constant 0 : i32
        %dma_start3A_766 = tpu.memref_slice %arg8[%select_n3A_759, %dma_start3A_763, %dma_start3A_764, %dma_start3A_765] : memref<2x16x2x100xi32, #tpu.memory_space<vmem>> -> memref<1x16x2x100xi32, #tpu.memory_space<vmem>>
        %dma_start3A_767 = tpu.memref_squeeze %dma_start3A_766 : memref<1x16x2x100xi32, #tpu.memory_space<vmem>> -> memref<16x2x100xi32, #tpu.memory_space<vmem>>
        %dma_start3A_768 = arith.constant 0 : i32
        %dma_start3A_769 = arith.constant 0 : i32
        %dma_start3A_770 = tpu.memref_slice %arg2[%add3A_762, %dma_start3A_768, %dma_start3A_769] : memref<4096x2x100xi32, #tpu.memory_space<hbm>> -> memref<16x2x100xi32, #tpu.memory_space<hbm>>
        %dma_start3A_771 = arith.constant 0 : i32
        %dma_start3A_772 = arith.constant 0 : i32
        %dma_start3A_773 = arith.constant 0 : i32
        %dma_start3A_774 = tpu.memref_slice %arg8[%select_n3A_759, %dma_start3A_771, %dma_start3A_772, %dma_start3A_773] : memref<2x16x2x100xi32, #tpu.memory_space<vmem>> -> memref<1x16x2x100xi32, #tpu.memory_space<vmem>>
        %dma_start3A_775 = tpu.memref_squeeze %dma_start3A_774 : memref<1x16x2x100xi32, #tpu.memory_space<vmem>> -> memref<16x2x100xi32, #tpu.memory_space<vmem>>
        %dma_start3A_776 = arith.constant 0 : i32
        %dma_start3A_777 = arith.constant 0 : i32
        %dma_start3A_778 = tpu.memref_slice %arg2[%add3A_762, %dma_start3A_776, %dma_start3A_777] : memref<4096x2x100xi32, #tpu.memory_space<hbm>> -> memref<16x2x100xi32, #tpu.memory_space<hbm>>
        tpu.enqueue_dma source(%dma_start3A_778 : memref<16x2x100xi32, #tpu.memory_space<hbm>>) target(%dma_start3A_775 : memref<16x2x100xi32, #tpu.memory_space<vmem>>) target_semaphore(%arg19 : memref<!tpu.dma_semaphore, #tpu.memory_space<semaphore_mem>>)
        %mul3A_779 = arith.constant 16 : i32
        %mul3A_780 = arith.muli %add3A_743, %mul3A_779 : i32
        %add3A_781 = arith.addi %mul3A_2, %mul3A_780 : i32
        %dma_start3A_782 = arith.constant 0 : i32
        %dma_start3A_783 = arith.constant 0 : i32
        %dma_start3A_784 = arith.constant 0 : i32
        %dma_start3A_785 = tpu.memref_slice %arg9[%select_n3A_759, %dma_start3A_782, %dma_start3A_783, %dma_start3A_784] : memref<2x16x2x100xi32, #tpu.memory_space<vmem>> -> memref<1x16x2x100xi32, #tpu.memory_space<vmem>>
        %dma_start3A_786 = tpu.memref_squeeze %dma_start3A_785 : memref<1x16x2x100xi32, #tpu.memory_space<vmem>> -> memref<16x2x100xi32, #tpu.memory_space<vmem>>
        %dma_start3A_787 = arith.constant 0 : i32
        %dma_start3A_788 = arith.constant 0 : i32
        %dma_start3A_789 = tpu.memref_slice %arg3[%add3A_781, %dma_start3A_787, %dma_start3A_788] : memref<4096x2x100xi32, #tpu.memory_space<hbm>> -> memref<16x2x100xi32, #tpu.memory_space<hbm>>
        %dma_start3A_790 = arith.constant 0 : i32
        %dma_start3A_791 = arith.constant 0 : i32
        %dma_start3A_792 = arith.constant 0 : i32
        %dma_start3A_793 = tpu.memref_slice %arg9[%select_n3A_759, %dma_start3A_790, %dma_start3A_791, %dma_start3A_792] : memref<2x16x2x100xi32, #tpu.memory_space<vmem>> -> memref<1x16x2x100xi32, #tpu.memory_space<vmem>>
        %dma_start3A_794 = tpu.memref_squeeze %dma_start3A_793 : memref<1x16x2x100xi32, #tpu.memory_space<vmem>> -> memref<16x2x100xi32, #tpu.memory_space<vmem>>
        %dma_start3A_795 = arith.constant 0 : i32
        %dma_start3A_796 = arith.constant 0 : i32
        %dma_start3A_797 = tpu.memref_slice %arg3[%add3A_781, %dma_start3A_795, %dma_start3A_796] : memref<4096x2x100xi32, #tpu.memory_space<hbm>> -> memref<16x2x100xi32, #tpu.memory_space<hbm>>
        tpu.enqueue_dma source(%dma_start3A_797 : memref<16x2x100xi32, #tpu.memory_space<hbm>>) target(%dma_start3A_794 : memref<16x2x100xi32, #tpu.memory_space<vmem>>) target_semaphore(%arg19 : memref<!tpu.dma_semaphore, #tpu.memory_space<semaphore_mem>>)
      } else {
      }
      %parallel_loop3A_459 = arith.constant 0 : i32
      %parallel_loop3A_460 = arith.constant 200 : i32
      %parallel_loop3A_461 = arith.constant 1 : i32
      scf.for %parallel_loop3A_719 = %parallel_loop3A_459 to %parallel_loop3A_460 step %parallel_loop3A_461  : i32 {
        %parallel_loop3A_720 = arith.index_cast %parallel_loop3A_719 : i32 to index
        %parallel_loop3A_721 = arith.constant 0 : index
        %parallel_loop3A_722 = tpu.vector_load %arg15[%parallel_loop3A_720, %parallel_loop3A_721] {strides = array<i32>} : memref<200x64xf32, #tpu.memory_space<vmem>>, vector<1x16xf32>,
        %parallel_loop3A_723 = vector.shape_cast %parallel_loop3A_722 : vector<1x16xf32> to vector<16xf32>
        %parallel_loop3A_724 = arith.index_cast %parallel_loop3A_719 : i32 to index
        %parallel_loop3A_725 = arith.constant 0 : index
        %parallel_loop3A_726 = tpu.vector_load %arg18[%parallel_loop3A_724, %parallel_loop3A_725] {strides = array<i32>} : memref<200x64xf32, #tpu.memory_space<vmem>>, vector<1x16xf32>,
        %parallel_loop3A_727 = vector.shape_cast %parallel_loop3A_726 : vector<1x16xf32> to vector<16xf32>
        %parallel_loop3A_728 = arith.addf %parallel_loop3A_723, %parallel_loop3A_727 : vector<16xf32>
        %parallel_loop3A_729 = arith.index_cast %parallel_loop3A_719 : i32 to index
        %parallel_loop3A_730 = arith.constant 0 : index
        %parallel_loop3A_731 = tpu.vector_load %arg11[%parallel_loop3A_729, %parallel_loop3A_730] {strides = array<i32>} : memref<200x64xf32, #tpu.memory_space<vmem>>, vector<1x16xf32>,
        %parallel_loop3A_732 = vector.shape_cast %parallel_loop3A_731 : vector<1x16xf32> to vector<16xf32>
        %parallel_loop3A_733 = vector.shape_cast %parallel_loop3A_728 : vector<16xf32> to vector<1x16xf32>
        tpu.vector_store %arg11[%parallel_loop3A_729, %parallel_loop3A_730], %parallel_loop3A_733 {add = true, strides = array<i32>} : memref<200x64xf32, #tpu.memory_space<vmem>>, vector<1x16xf32>,
        %parallel_loop3A_734 = arith.index_cast %parallel_loop3A_719 : i32 to index
        %parallel_loop3A_735 = arith.constant 16 : index
        %parallel_loop3A_736 = tpu.vector_load %arg15[%parallel_loop3A_734, %parallel_loop3A_735] {strides = array<i32>} : memref<200x64xf32, #tpu.memory_space<vmem>>, vector<1x16xf32>,
        %parallel_loop3A_737 = vector.shape_cast %parallel_loop3A_736 : vector<1x16xf32> to vector<16xf32>
        %parallel_loop3A_738 = arith.index_cast %parallel_loop3A_719 : i32 to index
        %parallel_loop3A_739 = arith.constant 16 : index
        %parallel_loop3A_740 = tpu.vector_load %arg18[%parallel_loop3A_738, %parallel_loop3A_739] {strides = array<i32>} : memref<200x64xf32, #tpu.memory_space<vmem>>, vector<1x16xf32>,
        %parallel_loop3A_741 = vector.shape_cast %parallel_loop3A_740 : vector<1x16xf32> to vector<16xf32>
        %parallel_loop3A_742 = arith.addf %parallel_loop3A_737, %parallel_loop3A_741 : vector<16xf32>
        %parallel_loop3A_743 = arith.index_cast %parallel_loop3A_719 : i32 to index
        %parallel_loop3A_744 = arith.constant 16 : index
        %parallel_loop3A_745 = tpu.vector_load %arg11[%parallel_loop3A_743, %parallel_loop3A_744] {strides = array<i32>} : memref<200x64xf32, #tpu.memory_space<vmem>>, vector<1x16xf32>,
        %parallel_loop3A_746 = vector.shape_cast %parallel_loop3A_745 : vector<1x16xf32> to vector<16xf32>
        %parallel_loop3A_747 = vector.shape_cast %parallel_loop3A_742 : vector<16xf32> to vector<1x16xf32>
        tpu.vector_store %arg11[%parallel_loop3A_743, %parallel_loop3A_744], %parallel_loop3A_747 {add = true, strides = array<i32>} : memref<200x64xf32, #tpu.memory_space<vmem>>, vector<1x16xf32>,
        %parallel_loop3A_748 = arith.index_cast %parallel_loop3A_719 : i32 to index
        %parallel_loop3A_749 = arith.constant 32 : index
        %parallel_loop3A_750 = tpu.vector_load %arg15[%parallel_loop3A_748, %parallel_loop3A_749] {strides = array<i32>} : memref<200x64xf32, #tpu.memory_space<vmem>>, vector<1x16xf32>,
        %parallel_loop3A_751 = vector.shape_cast %parallel_loop3A_750 : vector<1x16xf32> to vector<16xf32>
        %parallel_loop3A_752 = arith.index_cast %parallel_loop3A_719 : i32 to index
        %parallel_loop3A_753 = arith.constant 32 : index
        %parallel_loop3A_754 = tpu.vector_load %arg18[%parallel_loop3A_752, %parallel_loop3A_753] {strides = array<i32>} : memref<200x64xf32, #tpu.memory_space<vmem>>, vector<1x16xf32>,
        %parallel_loop3A_755 = vector.shape_cast %parallel_loop3A_754 : vector<1x16xf32> to vector<16xf32>
        %parallel_loop3A_756 = arith.addf %parallel_loop3A_751, %parallel_loop3A_755 : vector<16xf32>
        %parallel_loop3A_757 = arith.index_cast %parallel_loop3A_719 : i32 to index
        %parallel_loop3A_758 = arith.constant 32 : index
        %parallel_loop3A_759 = tpu.vector_load %arg11[%parallel_loop3A_757, %parallel_loop3A_758] {strides = array<i32>} : memref<200x64xf32, #tpu.memory_space<vmem>>, vector<1x16xf32>,
        %parallel_loop3A_760 = vector.shape_cast %parallel_loop3A_759 : vector<1x16xf32> to vector<16xf32>
        %parallel_loop3A_761 = vector.shape_cast %parallel_loop3A_756 : vector<16xf32> to vector<1x16xf32>
        tpu.vector_store %arg11[%parallel_loop3A_757, %parallel_loop3A_758], %parallel_loop3A_761 {add = true, strides = array<i32>} : memref<200x64xf32, #tpu.memory_space<vmem>>, vector<1x16xf32>,
        %parallel_loop3A_762 = arith.index_cast %parallel_loop3A_719 : i32 to index
        %parallel_loop3A_763 = arith.constant 48 : index
        %parallel_loop3A_764 = tpu.vector_load %arg15[%parallel_loop3A_762, %parallel_loop3A_763] {strides = array<i32>} : memref<200x64xf32, #tpu.memory_space<vmem>>, vector<1x16xf32>,
        %parallel_loop3A_765 = vector.shape_cast %parallel_loop3A_764 : vector<1x16xf32> to vector<16xf32>
        %parallel_loop3A_766 = arith.index_cast %parallel_loop3A_719 : i32 to index
        %parallel_loop3A_767 = arith.constant 48 : index
        %parallel_loop3A_768 = tpu.vector_load %arg18[%parallel_loop3A_766, %parallel_loop3A_767] {strides = array<i32>} : memref<200x64xf32, #tpu.memory_space<vmem>>, vector<1x16xf32>,
        %parallel_loop3A_769 = vector.shape_cast %parallel_loop3A_768 : vector<1x16xf32> to vector<16xf32>
        %parallel_loop3A_770 = arith.addf %parallel_loop3A_765, %parallel_loop3A_769 : vector<16xf32>
        %parallel_loop3A_771 = arith.index_cast %parallel_loop3A_719 : i32 to index
        %parallel_loop3A_772 = arith.constant 48 : index
        %parallel_loop3A_773 = tpu.vector_load %arg11[%parallel_loop3A_771, %parallel_loop3A_772] {strides = array<i32>} : memref<200x64xf32, #tpu.memory_space<vmem>>, vector<1x16xf32>,
        %parallel_loop3A_774 = vector.shape_cast %parallel_loop3A_773 : vector<1x16xf32> to vector<16xf32>
        %parallel_loop3A_775 = vector.shape_cast %parallel_loop3A_770 : vector<16xf32> to vector<1x16xf32>
        tpu.vector_store %arg11[%parallel_loop3A_771, %parallel_loop3A_772], %parallel_loop3A_775 {add = true, strides = array<i32>} : memref<200x64xf32, #tpu.memory_space<vmem>>, vector<1x16xf32>,
      } {sc.loop_unroll_factor = 2 : i64, sc.parallel_access}
      %add3A_462 = arith.addi %mul3A_2, %add3A_350 : i32
      %dma_start3A_463 = arith.constant 0 : i32
      %dma_start3A_464 = arith.constant 0 : i32
      %dma_start3A_465 = tpu.memref_slice %arg7[%add3A_462, %dma_start3A_463, %dma_start3A_464] : memref<4096x200x64xf32, #tpu.memory_space<hbm>> -> memref<1x200x64xf32, #tpu.memory_space<hbm>>
      %dma_start3A_466 = tpu.memref_squeeze %dma_start3A_465 : memref<1x200x64xf32, #tpu.memory_space<hbm>> -> memref<200x64xf32, #tpu.memory_space<hbm>>
      %dma_start3A_467 = arith.constant 0 : i32
      %dma_start3A_468 = arith.constant 0 : i32
      %dma_start3A_469 = tpu.memref_slice %arg7[%add3A_462, %dma_start3A_467, %dma_start3A_468] : memref<4096x200x64xf32, #tpu.memory_space<hbm>> -> memref<1x200x64xf32, #tpu.memory_space<hbm>>
      %dma_start3A_470 = tpu.memref_squeeze %dma_start3A_469 : memref<1x200x64xf32, #tpu.memory_space<hbm>> -> memref<200x64xf32, #tpu.memory_space<hbm>>
      tpu.enqueue_dma source(%arg11 : memref<200x64xf32, #tpu.memory_space<vmem>>) target(%dma_start3A_470 : memref<200x64xf32, #tpu.memory_space<hbm>>) target_semaphore(%arg25 : memref<!tpu.dma_semaphore, #tpu.memory_space<semaphore_mem>>)
      %mul3A_471 = arith.constant 4 : i32
      %mul3A_472 = arith.muli %scan3A_234, %mul3A_471 : i32
      %add3A_473 = arith.constant 2 : i32
      %add3A_474 = arith.addi %mul3A_472, %add3A_473 : i32
      %add3A_475 = arith.constant 2 : i32
      %add3A_476 = arith.addi %add3A_474, %add3A_475 : i32
      %ge3A_477 = arith.constant 2 : i32
      %ge3A_478 = arith.cmpi sge, %add3A_474, %ge3A_477 : i32
      %convert_element_type3A_479 = arith.extui %ge3A_478 : i1 to i32
      %cond3A_480 = arith.constant 0 : i32
      %cond3A_481 = arith.cmpi ne, %convert_element_type3A_479, %cond3A_480 : i32
      scf.if %cond3A_481 {
        %dma_wait3A_719 = arith.constant 0 : i32
        %dma_wait3A_720 = arith.constant 0 : i32
        %dma_wait3A_721 = arith.constant 0 : i32
        %dma_wait3A_722 = tpu.memref_slice %arg7[%dma_wait3A_719, %dma_wait3A_720, %dma_wait3A_721] : memref<4096x200x64xf32, #tpu.memory_space<hbm>> -> memref<1x200x64xf32, #tpu.memory_space<hbm>>
        %dma_wait3A_723 = tpu.memref_squeeze %dma_wait3A_722 : memref<1x200x64xf32, #tpu.memory_space<hbm>> -> memref<200x64xf32, #tpu.memory_space<hbm>>
        %dma_wait3A_724 = arith.constant 0 : i32
        %dma_wait3A_725 = arith.constant 0 : i32
        %dma_wait3A_726 = tpu.memref_slice %arg7[%dma_wait3A_719, %dma_wait3A_724, %dma_wait3A_725] : memref<4096x200x64xf32, #tpu.memory_space<hbm>> -> memref<1x200x64xf32, #tpu.memory_space<hbm>>
        %dma_wait3A_727 = tpu.memref_squeeze %dma_wait3A_726 : memref<1x200x64xf32, #tpu.memory_space<hbm>> -> memref<200x64xf32, #tpu.memory_space<hbm>>
        tpu.wait_dma2 semaphore(%arg24 : memref<!tpu.dma_semaphore, #tpu.memory_space<semaphore_mem>>) src(%arg10 : memref<200x64xf32, #tpu.memory_space<vmem>>) dst(%dma_wait3A_727 : memref<200x64xf32, #tpu.memory_space<hbm>>)
      } else {
      }
      %jit3A_482 = arith.constant 16 : i32
      %eq3A_483 = arith.constant 0 : i32
      %eq3A_484 = arith.cmpi eq, %jit3A_482, %eq3A_483 : i32
      %jit3A_485 = arith.constant 1 : i32
      %select_n3A_486 = arith.select %eq3A_484, %jit3A_485, %jit3A_482 : i32
      %rem3A_487 = arith.remsi %add3A_476, %select_n3A_486 : i32
      %ne3A_488 = arith.constant 0 : i32
      %ne3A_489 = arith.cmpi ne, %rem3A_487, %ne3A_488 : i32
      %lt3A_490 = arith.constant 0 : i32
      %lt3A_491 = arith.cmpi slt, %rem3A_487, %lt3A_490 : i32
      %lt3A_492 = arith.constant 0 : i32
      %lt3A_493 = arith.cmpi slt, %select_n3A_486, %lt3A_492 : i32
      %ne3A_494 = arith.xori %lt3A_491, %lt3A_493 : i1
      %and3A_495 = arith.andi %ne3A_494, %ne3A_489 : i1
      %add3A_496 = arith.addi %rem3A_487, %select_n3A_486 : i32
      %select_n3A_497 = arith.select %and3A_495, %add3A_496, %rem3A_487 : i32
      %eq3A_498 = arith.constant 0 : i32
      %eq3A_499 = arith.cmpi eq, %select_n3A_497, %eq3A_498 : i32
      %le3A_500 = arith.constant 125 : i32
      %le3A_501 = arith.cmpi sle, %add3A_474, %le3A_500 : i32
      %and3A_502 = arith.andi %eq3A_499, %le3A_501 : i1
      %convert_element_type3A_503 = arith.extui %and3A_502 : i1 to i32
      %cond3A_504 = arith.constant 0 : i32
      %cond3A_505 = arith.cmpi ne, %convert_element_type3A_503, %cond3A_504 : i32
      scf.if %cond3A_505 {
        %dma_wait3A_719 = arith.constant 0 : i32
        %dma_wait3A_720 = arith.constant 0 : i32
        %dma_wait3A_721 = arith.constant 0 : i32
        %dma_wait3A_722 = arith.constant 0 : i32
        %dma_wait3A_723 = tpu.memref_slice %arg8[%dma_wait3A_719, %dma_wait3A_720, %dma_wait3A_721, %dma_wait3A_722] : memref<2x16x2x100xi32, #tpu.memory_space<vmem>> -> memref<1x16x2x100xi32, #tpu.memory_space<vmem>>
        %dma_wait3A_724 = tpu.memref_squeeze %dma_wait3A_723 : memref<1x16x2x100xi32, #tpu.memory_space<vmem>> -> memref<16x2x100xi32, #tpu.memory_space<vmem>>
        %dma_wait3A_725 = arith.constant 0 : i32
        %dma_wait3A_726 = arith.constant 0 : i32
        %dma_wait3A_727 = arith.constant 0 : i32
        %dma_wait3A_728 = tpu.memref_slice %arg2[%dma_wait3A_725, %dma_wait3A_726, %dma_wait3A_727] : memref<4096x2x100xi32, #tpu.memory_space<hbm>> -> memref<16x2x100xi32, #tpu.memory_space<hbm>>
        %dma_wait3A_729 = arith.constant 0 : i32
        %dma_wait3A_730 = arith.constant 0 : i32
        %dma_wait3A_731 = arith.constant 0 : i32
        %dma_wait3A_732 = tpu.memref_slice %arg8[%dma_wait3A_719, %dma_wait3A_729, %dma_wait3A_730, %dma_wait3A_731] : memref<2x16x2x100xi32, #tpu.memory_space<vmem>> -> memref<1x16x2x100xi32, #tpu.memory_space<vmem>>
        %dma_wait3A_733 = tpu.memref_squeeze %dma_wait3A_732 : memref<1x16x2x100xi32, #tpu.memory_space<vmem>> -> memref<16x2x100xi32, #tpu.memory_space<vmem>>
        %dma_wait3A_734 = arith.constant 0 : i32
        %dma_wait3A_735 = arith.constant 0 : i32
        %dma_wait3A_736 = arith.constant 0 : i32
        %dma_wait3A_737 = tpu.memref_slice %arg2[%dma_wait3A_734, %dma_wait3A_735, %dma_wait3A_736] : memref<4096x2x100xi32, #tpu.memory_space<hbm>> -> memref<16x2x100xi32, #tpu.memory_space<hbm>>
        tpu.wait_dma2 semaphore(%arg19 : memref<!tpu.dma_semaphore, #tpu.memory_space<semaphore_mem>>) src(%dma_wait3A_737 : memref<16x2x100xi32, #tpu.memory_space<hbm>>) dst(%dma_wait3A_733 : memref<16x2x100xi32, #tpu.memory_space<vmem>>)
        %dma_wait3A_738 = arith.constant 0 : i32
        %dma_wait3A_739 = arith.constant 0 : i32
        %dma_wait3A_740 = arith.constant 0 : i32
        %dma_wait3A_741 = arith.constant 0 : i32
        %dma_wait3A_742 = tpu.memref_slice %arg9[%dma_wait3A_738, %dma_wait3A_739, %dma_wait3A_740, %dma_wait3A_741] : memref<2x16x2x100xi32, #tpu.memory_space<vmem>> -> memref<1x16x2x100xi32, #tpu.memory_space<vmem>>
        %dma_wait3A_743 = tpu.memref_squeeze %dma_wait3A_742 : memref<1x16x2x100xi32, #tpu.memory_space<vmem>> -> memref<16x2x100xi32, #tpu.memory_space<vmem>>
        %dma_wait3A_744 = arith.constant 0 : i32
        %dma_wait3A_745 = arith.constant 0 : i32
        %dma_wait3A_746 = arith.constant 0 : i32
        %dma_wait3A_747 = tpu.memref_slice %arg3[%dma_wait3A_744, %dma_wait3A_745, %dma_wait3A_746] : memref<4096x2x100xi32, #tpu.memory_space<hbm>> -> memref<16x2x100xi32, #tpu.memory_space<hbm>>
        %dma_wait3A_748 = arith.constant 0 : i32
        %dma_wait3A_749 = arith.constant 0 : i32
        %dma_wait3A_750 = arith.constant 0 : i32
        %dma_wait3A_751 = tpu.memref_slice %arg9[%dma_wait3A_738, %dma_wait3A_748, %dma_wait3A_749, %dma_wait3A_750] : memref<2x16x2x100xi32, #tpu.memory_space<vmem>> -> memref<1x16x2x100xi32, #tpu.memory_space<vmem>>
        %dma_wait3A_752 = tpu.memref_squeeze %dma_wait3A_751 : memref<1x16x2x100xi32, #tpu.memory_space<vmem>> -> memref<16x2x100xi32, #tpu.memory_space<vmem>>
        %dma_wait3A_753 = arith.constant 0 : i32
        %dma_wait3A_754 = arith.constant 0 : i32
        %dma_wait3A_755 = arith.constant 0 : i32
        %dma_wait3A_756 = tpu.memref_slice %arg3[%dma_wait3A_753, %dma_wait3A_754, %dma_wait3A_755] : memref<4096x2x100xi32, #tpu.memory_space<hbm>> -> memref<16x2x100xi32, #tpu.memory_space<hbm>>
        tpu.wait_dma2 semaphore(%arg19 : memref<!tpu.dma_semaphore, #tpu.memory_space<semaphore_mem>>) src(%dma_wait3A_756 : memref<16x2x100xi32, #tpu.memory_space<hbm>>) dst(%dma_wait3A_752 : memref<16x2x100xi32, #tpu.memory_space<vmem>>)
      } else {
      }
      %le3A_506 = arith.constant 125 : i32
      %le3A_507 = arith.cmpi sle, %add3A_474, %le3A_506 : i32
      %convert_element_type3A_508 = arith.extui %le3A_507 : i1 to i32
      %cond3A_509 = arith.constant 0 : i32
      %cond3A_510 = arith.cmpi ne, %convert_element_type3A_508, %cond3A_509 : i32
      scf.if %cond3A_510 {
        %jit3A_719 = arith.constant 16 : i32
        %div3A = arith.divsi %add3A_476, %jit3A_719 : i32
        %sign3A = arith.constant 0 : i32
        %sign3A_720 = arith.cmpi sgt, %add3A_476, %sign3A : i32
        %sign3A_721 = arith.extui %sign3A_720 : i1 to i32
        %sign3A_722 = arith.constant 0 : i32
        %sign3A_723 = arith.cmpi slt, %add3A_476, %sign3A_722 : i32
        %sign3A_724 = arith.extui %sign3A_723 : i1 to i32
        %sign3A_725 = arith.subi %sign3A_721, %sign3A_724 : i32
        %sign3A_726 = arith.constant 0 : i32
        %sign3A_727 = arith.cmpi sgt, %jit3A_719, %sign3A_726 : i32
        %sign3A_728 = arith.extui %sign3A_727 : i1 to i32
        %sign3A_729 = arith.constant 0 : i32
        %sign3A_730 = arith.cmpi slt, %jit3A_719, %sign3A_729 : i32
        %sign3A_731 = arith.extui %sign3A_730 : i1 to i32
        %sign3A_732 = arith.subi %sign3A_728, %sign3A_731 : i32
        %ne3A_733 = arith.cmpi ne, %sign3A_725, %sign3A_732 : i32
        %rem3A_734 = arith.remsi %add3A_476, %jit3A_719 : i32
        %ne3A_735 = arith.constant 0 : i32
        %ne3A_736 = arith.cmpi ne, %rem3A_734, %ne3A_735 : i32
        %and3A_737 = arith.andi %ne3A_733, %ne3A_736 : i1
        %sub3A = arith.constant 1 : i32
        %sub3A_738 = arith.subi %div3A, %sub3A : i32
        %select_n3A_739 = arith.select %and3A_737, %sub3A_738, %div3A : i32
        %jit3A_740 = arith.constant 2 : i32
        %eq3A_741 = arith.constant 0 : i32
        %eq3A_742 = arith.cmpi eq, %jit3A_740, %eq3A_741 : i32
        %jit3A_743 = arith.constant 1 : i32
        %select_n3A_744 = arith.select %eq3A_742, %jit3A_743, %jit3A_740 : i32
        %rem3A_745 = arith.remsi %select_n3A_739, %select_n3A_744 : i32
        %ne3A_746 = arith.constant 0 : i32
        %ne3A_747 = arith.cmpi ne, %rem3A_745, %ne3A_746 : i32
        %lt3A_748 = arith.constant 0 : i32
        %lt3A_749 = arith.cmpi slt, %rem3A_745, %lt3A_748 : i32
        %lt3A_750 = arith.constant 0 : i32
        %lt3A_751 = arith.cmpi slt, %select_n3A_744, %lt3A_750 : i32
        %ne3A_752 = arith.xori %lt3A_749, %lt3A_751 : i1
        %and3A_753 = arith.andi %ne3A_752, %ne3A_747 : i1
        %add3A_754 = arith.addi %rem3A_745, %select_n3A_744 : i32
        %select_n3A_755 = arith.select %and3A_753, %add3A_754, %rem3A_745 : i32
        %jit3A_756 = arith.constant 16 : i32
        %eq3A_757 = arith.constant 0 : i32
        %eq3A_758 = arith.cmpi eq, %jit3A_756, %eq3A_757 : i32
        %jit3A_759 = arith.constant 1 : i32
        %select_n3A_760 = arith.select %eq3A_758, %jit3A_759, %jit3A_756 : i32
        %rem3A_761 = arith.remsi %add3A_476, %select_n3A_760 : i32
        %ne3A_762 = arith.constant 0 : i32
        %ne3A_763 = arith.cmpi ne, %rem3A_761, %ne3A_762 : i32
        %lt3A_764 = arith.constant 0 : i32
        %lt3A_765 = arith.cmpi slt, %rem3A_761, %lt3A_764 : i32
        %lt3A_766 = arith.constant 0 : i32
        %lt3A_767 = arith.cmpi slt, %select_n3A_760, %lt3A_766 : i32
        %ne3A_768 = arith.xori %lt3A_765, %lt3A_767 : i1
        %and3A_769 = arith.andi %ne3A_768, %ne3A_763 : i1
        %add3A_770 = arith.addi %rem3A_761, %select_n3A_760 : i32
        %select_n3A_771 = arith.select %and3A_769, %add3A_770, %rem3A_761 : i32
        %dma_start3A_772 = arith.constant 0 : i32
        %dma_start3A_773 = arith.constant 0 : i32
        %dma_start3A_774 = arith.constant 0 : i32
        %dma_start3A_775 = tpu.memref_slice %arg10[%dma_start3A_773, %dma_start3A_774] : memref<200x64xf32, #tpu.memory_space<vmem>> -> memref<100x64xf32, #tpu.memory_space<vmem>>
        %dma_start3A_776 = arith.constant 0 : i32
        %dma_start3A_777 = tpu.memref_slice %arg8[%select_n3A_755, %select_n3A_771, %dma_start3A_772, %dma_start3A_776] : memref<2x16x2x100xi32, #tpu.memory_space<vmem>> -> memref<1x1x1x100xi32, #tpu.memory_space<vmem>>
        %dma_start3A_778 = tpu.memref_squeeze %dma_start3A_777 : memref<1x1x1x100xi32, #tpu.memory_space<vmem>> -> memref<100xi32, #tpu.memory_space<vmem>>
        %dma_start3A_779 = arith.constant 0 : i32
        %dma_start3A_780 = arith.constant 0 : i32
        %dma_start3A_781 = tpu.memref_slice %arg4[%dma_start3A_779, %dma_start3A_780] : memref<1000000x64xf32, #tpu.memory_space<hbm>> -> memref<1000000x64xf32, #tpu.memory_space<hbm>>
        tpu.enqueue_indirect_dma source(%dma_start3A_781 : memref<1000000x64xf32, #tpu.memory_space<hbm>>) target(%dma_start3A_775 : memref<100x64xf32, #tpu.memory_space<vmem>>) offsets(%dma_start3A_778 : memref<100xi32, #tpu.memory_space<vmem>>) semaphore(%arg20 : memref<!tpu.dma_semaphore, #tpu.memory_space<semaphore_mem>>)
        %dma_start3A_782 = arith.constant 1 : i32
        %dma_start3A_783 = arith.constant 100 : i32
        %dma_start3A_784 = arith.constant 0 : i32
        %dma_start3A_785 = tpu.memref_slice %arg10[%dma_start3A_783, %dma_start3A_784] : memref<200x64xf32, #tpu.memory_space<vmem>> -> memref<100x64xf32, #tpu.memory_space<vmem>>
        %dma_start3A_786 = arith.constant 0 : i32
        %dma_start3A_787 = tpu.memref_slice %arg8[%select_n3A_755, %select_n3A_771, %dma_start3A_782, %dma_start3A_786] : memref<2x16x2x100xi32, #tpu.memory_space<vmem>> -> memref<1x1x1x100xi32, #tpu.memory_space<vmem>>
        %dma_start3A_788 = tpu.memref_squeeze %dma_start3A_787 : memref<1x1x1x100xi32, #tpu.memory_space<vmem>> -> memref<100xi32, #tpu.memory_space<vmem>>
        %dma_start3A_789 = arith.constant 0 : i32
        %dma_start3A_790 = arith.constant 0 : i32
        %dma_start3A_791 = tpu.memref_slice %arg4[%dma_start3A_789, %dma_start3A_790] : memref<1000000x64xf32, #tpu.memory_space<hbm>> -> memref<1000000x64xf32, #tpu.memory_space<hbm>>
        tpu.enqueue_indirect_dma source(%dma_start3A_791 : memref<1000000x64xf32, #tpu.memory_space<hbm>>) target(%dma_start3A_785 : memref<100x64xf32, #tpu.memory_space<vmem>>) offsets(%dma_start3A_788 : memref<100xi32, #tpu.memory_space<vmem>>) semaphore(%arg20 : memref<!tpu.dma_semaphore, #tpu.memory_space<semaphore_mem>>)
        %dma_start3A_792 = arith.constant 0 : i32
        %dma_start3A_793 = arith.constant 0 : i32
        %dma_start3A_794 = arith.constant 0 : i32
        %dma_start3A_795 = tpu.memref_slice %arg14[%dma_start3A_793, %dma_start3A_794] : memref<200x64xf32, #tpu.memory_space<vmem>> -> memref<100x64xf32, #tpu.memory_space<vmem>>
        %dma_start3A_796 = arith.constant 0 : i32
        %dma_start3A_797 = tpu.memref_slice %arg9[%select_n3A_755, %select_n3A_771, %dma_start3A_792, %dma_start3A_796] : memref<2x16x2x100xi32, #tpu.memory_space<vmem>> -> memref<1x1x1x100xi32, #tpu.memory_space<vmem>>
        %dma_start3A_798 = tpu.memref_squeeze %dma_start3A_797 : memref<1x1x1x100xi32, #tpu.memory_space<vmem>> -> memref<100xi32, #tpu.memory_space<vmem>>
        %dma_start3A_799 = arith.constant 0 : i32
        %dma_start3A_800 = arith.constant 0 : i32
        %dma_start3A_801 = tpu.memref_slice %arg5[%dma_start3A_799, %dma_start3A_800] : memref<10000x64xf32, #tpu.memory_space<hbm>> -> memref<10000x64xf32, #tpu.memory_space<hbm>>
        tpu.enqueue_indirect_dma source(%dma_start3A_801 : memref<10000x64xf32, #tpu.memory_space<hbm>>) target(%dma_start3A_795 : memref<100x64xf32, #tpu.memory_space<vmem>>) offsets(%dma_start3A_798 : memref<100xi32, #tpu.memory_space<vmem>>) semaphore(%arg20 : memref<!tpu.dma_semaphore, #tpu.memory_space<semaphore_mem>>)
        %dma_start3A_802 = arith.constant 1 : i32
        %dma_start3A_803 = arith.constant 100 : i32
        %dma_start3A_804 = arith.constant 0 : i32
        %dma_start3A_805 = tpu.memref_slice %arg14[%dma_start3A_803, %dma_start3A_804] : memref<200x64xf32, #tpu.memory_space<vmem>> -> memref<100x64xf32, #tpu.memory_space<vmem>>
        %dma_start3A_806 = arith.constant 0 : i32
        %dma_start3A_807 = tpu.memref_slice %arg9[%select_n3A_755, %select_n3A_771, %dma_start3A_802, %dma_start3A_806] : memref<2x16x2x100xi32, #tpu.memory_space<vmem>> -> memref<1x1x1x100xi32, #tpu.memory_space<vmem>>
        %dma_start3A_808 = tpu.memref_squeeze %dma_start3A_807 : memref<1x1x1x100xi32, #tpu.memory_space<vmem>> -> memref<100xi32, #tpu.memory_space<vmem>>
        %dma_start3A_809 = arith.constant 0 : i32
        %dma_start3A_810 = arith.constant 0 : i32
        %dma_start3A_811 = tpu.memref_slice %arg5[%dma_start3A_809, %dma_start3A_810] : memref<10000x64xf32, #tpu.memory_space<hbm>> -> memref<10000x64xf32, #tpu.memory_space<hbm>>
        tpu.enqueue_indirect_dma source(%dma_start3A_811 : memref<10000x64xf32, #tpu.memory_space<hbm>>) target(%dma_start3A_805 : memref<100x64xf32, #tpu.memory_space<vmem>>) offsets(%dma_start3A_808 : memref<100xi32, #tpu.memory_space<vmem>>) semaphore(%arg20 : memref<!tpu.dma_semaphore, #tpu.memory_space<semaphore_mem>>)
      } else {
      }
      %dma_wait3A_511 = arith.constant 0 : i32
      %dma_wait3A_512 = arith.constant 0 : i32
      %dma_wait3A_513 = arith.constant 0 : i32
      %dma_wait3A_514 = arith.constant 0 : i32
      %dma_wait3A_515 = arith.constant 0 : i32
      %dma_wait3A_516 = tpu.memref_slice %arg12[%dma_wait3A_514, %dma_wait3A_515] : memref<200x64xf32, #tpu.memory_space<vmem>> -> memref<100x64xf32, #tpu.memory_space<vmem>>
      %dma_wait3A_517 = arith.constant 0 : i32
      %dma_wait3A_518 = tpu.memref_slice %arg8[%dma_wait3A_511, %dma_wait3A_512, %dma_wait3A_513, %dma_wait3A_517] : memref<2x16x2x100xi32, #tpu.memory_space<vmem>> -> memref<1x1x1x100xi32, #tpu.memory_space<vmem>>
      %dma_wait3A_519 = tpu.memref_squeeze %dma_wait3A_518 : memref<1x1x1x100xi32, #tpu.memory_space<vmem>> -> memref<100xi32, #tpu.memory_space<vmem>>
      %dma_wait3A_520 = arith.constant 0 : i32
      %dma_wait3A_521 = arith.constant 0 : i32
      %dma_wait3A_522 = tpu.memref_slice %arg4[%dma_wait3A_520, %dma_wait3A_521] : memref<1000000x64xf32, #tpu.memory_space<hbm>> -> memref<1000000x64xf32, #tpu.memory_space<hbm>>
      tpu.wait_indirect_dma semaphore(%arg22 : memref<!tpu.dma_semaphore, #tpu.memory_space<semaphore_mem>>) src(%dma_wait3A_522 : memref<1000000x64xf32, #tpu.memory_space<hbm>>) dst(%dma_wait3A_516 : memref<100x64xf32, #tpu.memory_space<vmem>>)
      %dma_wait3A_523 = arith.constant 0 : i32
      %dma_wait3A_524 = arith.constant 0 : i32
      %dma_wait3A_525 = arith.constant 1 : i32
      %dma_wait3A_526 = arith.constant 100 : i32
      %dma_wait3A_527 = arith.constant 0 : i32
      %dma_wait3A_528 = tpu.memref_slice %arg12[%dma_wait3A_526, %dma_wait3A_527] : memref<200x64xf32, #tpu.memory_space<vmem>> -> memref<100x64xf32, #tpu.memory_space<vmem>>
      %dma_wait3A_529 = arith.constant 0 : i32
      %dma_wait3A_530 = tpu.memref_slice %arg8[%dma_wait3A_523, %dma_wait3A_524, %dma_wait3A_525, %dma_wait3A_529] : memref<2x16x2x100xi32, #tpu.memory_space<vmem>> -> memref<1x1x1x100xi32, #tpu.memory_space<vmem>>
      %dma_wait3A_531 = tpu.memref_squeeze %dma_wait3A_530 : memref<1x1x1x100xi32, #tpu.memory_space<vmem>> -> memref<100xi32, #tpu.memory_space<vmem>>
      %dma_wait3A_532 = arith.constant 0 : i32
      %dma_wait3A_533 = arith.constant 0 : i32
      %dma_wait3A_534 = tpu.memref_slice %arg4[%dma_wait3A_532, %dma_wait3A_533] : memref<1000000x64xf32, #tpu.memory_space<hbm>> -> memref<1000000x64xf32, #tpu.memory_space<hbm>>
      tpu.wait_indirect_dma semaphore(%arg22 : memref<!tpu.dma_semaphore, #tpu.memory_space<semaphore_mem>>) src(%dma_wait3A_534 : memref<1000000x64xf32, #tpu.memory_space<hbm>>) dst(%dma_wait3A_528 : memref<100x64xf32, #tpu.memory_space<vmem>>)
      %dma_wait3A_535 = arith.constant 0 : i32
      %dma_wait3A_536 = arith.constant 0 : i32
      %dma_wait3A_537 = arith.constant 0 : i32
      %dma_wait3A_538 = arith.constant 0 : i32
      %dma_wait3A_539 = arith.constant 0 : i32
      %dma_wait3A_540 = tpu.memref_slice %arg16[%dma_wait3A_538, %dma_wait3A_539] : memref<200x64xf32, #tpu.memory_space<vmem>> -> memref<100x64xf32, #tpu.memory_space<vmem>>
      %dma_wait3A_541 = arith.constant 0 : i32
      %dma_wait3A_542 = tpu.memref_slice %arg9[%dma_wait3A_535, %dma_wait3A_536, %dma_wait3A_537, %dma_wait3A_541] : memref<2x16x2x100xi32, #tpu.memory_space<vmem>> -> memref<1x1x1x100xi32, #tpu.memory_space<vmem>>
      %dma_wait3A_543 = tpu.memref_squeeze %dma_wait3A_542 : memref<1x1x1x100xi32, #tpu.memory_space<vmem>> -> memref<100xi32, #tpu.memory_space<vmem>>
      %dma_wait3A_544 = arith.constant 0 : i32
      %dma_wait3A_545 = arith.constant 0 : i32
      %dma_wait3A_546 = tpu.memref_slice %arg5[%dma_wait3A_544, %dma_wait3A_545] : memref<10000x64xf32, #tpu.memory_space<hbm>> -> memref<10000x64xf32, #tpu.memory_space<hbm>>
      tpu.wait_indirect_dma semaphore(%arg22 : memref<!tpu.dma_semaphore, #tpu.memory_space<semaphore_mem>>) src(%dma_wait3A_546 : memref<10000x64xf32, #tpu.memory_space<hbm>>) dst(%dma_wait3A_540 : memref<100x64xf32, #tpu.memory_space<vmem>>)
      %dma_wait3A_547 = arith.constant 0 : i32
      %dma_wait3A_548 = arith.constant 0 : i32
      %dma_wait3A_549 = arith.constant 1 : i32
      %dma_wait3A_550 = arith.constant 100 : i32
      %dma_wait3A_551 = arith.constant 0 : i32
      %dma_wait3A_552 = tpu.memref_slice %arg16[%dma_wait3A_550, %dma_wait3A_551] : memref<200x64xf32, #tpu.memory_space<vmem>> -> memref<100x64xf32, #tpu.memory_space<vmem>>
      %dma_wait3A_553 = arith.constant 0 : i32
      %dma_wait3A_554 = tpu.memref_slice %arg9[%dma_wait3A_547, %dma_wait3A_548, %dma_wait3A_549, %dma_wait3A_553] : memref<2x16x2x100xi32, #tpu.memory_space<vmem>> -> memref<1x1x1x100xi32, #tpu.memory_space<vmem>>
      %dma_wait3A_555 = tpu.memref_squeeze %dma_wait3A_554 : memref<1x1x1x100xi32, #tpu.memory_space<vmem>> -> memref<100xi32, #tpu.memory_space<vmem>>
      %dma_wait3A_556 = arith.constant 0 : i32
      %dma_wait3A_557 = arith.constant 0 : i32
      %dma_wait3A_558 = tpu.memref_slice %arg5[%dma_wait3A_556, %dma_wait3A_557] : memref<10000x64xf32, #tpu.memory_space<hbm>> -> memref<10000x64xf32, #tpu.memory_space<hbm>>
      tpu.wait_indirect_dma semaphore(%arg22 : memref<!tpu.dma_semaphore, #tpu.memory_space<semaphore_mem>>) src(%dma_wait3A_558 : memref<10000x64xf32, #tpu.memory_space<hbm>>) dst(%dma_wait3A_552 : memref<100x64xf32, #tpu.memory_space<vmem>>)
      %jit3A_559 = arith.constant 16 : i32
      %eq3A_560 = arith.constant 0 : i32
      %eq3A_561 = arith.cmpi eq, %jit3A_559, %eq3A_560 : i32
      %jit3A_562 = arith.constant 1 : i32
      %select_n3A_563 = arith.select %eq3A_561, %jit3A_562, %jit3A_559 : i32
      %rem3A_564 = arith.remsi %add3A_474, %select_n3A_563 : i32
      %ne3A_565 = arith.constant 0 : i32
      %ne3A_566 = arith.cmpi ne, %rem3A_564, %ne3A_565 : i32
      %lt3A_567 = arith.constant 0 : i32
      %lt3A_568 = arith.cmpi slt, %rem3A_564, %lt3A_567 : i32
      %lt3A_569 = arith.constant 0 : i32
      %lt3A_570 = arith.cmpi slt, %select_n3A_563, %lt3A_569 : i32
      %ne3A_571 = arith.xori %lt3A_568, %lt3A_570 : i1
      %and3A_572 = arith.andi %ne3A_571, %ne3A_566 : i1
      %add3A_573 = arith.addi %rem3A_564, %select_n3A_563 : i32
      %select_n3A_574 = arith.select %and3A_572, %add3A_573, %rem3A_564 : i32
      %eq3A_575 = arith.constant 15 : i32
      %eq3A_576 = arith.cmpi eq, %select_n3A_574, %eq3A_575 : i32
      %le3A_577 = arith.constant 110 : i32
      %le3A_578 = arith.cmpi sle, %add3A_474, %le3A_577 : i32
      %and3A_579 = arith.andi %eq3A_576, %le3A_578 : i1
      %convert_element_type3A_580 = arith.extui %and3A_579 : i1 to i32
      %cond3A_581 = arith.constant 0 : i32
      %cond3A_582 = arith.cmpi ne, %convert_element_type3A_580, %cond3A_581 : i32
      scf.if %cond3A_582 {
        %add3A_719 = arith.constant 1 : i32
        %add3A_720 = arith.addi %add3A_474, %add3A_719 : i32
        %jit3A_721 = arith.constant 16 : i32
        %div3A = arith.divsi %add3A_720, %jit3A_721 : i32
        %sign3A = arith.constant 0 : i32
        %sign3A_722 = arith.cmpi sgt, %add3A_720, %sign3A : i32
        %sign3A_723 = arith.extui %sign3A_722 : i1 to i32
        %sign3A_724 = arith.constant 0 : i32
        %sign3A_725 = arith.cmpi slt, %add3A_720, %sign3A_724 : i32
        %sign3A_726 = arith.extui %sign3A_725 : i1 to i32
        %sign3A_727 = arith.subi %sign3A_723, %sign3A_726 : i32
        %sign3A_728 = arith.constant 0 : i32
        %sign3A_729 = arith.cmpi sgt, %jit3A_721, %sign3A_728 : i32
        %sign3A_730 = arith.extui %sign3A_729 : i1 to i32
        %sign3A_731 = arith.constant 0 : i32
        %sign3A_732 = arith.cmpi slt, %jit3A_721, %sign3A_731 : i32
        %sign3A_733 = arith.extui %sign3A_732 : i1 to i32
        %sign3A_734 = arith.subi %sign3A_730, %sign3A_733 : i32
        %ne3A_735 = arith.cmpi ne, %sign3A_727, %sign3A_734 : i32
        %rem3A_736 = arith.remsi %add3A_720, %jit3A_721 : i32
        %ne3A_737 = arith.constant 0 : i32
        %ne3A_738 = arith.cmpi ne, %rem3A_736, %ne3A_737 : i32
        %and3A_739 = arith.andi %ne3A_735, %ne3A_738 : i1
        %sub3A = arith.constant 1 : i32
        %sub3A_740 = arith.subi %div3A, %sub3A : i32
        %select_n3A_741 = arith.select %and3A_739, %sub3A_740, %div3A : i32
        %add3A_742 = arith.constant 1 : i32
        %add3A_743 = arith.addi %select_n3A_741, %add3A_742 : i32
        %jit3A_744 = arith.constant 2 : i32
        %eq3A_745 = arith.constant 0 : i32
        %eq3A_746 = arith.cmpi eq, %jit3A_744, %eq3A_745 : i32
        %jit3A_747 = arith.constant 1 : i32
        %select_n3A_748 = arith.select %eq3A_746, %jit3A_747, %jit3A_744 : i32
        %rem3A_749 = arith.remsi %add3A_743, %select_n3A_748 : i32
        %ne3A_750 = arith.constant 0 : i32
        %ne3A_751 = arith.cmpi ne, %rem3A_749, %ne3A_750 : i32
        %lt3A_752 = arith.constant 0 : i32
        %lt3A_753 = arith.cmpi slt, %rem3A_749, %lt3A_752 : i32
        %lt3A_754 = arith.constant 0 : i32
        %lt3A_755 = arith.cmpi slt, %select_n3A_748, %lt3A_754 : i32
        %ne3A_756 = arith.xori %lt3A_753, %lt3A_755 : i1
        %and3A_757 = arith.andi %ne3A_756, %ne3A_751 : i1
        %add3A_758 = arith.addi %rem3A_749, %select_n3A_748 : i32
        %select_n3A_759 = arith.select %and3A_757, %add3A_758, %rem3A_749 : i32
        %mul3A_760 = arith.constant 16 : i32
        %mul3A_761 = arith.muli %add3A_743, %mul3A_760 : i32
        %add3A_762 = arith.addi %mul3A_2, %mul3A_761 : i32
        %dma_start3A_763 = arith.constant 0 : i32
        %dma_start3A_764 = arith.constant 0 : i32
        %dma_start3A_765 = arith.constant 0 : i32
        %dma_start3A_766 = tpu.memref_slice %arg8[%select_n3A_759, %dma_start3A_763, %dma_start3A_764, %dma_start3A_765] : memref<2x16x2x100xi32, #tpu.memory_space<vmem>> -> memref<1x16x2x100xi32, #tpu.memory_space<vmem>>
        %dma_start3A_767 = tpu.memref_squeeze %dma_start3A_766 : memref<1x16x2x100xi32, #tpu.memory_space<vmem>> -> memref<16x2x100xi32, #tpu.memory_space<vmem>>
        %dma_start3A_768 = arith.constant 0 : i32
        %dma_start3A_769 = arith.constant 0 : i32
        %dma_start3A_770 = tpu.memref_slice %arg2[%add3A_762, %dma_start3A_768, %dma_start3A_769] : memref<4096x2x100xi32, #tpu.memory_space<hbm>> -> memref<16x2x100xi32, #tpu.memory_space<hbm>>
        %dma_start3A_771 = arith.constant 0 : i32
        %dma_start3A_772 = arith.constant 0 : i32
        %dma_start3A_773 = arith.constant 0 : i32
        %dma_start3A_774 = tpu.memref_slice %arg8[%select_n3A_759, %dma_start3A_771, %dma_start3A_772, %dma_start3A_773] : memref<2x16x2x100xi32, #tpu.memory_space<vmem>> -> memref<1x16x2x100xi32, #tpu.memory_space<vmem>>
        %dma_start3A_775 = tpu.memref_squeeze %dma_start3A_774 : memref<1x16x2x100xi32, #tpu.memory_space<vmem>> -> memref<16x2x100xi32, #tpu.memory_space<vmem>>
        %dma_start3A_776 = arith.constant 0 : i32
        %dma_start3A_777 = arith.constant 0 : i32
        %dma_start3A_778 = tpu.memref_slice %arg2[%add3A_762, %dma_start3A_776, %dma_start3A_777] : memref<4096x2x100xi32, #tpu.memory_space<hbm>> -> memref<16x2x100xi32, #tpu.memory_space<hbm>>
        tpu.enqueue_dma source(%dma_start3A_778 : memref<16x2x100xi32, #tpu.memory_space<hbm>>) target(%dma_start3A_775 : memref<16x2x100xi32, #tpu.memory_space<vmem>>) target_semaphore(%arg19 : memref<!tpu.dma_semaphore, #tpu.memory_space<semaphore_mem>>)
        %mul3A_779 = arith.constant 16 : i32
        %mul3A_780 = arith.muli %add3A_743, %mul3A_779 : i32
        %add3A_781 = arith.addi %mul3A_2, %mul3A_780 : i32
        %dma_start3A_782 = arith.constant 0 : i32
        %dma_start3A_783 = arith.constant 0 : i32
        %dma_start3A_784 = arith.constant 0 : i32
        %dma_start3A_785 = tpu.memref_slice %arg9[%select_n3A_759, %dma_start3A_782, %dma_start3A_783, %dma_start3A_784] : memref<2x16x2x100xi32, #tpu.memory_space<vmem>> -> memref<1x16x2x100xi32, #tpu.memory_space<vmem>>
        %dma_start3A_786 = tpu.memref_squeeze %dma_start3A_785 : memref<1x16x2x100xi32, #tpu.memory_space<vmem>> -> memref<16x2x100xi32, #tpu.memory_space<vmem>>
        %dma_start3A_787 = arith.constant 0 : i32
        %dma_start3A_788 = arith.constant 0 : i32
        %dma_start3A_789 = tpu.memref_slice %arg3[%add3A_781, %dma_start3A_787, %dma_start3A_788] : memref<4096x2x100xi32, #tpu.memory_space<hbm>> -> memref<16x2x100xi32, #tpu.memory_space<hbm>>
        %dma_start3A_790 = arith.constant 0 : i32
        %dma_start3A_791 = arith.constant 0 : i32
        %dma_start3A_792 = arith.constant 0 : i32
        %dma_start3A_793 = tpu.memref_slice %arg9[%select_n3A_759, %dma_start3A_790, %dma_start3A_791, %dma_start3A_792] : memref<2x16x2x100xi32, #tpu.memory_space<vmem>> -> memref<1x16x2x100xi32, #tpu.memory_space<vmem>>
        %dma_start3A_794 = tpu.memref_squeeze %dma_start3A_793 : memref<1x16x2x100xi32, #tpu.memory_space<vmem>> -> memref<16x2x100xi32, #tpu.memory_space<vmem>>
        %dma_start3A_795 = arith.constant 0 : i32
        %dma_start3A_796 = arith.constant 0 : i32
        %dma_start3A_797 = tpu.memref_slice %arg3[%add3A_781, %dma_start3A_795, %dma_start3A_796] : memref<4096x2x100xi32, #tpu.memory_space<hbm>> -> memref<16x2x100xi32, #tpu.memory_space<hbm>>
        tpu.enqueue_dma source(%dma_start3A_797 : memref<16x2x100xi32, #tpu.memory_space<hbm>>) target(%dma_start3A_794 : memref<16x2x100xi32, #tpu.memory_space<vmem>>) target_semaphore(%arg19 : memref<!tpu.dma_semaphore, #tpu.memory_space<semaphore_mem>>)
      } else {
      }
      %parallel_loop3A_583 = arith.constant 0 : i32
      %parallel_loop3A_584 = arith.constant 200 : i32
      %parallel_loop3A_585 = arith.constant 1 : i32
      scf.for %parallel_loop3A_719 = %parallel_loop3A_583 to %parallel_loop3A_584 step %parallel_loop3A_585  : i32 {
        %parallel_loop3A_720 = arith.index_cast %parallel_loop3A_719 : i32 to index
        %parallel_loop3A_721 = arith.constant 0 : index
        %parallel_loop3A_722 = tpu.vector_load %arg16[%parallel_loop3A_720, %parallel_loop3A_721] {strides = array<i32>} : memref<200x64xf32, #tpu.memory_space<vmem>>, vector<1x16xf32>,
        %parallel_loop3A_723 = vector.shape_cast %parallel_loop3A_722 : vector<1x16xf32> to vector<16xf32>
        %parallel_loop3A_724 = arith.index_cast %parallel_loop3A_719 : i32 to index
        %parallel_loop3A_725 = arith.constant 0 : index
        %parallel_loop3A_726 = tpu.vector_load %arg18[%parallel_loop3A_724, %parallel_loop3A_725] {strides = array<i32>} : memref<200x64xf32, #tpu.memory_space<vmem>>, vector<1x16xf32>,
        %parallel_loop3A_727 = vector.shape_cast %parallel_loop3A_726 : vector<1x16xf32> to vector<16xf32>
        %parallel_loop3A_728 = arith.addf %parallel_loop3A_723, %parallel_loop3A_727 : vector<16xf32>
        %parallel_loop3A_729 = arith.index_cast %parallel_loop3A_719 : i32 to index
        %parallel_loop3A_730 = arith.constant 0 : index
        %parallel_loop3A_731 = tpu.vector_load %arg12[%parallel_loop3A_729, %parallel_loop3A_730] {strides = array<i32>} : memref<200x64xf32, #tpu.memory_space<vmem>>, vector<1x16xf32>,
        %parallel_loop3A_732 = vector.shape_cast %parallel_loop3A_731 : vector<1x16xf32> to vector<16xf32>
        %parallel_loop3A_733 = vector.shape_cast %parallel_loop3A_728 : vector<16xf32> to vector<1x16xf32>
        tpu.vector_store %arg12[%parallel_loop3A_729, %parallel_loop3A_730], %parallel_loop3A_733 {add = true, strides = array<i32>} : memref<200x64xf32, #tpu.memory_space<vmem>>, vector<1x16xf32>,
        %parallel_loop3A_734 = arith.index_cast %parallel_loop3A_719 : i32 to index
        %parallel_loop3A_735 = arith.constant 16 : index
        %parallel_loop3A_736 = tpu.vector_load %arg16[%parallel_loop3A_734, %parallel_loop3A_735] {strides = array<i32>} : memref<200x64xf32, #tpu.memory_space<vmem>>, vector<1x16xf32>,
        %parallel_loop3A_737 = vector.shape_cast %parallel_loop3A_736 : vector<1x16xf32> to vector<16xf32>
        %parallel_loop3A_738 = arith.index_cast %parallel_loop3A_719 : i32 to index
        %parallel_loop3A_739 = arith.constant 16 : index
        %parallel_loop3A_740 = tpu.vector_load %arg18[%parallel_loop3A_738, %parallel_loop3A_739] {strides = array<i32>} : memref<200x64xf32, #tpu.memory_space<vmem>>, vector<1x16xf32>,
        %parallel_loop3A_741 = vector.shape_cast %parallel_loop3A_740 : vector<1x16xf32> to vector<16xf32>
        %parallel_loop3A_742 = arith.addf %parallel_loop3A_737, %parallel_loop3A_741 : vector<16xf32>
        %parallel_loop3A_743 = arith.index_cast %parallel_loop3A_719 : i32 to index
        %parallel_loop3A_744 = arith.constant 16 : index
        %parallel_loop3A_745 = tpu.vector_load %arg12[%parallel_loop3A_743, %parallel_loop3A_744] {strides = array<i32>} : memref<200x64xf32, #tpu.memory_space<vmem>>, vector<1x16xf32>,
        %parallel_loop3A_746 = vector.shape_cast %parallel_loop3A_745 : vector<1x16xf32> to vector<16xf32>
        %parallel_loop3A_747 = vector.shape_cast %parallel_loop3A_742 : vector<16xf32> to vector<1x16xf32>
        tpu.vector_store %arg12[%parallel_loop3A_743, %parallel_loop3A_744], %parallel_loop3A_747 {add = true, strides = array<i32>} : memref<200x64xf32, #tpu.memory_space<vmem>>, vector<1x16xf32>,
        %parallel_loop3A_748 = arith.index_cast %parallel_loop3A_719 : i32 to index
        %parallel_loop3A_749 = arith.constant 32 : index
        %parallel_loop3A_750 = tpu.vector_load %arg16[%parallel_loop3A_748, %parallel_loop3A_749] {strides = array<i32>} : memref<200x64xf32, #tpu.memory_space<vmem>>, vector<1x16xf32>,
        %parallel_loop3A_751 = vector.shape_cast %parallel_loop3A_750 : vector<1x16xf32> to vector<16xf32>
        %parallel_loop3A_752 = arith.index_cast %parallel_loop3A_719 : i32 to index
        %parallel_loop3A_753 = arith.constant 32 : index
        %parallel_loop3A_754 = tpu.vector_load %arg18[%parallel_loop3A_752, %parallel_loop3A_753] {strides = array<i32>} : memref<200x64xf32, #tpu.memory_space<vmem>>, vector<1x16xf32>,
        %parallel_loop3A_755 = vector.shape_cast %parallel_loop3A_754 : vector<1x16xf32> to vector<16xf32>
        %parallel_loop3A_756 = arith.addf %parallel_loop3A_751, %parallel_loop3A_755 : vector<16xf32>
        %parallel_loop3A_757 = arith.index_cast %parallel_loop3A_719 : i32 to index
        %parallel_loop3A_758 = arith.constant 32 : index
        %parallel_loop3A_759 = tpu.vector_load %arg12[%parallel_loop3A_757, %parallel_loop3A_758] {strides = array<i32>} : memref<200x64xf32, #tpu.memory_space<vmem>>, vector<1x16xf32>,
        %parallel_loop3A_760 = vector.shape_cast %parallel_loop3A_759 : vector<1x16xf32> to vector<16xf32>
        %parallel_loop3A_761 = vector.shape_cast %parallel_loop3A_756 : vector<16xf32> to vector<1x16xf32>
        tpu.vector_store %arg12[%parallel_loop3A_757, %parallel_loop3A_758], %parallel_loop3A_761 {add = true, strides = array<i32>} : memref<200x64xf32, #tpu.memory_space<vmem>>, vector<1x16xf32>,
        %parallel_loop3A_762 = arith.index_cast %parallel_loop3A_719 : i32 to index
        %parallel_loop3A_763 = arith.constant 48 : index
        %parallel_loop3A_764 = tpu.vector_load %arg16[%parallel_loop3A_762, %parallel_loop3A_763] {strides = array<i32>} : memref<200x64xf32, #tpu.memory_space<vmem>>, vector<1x16xf32>,
        %parallel_loop3A_765 = vector.shape_cast %parallel_loop3A_764 : vector<1x16xf32> to vector<16xf32>
        %parallel_loop3A_766 = arith.index_cast %parallel_loop3A_719 : i32 to index
        %parallel_loop3A_767 = arith.constant 48 : index
        %parallel_loop3A_768 = tpu.vector_load %arg18[%parallel_loop3A_766, %parallel_loop3A_767] {strides = array<i32>} : memref<200x64xf32, #tpu.memory_space<vmem>>, vector<1x16xf32>,
        %parallel_loop3A_769 = vector.shape_cast %parallel_loop3A_768 : vector<1x16xf32> to vector<16xf32>
        %parallel_loop3A_770 = arith.addf %parallel_loop3A_765, %parallel_loop3A_769 : vector<16xf32>
        %parallel_loop3A_771 = arith.index_cast %parallel_loop3A_719 : i32 to index
        %parallel_loop3A_772 = arith.constant 48 : index
        %parallel_loop3A_773 = tpu.vector_load %arg12[%parallel_loop3A_771, %parallel_loop3A_772] {strides = array<i32>} : memref<200x64xf32, #tpu.memory_space<vmem>>, vector<1x16xf32>,
        %parallel_loop3A_774 = vector.shape_cast %parallel_loop3A_773 : vector<1x16xf32> to vector<16xf32>
        %parallel_loop3A_775 = vector.shape_cast %parallel_loop3A_770 : vector<16xf32> to vector<1x16xf32>
        tpu.vector_store %arg12[%parallel_loop3A_771, %parallel_loop3A_772], %parallel_loop3A_775 {add = true, strides = array<i32>} : memref<200x64xf32, #tpu.memory_space<vmem>>, vector<1x16xf32>,
      } {sc.loop_unroll_factor = 2 : i64, sc.parallel_access}
      %add3A_586 = arith.addi %mul3A_2, %add3A_474 : i32
      %dma_start3A_587 = arith.constant 0 : i32
      %dma_start3A_588 = arith.constant 0 : i32
      %dma_start3A_589 = tpu.memref_slice %arg7[%add3A_586, %dma_start3A_587, %dma_start3A_588] : memref<4096x200x64xf32, #tpu.memory_space<hbm>> -> memref<1x200x64xf32, #tpu.memory_space<hbm>>
      %dma_start3A_590 = tpu.memref_squeeze %dma_start3A_589 : memref<1x200x64xf32, #tpu.memory_space<hbm>> -> memref<200x64xf32, #tpu.memory_space<hbm>>
      %dma_start3A_591 = arith.constant 0 : i32
      %dma_start3A_592 = arith.constant 0 : i32
      %dma_start3A_593 = tpu.memref_slice %arg7[%add3A_586, %dma_start3A_591, %dma_start3A_592] : memref<4096x200x64xf32, #tpu.memory_space<hbm>> -> memref<1x200x64xf32, #tpu.memory_space<hbm>>
      %dma_start3A_594 = tpu.memref_squeeze %dma_start3A_593 : memref<1x200x64xf32, #tpu.memory_space<hbm>> -> memref<200x64xf32, #tpu.memory_space<hbm>>
      tpu.enqueue_dma source(%arg12 : memref<200x64xf32, #tpu.memory_space<vmem>>) target(%dma_start3A_594 : memref<200x64xf32, #tpu.memory_space<hbm>>) target_semaphore(%arg26 : memref<!tpu.dma_semaphore, #tpu.memory_space<semaphore_mem>>)
      %mul3A_595 = arith.constant 4 : i32
      %mul3A_596 = arith.muli %scan3A_234, %mul3A_595 : i32
      %add3A_597 = arith.constant 3 : i32
      %add3A_598 = arith.addi %mul3A_596, %add3A_597 : i32
      %add3A_599 = arith.constant 2 : i32
      %add3A_600 = arith.addi %add3A_598, %add3A_599 : i32
      %ge3A_601 = arith.constant 2 : i32
      %ge3A_602 = arith.cmpi sge, %add3A_598, %ge3A_601 : i32
      %convert_element_type3A_603 = arith.extui %ge3A_602 : i1 to i32
      %cond3A_604 = arith.constant 0 : i32
      %cond3A_605 = arith.cmpi ne, %convert_element_type3A_603, %cond3A_604 : i32
      scf.if %cond3A_605 {
        %dma_wait3A_719 = arith.constant 0 : i32
        %dma_wait3A_720 = arith.constant 0 : i32
        %dma_wait3A_721 = arith.constant 0 : i32
        %dma_wait3A_722 = tpu.memref_slice %arg7[%dma_wait3A_719, %dma_wait3A_720, %dma_wait3A_721] : memref<4096x200x64xf32, #tpu.memory_space<hbm>> -> memref<1x200x64xf32, #tpu.memory_space<hbm>>
        %dma_wait3A_723 = tpu.memref_squeeze %dma_wait3A_722 : memref<1x200x64xf32, #tpu.memory_space<hbm>> -> memref<200x64xf32, #tpu.memory_space<hbm>>
        %dma_wait3A_724 = arith.constant 0 : i32
        %dma_wait3A_725 = arith.constant 0 : i32
        %dma_wait3A_726 = tpu.memref_slice %arg7[%dma_wait3A_719, %dma_wait3A_724, %dma_wait3A_725] : memref<4096x200x64xf32, #tpu.memory_space<hbm>> -> memref<1x200x64xf32, #tpu.memory_space<hbm>>
        %dma_wait3A_727 = tpu.memref_squeeze %dma_wait3A_726 : memref<1x200x64xf32, #tpu.memory_space<hbm>> -> memref<200x64xf32, #tpu.memory_space<hbm>>
        tpu.wait_dma2 semaphore(%arg25 : memref<!tpu.dma_semaphore, #tpu.memory_space<semaphore_mem>>) src(%arg11 : memref<200x64xf32, #tpu.memory_space<vmem>>) dst(%dma_wait3A_727 : memref<200x64xf32, #tpu.memory_space<hbm>>)
      } else {
      }
      %jit3A_606 = arith.constant 16 : i32
      %eq3A_607 = arith.constant 0 : i32
      %eq3A_608 = arith.cmpi eq, %jit3A_606, %eq3A_607 : i32
      %jit3A_609 = arith.constant 1 : i32
      %select_n3A_610 = arith.select %eq3A_608, %jit3A_609, %jit3A_606 : i32
      %rem3A_611 = arith.remsi %add3A_600, %select_n3A_610 : i32
      %ne3A_612 = arith.constant 0 : i32
      %ne3A_613 = arith.cmpi ne, %rem3A_611, %ne3A_612 : i32
      %lt3A_614 = arith.constant 0 : i32
      %lt3A_615 = arith.cmpi slt, %rem3A_611, %lt3A_614 : i32
      %lt3A_616 = arith.constant 0 : i32
      %lt3A_617 = arith.cmpi slt, %select_n3A_610, %lt3A_616 : i32
      %ne3A_618 = arith.xori %lt3A_615, %lt3A_617 : i1
      %and3A_619 = arith.andi %ne3A_618, %ne3A_613 : i1
      %add3A_620 = arith.addi %rem3A_611, %select_n3A_610 : i32
      %select_n3A_621 = arith.select %and3A_619, %add3A_620, %rem3A_611 : i32
      %eq3A_622 = arith.constant 0 : i32
      %eq3A_623 = arith.cmpi eq, %select_n3A_621, %eq3A_622 : i32
      %le3A_624 = arith.constant 125 : i32
      %le3A_625 = arith.cmpi sle, %add3A_598, %le3A_624 : i32
      %and3A_626 = arith.andi %eq3A_623, %le3A_625 : i1
      %convert_element_type3A_627 = arith.extui %and3A_626 : i1 to i32
      %cond3A_628 = arith.constant 0 : i32
      %cond3A_629 = arith.cmpi ne, %convert_element_type3A_627, %cond3A_628 : i32
      scf.if %cond3A_629 {
        %dma_wait3A_719 = arith.constant 0 : i32
        %dma_wait3A_720 = arith.constant 0 : i32
        %dma_wait3A_721 = arith.constant 0 : i32
        %dma_wait3A_722 = arith.constant 0 : i32
        %dma_wait3A_723 = tpu.memref_slice %arg8[%dma_wait3A_719, %dma_wait3A_720, %dma_wait3A_721, %dma_wait3A_722] : memref<2x16x2x100xi32, #tpu.memory_space<vmem>> -> memref<1x16x2x100xi32, #tpu.memory_space<vmem>>
        %dma_wait3A_724 = tpu.memref_squeeze %dma_wait3A_723 : memref<1x16x2x100xi32, #tpu.memory_space<vmem>> -> memref<16x2x100xi32, #tpu.memory_space<vmem>>
        %dma_wait3A_725 = arith.constant 0 : i32
        %dma_wait3A_726 = arith.constant 0 : i32
        %dma_wait3A_727 = arith.constant 0 : i32
        %dma_wait3A_728 = tpu.memref_slice %arg2[%dma_wait3A_725, %dma_wait3A_726, %dma_wait3A_727] : memref<4096x2x100xi32, #tpu.memory_space<hbm>> -> memref<16x2x100xi32, #tpu.memory_space<hbm>>
        %dma_wait3A_729 = arith.constant 0 : i32
        %dma_wait3A_730 = arith.constant 0 : i32
        %dma_wait3A_731 = arith.constant 0 : i32
        %dma_wait3A_732 = tpu.memref_slice %arg8[%dma_wait3A_719, %dma_wait3A_729, %dma_wait3A_730, %dma_wait3A_731] : memref<2x16x2x100xi32, #tpu.memory_space<vmem>> -> memref<1x16x2x100xi32, #tpu.memory_space<vmem>>
        %dma_wait3A_733 = tpu.memref_squeeze %dma_wait3A_732 : memref<1x16x2x100xi32, #tpu.memory_space<vmem>> -> memref<16x2x100xi32, #tpu.memory_space<vmem>>
        %dma_wait3A_734 = arith.constant 0 : i32
        %dma_wait3A_735 = arith.constant 0 : i32
        %dma_wait3A_736 = arith.constant 0 : i32
        %dma_wait3A_737 = tpu.memref_slice %arg2[%dma_wait3A_734, %dma_wait3A_735, %dma_wait3A_736] : memref<4096x2x100xi32, #tpu.memory_space<hbm>> -> memref<16x2x100xi32, #tpu.memory_space<hbm>>
        tpu.wait_dma2 semaphore(%arg19 : memref<!tpu.dma_semaphore, #tpu.memory_space<semaphore_mem>>) src(%dma_wait3A_737 : memref<16x2x100xi32, #tpu.memory_space<hbm>>) dst(%dma_wait3A_733 : memref<16x2x100xi32, #tpu.memory_space<vmem>>)
        %dma_wait3A_738 = arith.constant 0 : i32
        %dma_wait3A_739 = arith.constant 0 : i32
        %dma_wait3A_740 = arith.constant 0 : i32
        %dma_wait3A_741 = arith.constant 0 : i32
        %dma_wait3A_742 = tpu.memref_slice %arg9[%dma_wait3A_738, %dma_wait3A_739, %dma_wait3A_740, %dma_wait3A_741] : memref<2x16x2x100xi32, #tpu.memory_space<vmem>> -> memref<1x16x2x100xi32, #tpu.memory_space<vmem>>
        %dma_wait3A_743 = tpu.memref_squeeze %dma_wait3A_742 : memref<1x16x2x100xi32, #tpu.memory_space<vmem>> -> memref<16x2x100xi32, #tpu.memory_space<vmem>>
        %dma_wait3A_744 = arith.constant 0 : i32
        %dma_wait3A_745 = arith.constant 0 : i32
        %dma_wait3A_746 = arith.constant 0 : i32
        %dma_wait3A_747 = tpu.memref_slice %arg3[%dma_wait3A_744, %dma_wait3A_745, %dma_wait3A_746] : memref<4096x2x100xi32, #tpu.memory_space<hbm>> -> memref<16x2x100xi32, #tpu.memory_space<hbm>>
        %dma_wait3A_748 = arith.constant 0 : i32
        %dma_wait3A_749 = arith.constant 0 : i32
        %dma_wait3A_750 = arith.constant 0 : i32
        %dma_wait3A_751 = tpu.memref_slice %arg9[%dma_wait3A_738, %dma_wait3A_748, %dma_wait3A_749, %dma_wait3A_750] : memref<2x16x2x100xi32, #tpu.memory_space<vmem>> -> memref<1x16x2x100xi32, #tpu.memory_space<vmem>>
        %dma_wait3A_752 = tpu.memref_squeeze %dma_wait3A_751 : memref<1x16x2x100xi32, #tpu.memory_space<vmem>> -> memref<16x2x100xi32, #tpu.memory_space<vmem>>
        %dma_wait3A_753 = arith.constant 0 : i32
        %dma_wait3A_754 = arith.constant 0 : i32
        %dma_wait3A_755 = arith.constant 0 : i32
        %dma_wait3A_756 = tpu.memref_slice %arg3[%dma_wait3A_753, %dma_wait3A_754, %dma_wait3A_755] : memref<4096x2x100xi32, #tpu.memory_space<hbm>> -> memref<16x2x100xi32, #tpu.memory_space<hbm>>
        tpu.wait_dma2 semaphore(%arg19 : memref<!tpu.dma_semaphore, #tpu.memory_space<semaphore_mem>>) src(%dma_wait3A_756 : memref<16x2x100xi32, #tpu.memory_space<hbm>>) dst(%dma_wait3A_752 : memref<16x2x100xi32, #tpu.memory_space<vmem>>)
      } else {
      }
      %le3A_630 = arith.constant 125 : i32
      %le3A_631 = arith.cmpi sle, %add3A_598, %le3A_630 : i32
      %convert_element_type3A_632 = arith.extui %le3A_631 : i1 to i32
      %cond3A_633 = arith.constant 0 : i32
      %cond3A_634 = arith.cmpi ne, %convert_element_type3A_632, %cond3A_633 : i32
      scf.if %cond3A_634 {
        %jit3A_719 = arith.constant 16 : i32
        %div3A = arith.divsi %add3A_600, %jit3A_719 : i32
        %sign3A = arith.constant 0 : i32
        %sign3A_720 = arith.cmpi sgt, %add3A_600, %sign3A : i32
        %sign3A_721 = arith.extui %sign3A_720 : i1 to i32
        %sign3A_722 = arith.constant 0 : i32
        %sign3A_723 = arith.cmpi slt, %add3A_600, %sign3A_722 : i32
        %sign3A_724 = arith.extui %sign3A_723 : i1 to i32
        %sign3A_725 = arith.subi %sign3A_721, %sign3A_724 : i32
        %sign3A_726 = arith.constant 0 : i32
        %sign3A_727 = arith.cmpi sgt, %jit3A_719, %sign3A_726 : i32
        %sign3A_728 = arith.extui %sign3A_727 : i1 to i32
        %sign3A_729 = arith.constant 0 : i32
        %sign3A_730 = arith.cmpi slt, %jit3A_719, %sign3A_729 : i32
        %sign3A_731 = arith.extui %sign3A_730 : i1 to i32
        %sign3A_732 = arith.subi %sign3A_728, %sign3A_731 : i32
        %ne3A_733 = arith.cmpi ne, %sign3A_725, %sign3A_732 : i32
        %rem3A_734 = arith.remsi %add3A_600, %jit3A_719 : i32
        %ne3A_735 = arith.constant 0 : i32
        %ne3A_736 = arith.cmpi ne, %rem3A_734, %ne3A_735 : i32
        %and3A_737 = arith.andi %ne3A_733, %ne3A_736 : i1
        %sub3A = arith.constant 1 : i32
        %sub3A_738 = arith.subi %div3A, %sub3A : i32
        %select_n3A_739 = arith.select %and3A_737, %sub3A_738, %div3A : i32
        %jit3A_740 = arith.constant 2 : i32
        %eq3A_741 = arith.constant 0 : i32
        %eq3A_742 = arith.cmpi eq, %jit3A_740, %eq3A_741 : i32
        %jit3A_743 = arith.constant 1 : i32
        %select_n3A_744 = arith.select %eq3A_742, %jit3A_743, %jit3A_740 : i32
        %rem3A_745 = arith.remsi %select_n3A_739, %select_n3A_744 : i32
        %ne3A_746 = arith.constant 0 : i32
        %ne3A_747 = arith.cmpi ne, %rem3A_745, %ne3A_746 : i32
        %lt3A_748 = arith.constant 0 : i32
        %lt3A_749 = arith.cmpi slt, %rem3A_745, %lt3A_748 : i32
        %lt3A_750 = arith.constant 0 : i32
        %lt3A_751 = arith.cmpi slt, %select_n3A_744, %lt3A_750 : i32
        %ne3A_752 = arith.xori %lt3A_749, %lt3A_751 : i1
        %and3A_753 = arith.andi %ne3A_752, %ne3A_747 : i1
        %add3A_754 = arith.addi %rem3A_745, %select_n3A_744 : i32
        %select_n3A_755 = arith.select %and3A_753, %add3A_754, %rem3A_745 : i32
        %jit3A_756 = arith.constant 16 : i32
        %eq3A_757 = arith.constant 0 : i32
        %eq3A_758 = arith.cmpi eq, %jit3A_756, %eq3A_757 : i32
        %jit3A_759 = arith.constant 1 : i32
        %select_n3A_760 = arith.select %eq3A_758, %jit3A_759, %jit3A_756 : i32
        %rem3A_761 = arith.remsi %add3A_600, %select_n3A_760 : i32
        %ne3A_762 = arith.constant 0 : i32
        %ne3A_763 = arith.cmpi ne, %rem3A_761, %ne3A_762 : i32
        %lt3A_764 = arith.constant 0 : i32
        %lt3A_765 = arith.cmpi slt, %rem3A_761, %lt3A_764 : i32
        %lt3A_766 = arith.constant 0 : i32
        %lt3A_767 = arith.cmpi slt, %select_n3A_760, %lt3A_766 : i32
        %ne3A_768 = arith.xori %lt3A_765, %lt3A_767 : i1
        %and3A_769 = arith.andi %ne3A_768, %ne3A_763 : i1
        %add3A_770 = arith.addi %rem3A_761, %select_n3A_760 : i32
        %select_n3A_771 = arith.select %and3A_769, %add3A_770, %rem3A_761 : i32
        %dma_start3A_772 = arith.constant 0 : i32
        %dma_start3A_773 = arith.constant 0 : i32
        %dma_start3A_774 = arith.constant 0 : i32
        %dma_start3A_775 = tpu.memref_slice %arg11[%dma_start3A_773, %dma_start3A_774] : memref<200x64xf32, #tpu.memory_space<vmem>> -> memref<100x64xf32, #tpu.memory_space<vmem>>
        %dma_start3A_776 = arith.constant 0 : i32
        %dma_start3A_777 = tpu.memref_slice %arg8[%select_n3A_755, %select_n3A_771, %dma_start3A_772, %dma_start3A_776] : memref<2x16x2x100xi32, #tpu.memory_space<vmem>> -> memref<1x1x1x100xi32, #tpu.memory_space<vmem>>
        %dma_start3A_778 = tpu.memref_squeeze %dma_start3A_777 : memref<1x1x1x100xi32, #tpu.memory_space<vmem>> -> memref<100xi32, #tpu.memory_space<vmem>>
        %dma_start3A_779 = arith.constant 0 : i32
        %dma_start3A_780 = arith.constant 0 : i32
        %dma_start3A_781 = tpu.memref_slice %arg4[%dma_start3A_779, %dma_start3A_780] : memref<1000000x64xf32, #tpu.memory_space<hbm>> -> memref<1000000x64xf32, #tpu.memory_space<hbm>>
        tpu.enqueue_indirect_dma source(%dma_start3A_781 : memref<1000000x64xf32, #tpu.memory_space<hbm>>) target(%dma_start3A_775 : memref<100x64xf32, #tpu.memory_space<vmem>>) offsets(%dma_start3A_778 : memref<100xi32, #tpu.memory_space<vmem>>) semaphore(%arg21 : memref<!tpu.dma_semaphore, #tpu.memory_space<semaphore_mem>>)
        %dma_start3A_782 = arith.constant 1 : i32
        %dma_start3A_783 = arith.constant 100 : i32
        %dma_start3A_784 = arith.constant 0 : i32
        %dma_start3A_785 = tpu.memref_slice %arg11[%dma_start3A_783, %dma_start3A_784] : memref<200x64xf32, #tpu.memory_space<vmem>> -> memref<100x64xf32, #tpu.memory_space<vmem>>
        %dma_start3A_786 = arith.constant 0 : i32
        %dma_start3A_787 = tpu.memref_slice %arg8[%select_n3A_755, %select_n3A_771, %dma_start3A_782, %dma_start3A_786] : memref<2x16x2x100xi32, #tpu.memory_space<vmem>> -> memref<1x1x1x100xi32, #tpu.memory_space<vmem>>
        %dma_start3A_788 = tpu.memref_squeeze %dma_start3A_787 : memref<1x1x1x100xi32, #tpu.memory_space<vmem>> -> memref<100xi32, #tpu.memory_space<vmem>>
        %dma_start3A_789 = arith.constant 0 : i32
        %dma_start3A_790 = arith.constant 0 : i32
        %dma_start3A_791 = tpu.memref_slice %arg4[%dma_start3A_789, %dma_start3A_790] : memref<1000000x64xf32, #tpu.memory_space<hbm>> -> memref<1000000x64xf32, #tpu.memory_space<hbm>>
        tpu.enqueue_indirect_dma source(%dma_start3A_791 : memref<1000000x64xf32, #tpu.memory_space<hbm>>) target(%dma_start3A_785 : memref<100x64xf32, #tpu.memory_space<vmem>>) offsets(%dma_start3A_788 : memref<100xi32, #tpu.memory_space<vmem>>) semaphore(%arg21 : memref<!tpu.dma_semaphore, #tpu.memory_space<semaphore_mem>>)
        %dma_start3A_792 = arith.constant 0 : i32
        %dma_start3A_793 = arith.constant 0 : i32
        %dma_start3A_794 = arith.constant 0 : i32
        %dma_start3A_795 = tpu.memref_slice %arg15[%dma_start3A_793, %dma_start3A_794] : memref<200x64xf32, #tpu.memory_space<vmem>> -> memref<100x64xf32, #tpu.memory_space<vmem>>
        %dma_start3A_796 = arith.constant 0 : i32
        %dma_start3A_797 = tpu.memref_slice %arg9[%select_n3A_755, %select_n3A_771, %dma_start3A_792, %dma_start3A_796] : memref<2x16x2x100xi32, #tpu.memory_space<vmem>> -> memref<1x1x1x100xi32, #tpu.memory_space<vmem>>
        %dma_start3A_798 = tpu.memref_squeeze %dma_start3A_797 : memref<1x1x1x100xi32, #tpu.memory_space<vmem>> -> memref<100xi32, #tpu.memory_space<vmem>>
        %dma_start3A_799 = arith.constant 0 : i32
        %dma_start3A_800 = arith.constant 0 : i32
        %dma_start3A_801 = tpu.memref_slice %arg5[%dma_start3A_799, %dma_start3A_800] : memref<10000x64xf32, #tpu.memory_space<hbm>> -> memref<10000x64xf32, #tpu.memory_space<hbm>>
        tpu.enqueue_indirect_dma source(%dma_start3A_801 : memref<10000x64xf32, #tpu.memory_space<hbm>>) target(%dma_start3A_795 : memref<100x64xf32, #tpu.memory_space<vmem>>) offsets(%dma_start3A_798 : memref<100xi32, #tpu.memory_space<vmem>>) semaphore(%arg21 : memref<!tpu.dma_semaphore, #tpu.memory_space<semaphore_mem>>)
        %dma_start3A_802 = arith.constant 1 : i32
        %dma_start3A_803 = arith.constant 100 : i32
        %dma_start3A_804 = arith.constant 0 : i32
        %dma_start3A_805 = tpu.memref_slice %arg15[%dma_start3A_803, %dma_start3A_804] : memref<200x64xf32, #tpu.memory_space<vmem>> -> memref<100x64xf32, #tpu.memory_space<vmem>>
        %dma_start3A_806 = arith.constant 0 : i32
        %dma_start3A_807 = tpu.memref_slice %arg9[%select_n3A_755, %select_n3A_771, %dma_start3A_802, %dma_start3A_806] : memref<2x16x2x100xi32, #tpu.memory_space<vmem>> -> memref<1x1x1x100xi32, #tpu.memory_space<vmem>>
        %dma_start3A_808 = tpu.memref_squeeze %dma_start3A_807 : memref<1x1x1x100xi32, #tpu.memory_space<vmem>> -> memref<100xi32, #tpu.memory_space<vmem>>
        %dma_start3A_809 = arith.constant 0 : i32
        %dma_start3A_810 = arith.constant 0 : i32
        %dma_start3A_811 = tpu.memref_slice %arg5[%dma_start3A_809, %dma_start3A_810] : memref<10000x64xf32, #tpu.memory_space<hbm>> -> memref<10000x64xf32, #tpu.memory_space<hbm>>
        tpu.enqueue_indirect_dma source(%dma_start3A_811 : memref<10000x64xf32, #tpu.memory_space<hbm>>) target(%dma_start3A_805 : memref<100x64xf32, #tpu.memory_space<vmem>>) offsets(%dma_start3A_808 : memref<100xi32, #tpu.memory_space<vmem>>) semaphore(%arg21 : memref<!tpu.dma_semaphore, #tpu.memory_space<semaphore_mem>>)
      } else {
      }
      %dma_wait3A_635 = arith.constant 0 : i32
      %dma_wait3A_636 = arith.constant 0 : i32
      %dma_wait3A_637 = arith.constant 0 : i32
      %dma_wait3A_638 = arith.constant 0 : i32
      %dma_wait3A_639 = arith.constant 0 : i32
      %dma_wait3A_640 = tpu.memref_slice %arg13[%dma_wait3A_638, %dma_wait3A_639] : memref<200x64xf32, #tpu.memory_space<vmem>> -> memref<100x64xf32, #tpu.memory_space<vmem>>
      %dma_wait3A_641 = arith.constant 0 : i32
      %dma_wait3A_642 = tpu.memref_slice %arg8[%dma_wait3A_635, %dma_wait3A_636, %dma_wait3A_637, %dma_wait3A_641] : memref<2x16x2x100xi32, #tpu.memory_space<vmem>> -> memref<1x1x1x100xi32, #tpu.memory_space<vmem>>
      %dma_wait3A_643 = tpu.memref_squeeze %dma_wait3A_642 : memref<1x1x1x100xi32, #tpu.memory_space<vmem>> -> memref<100xi32, #tpu.memory_space<vmem>>
      %dma_wait3A_644 = arith.constant 0 : i32
      %dma_wait3A_645 = arith.constant 0 : i32
      %dma_wait3A_646 = tpu.memref_slice %arg4[%dma_wait3A_644, %dma_wait3A_645] : memref<1000000x64xf32, #tpu.memory_space<hbm>> -> memref<1000000x64xf32, #tpu.memory_space<hbm>>
      tpu.wait_indirect_dma semaphore(%arg23 : memref<!tpu.dma_semaphore, #tpu.memory_space<semaphore_mem>>) src(%dma_wait3A_646 : memref<1000000x64xf32, #tpu.memory_space<hbm>>) dst(%dma_wait3A_640 : memref<100x64xf32, #tpu.memory_space<vmem>>)
      %dma_wait3A_647 = arith.constant 0 : i32
      %dma_wait3A_648 = arith.constant 0 : i32
      %dma_wait3A_649 = arith.constant 1 : i32
      %dma_wait3A_650 = arith.constant 100 : i32
      %dma_wait3A_651 = arith.constant 0 : i32
      %dma_wait3A_652 = tpu.memref_slice %arg13[%dma_wait3A_650, %dma_wait3A_651] : memref<200x64xf32, #tpu.memory_space<vmem>> -> memref<100x64xf32, #tpu.memory_space<vmem>>
      %dma_wait3A_653 = arith.constant 0 : i32
      %dma_wait3A_654 = tpu.memref_slice %arg8[%dma_wait3A_647, %dma_wait3A_648, %dma_wait3A_649, %dma_wait3A_653] : memref<2x16x2x100xi32, #tpu.memory_space<vmem>> -> memref<1x1x1x100xi32, #tpu.memory_space<vmem>>
      %dma_wait3A_655 = tpu.memref_squeeze %dma_wait3A_654 : memref<1x1x1x100xi32, #tpu.memory_space<vmem>> -> memref<100xi32, #tpu.memory_space<vmem>>
      %dma_wait3A_656 = arith.constant 0 : i32
      %dma_wait3A_657 = arith.constant 0 : i32
      %dma_wait3A_658 = tpu.memref_slice %arg4[%dma_wait3A_656, %dma_wait3A_657] : memref<1000000x64xf32, #tpu.memory_space<hbm>> -> memref<1000000x64xf32, #tpu.memory_space<hbm>>
      tpu.wait_indirect_dma semaphore(%arg23 : memref<!tpu.dma_semaphore, #tpu.memory_space<semaphore_mem>>) src(%dma_wait3A_658 : memref<1000000x64xf32, #tpu.memory_space<hbm>>) dst(%dma_wait3A_652 : memref<100x64xf32, #tpu.memory_space<vmem>>)
      %dma_wait3A_659 = arith.constant 0 : i32
      %dma_wait3A_660 = arith.constant 0 : i32
      %dma_wait3A_661 = arith.constant 0 : i32
      %dma_wait3A_662 = arith.constant 0 : i32
      %dma_wait3A_663 = arith.constant 0 : i32
      %dma_wait3A_664 = tpu.memref_slice %arg17[%dma_wait3A_662, %dma_wait3A_663] : memref<200x64xf32, #tpu.memory_space<vmem>> -> memref<100x64xf32, #tpu.memory_space<vmem>>
      %dma_wait3A_665 = arith.constant 0 : i32
      %dma_wait3A_666 = tpu.memref_slice %arg9[%dma_wait3A_659, %dma_wait3A_660, %dma_wait3A_661, %dma_wait3A_665] : memref<2x16x2x100xi32, #tpu.memory_space<vmem>> -> memref<1x1x1x100xi32, #tpu.memory_space<vmem>>
      %dma_wait3A_667 = tpu.memref_squeeze %dma_wait3A_666 : memref<1x1x1x100xi32, #tpu.memory_space<vmem>> -> memref<100xi32, #tpu.memory_space<vmem>>
      %dma_wait3A_668 = arith.constant 0 : i32
      %dma_wait3A_669 = arith.constant 0 : i32
      %dma_wait3A_670 = tpu.memref_slice %arg5[%dma_wait3A_668, %dma_wait3A_669] : memref<10000x64xf32, #tpu.memory_space<hbm>> -> memref<10000x64xf32, #tpu.memory_space<hbm>>
      tpu.wait_indirect_dma semaphore(%arg23 : memref<!tpu.dma_semaphore, #tpu.memory_space<semaphore_mem>>) src(%dma_wait3A_670 : memref<10000x64xf32, #tpu.memory_space<hbm>>) dst(%dma_wait3A_664 : memref<100x64xf32, #tpu.memory_space<vmem>>)
      %dma_wait3A_671 = arith.constant 0 : i32
      %dma_wait3A_672 = arith.constant 0 : i32
      %dma_wait3A_673 = arith.constant 1 : i32
      %dma_wait3A_674 = arith.constant 100 : i32
      %dma_wait3A_675 = arith.constant 0 : i32
      %dma_wait3A_676 = tpu.memref_slice %arg17[%dma_wait3A_674, %dma_wait3A_675] : memref<200x64xf32, #tpu.memory_space<vmem>> -> memref<100x64xf32, #tpu.memory_space<vmem>>
      %dma_wait3A_677 = arith.constant 0 : i32
      %dma_wait3A_678 = tpu.memref_slice %arg9[%dma_wait3A_671, %dma_wait3A_672, %dma_wait3A_673, %dma_wait3A_677] : memref<2x16x2x100xi32, #tpu.memory_space<vmem>> -> memref<1x1x1x100xi32, #tpu.memory_space<vmem>>
      %dma_wait3A_679 = tpu.memref_squeeze %dma_wait3A_678 : memref<1x1x1x100xi32, #tpu.memory_space<vmem>> -> memref<100xi32, #tpu.memory_space<vmem>>
      %dma_wait3A_680 = arith.constant 0 : i32
      %dma_wait3A_681 = arith.constant 0 : i32
      %dma_wait3A_682 = tpu.memref_slice %arg5[%dma_wait3A_680, %dma_wait3A_681] : memref<10000x64xf32, #tpu.memory_space<hbm>> -> memref<10000x64xf32, #tpu.memory_space<hbm>>
      tpu.wait_indirect_dma semaphore(%arg23 : memref<!tpu.dma_semaphore, #tpu.memory_space<semaphore_mem>>) src(%dma_wait3A_682 : memref<10000x64xf32, #tpu.memory_space<hbm>>) dst(%dma_wait3A_676 : memref<100x64xf32, #tpu.memory_space<vmem>>)
      %jit3A_683 = arith.constant 16 : i32
      %eq3A_684 = arith.constant 0 : i32
      %eq3A_685 = arith.cmpi eq, %jit3A_683, %eq3A_684 : i32
      %jit3A_686 = arith.constant 1 : i32
      %select_n3A_687 = arith.select %eq3A_685, %jit3A_686, %jit3A_683 : i32
      %rem3A_688 = arith.remsi %add3A_598, %select_n3A_687 : i32
      %ne3A_689 = arith.constant 0 : i32
      %ne3A_690 = arith.cmpi ne, %rem3A_688, %ne3A_689 : i32
      %lt3A_691 = arith.constant 0 : i32
      %lt3A_692 = arith.cmpi slt, %rem3A_688, %lt3A_691 : i32
      %lt3A_693 = arith.constant 0 : i32
      %lt3A_694 = arith.cmpi slt, %select_n3A_687, %lt3A_693 : i32
      %ne3A_695 = arith.xori %lt3A_692, %lt3A_694 : i1
      %and3A_696 = arith.andi %ne3A_695, %ne3A_690 : i1
      %add3A_697 = arith.addi %rem3A_688, %select_n3A_687 : i32
      %select_n3A_698 = arith.select %and3A_696, %add3A_697, %rem3A_688 : i32
      %eq3A_699 = arith.constant 15 : i32
      %eq3A_700 = arith.cmpi eq, %select_n3A_698, %eq3A_699 : i32
      %le3A_701 = arith.constant 110 : i32
      %le3A_702 = arith.cmpi sle, %add3A_598, %le3A_701 : i32
      %and3A_703 = arith.andi %eq3A_700, %le3A_702 : i1
      %convert_element_type3A_704 = arith.extui %and3A_703 : i1 to i32
      %cond3A_705 = arith.constant 0 : i32
      %cond3A_706 = arith.cmpi ne, %convert_element_type3A_704, %cond3A_705 : i32
      scf.if %cond3A_706 {
        %add3A_719 = arith.constant 1 : i32
        %add3A_720 = arith.addi %add3A_598, %add3A_719 : i32
        %jit3A_721 = arith.constant 16 : i32
        %div3A = arith.divsi %add3A_720, %jit3A_721 : i32
        %sign3A = arith.constant 0 : i32
        %sign3A_722 = arith.cmpi sgt, %add3A_720, %sign3A : i32
        %sign3A_723 = arith.extui %sign3A_722 : i1 to i32
        %sign3A_724 = arith.constant 0 : i32
        %sign3A_725 = arith.cmpi slt, %add3A_720, %sign3A_724 : i32
        %sign3A_726 = arith.extui %sign3A_725 : i1 to i32
        %sign3A_727 = arith.subi %sign3A_723, %sign3A_726 : i32
        %sign3A_728 = arith.constant 0 : i32
        %sign3A_729 = arith.cmpi sgt, %jit3A_721, %sign3A_728 : i32
        %sign3A_730 = arith.extui %sign3A_729 : i1 to i32
        %sign3A_731 = arith.constant 0 : i32
        %sign3A_732 = arith.cmpi slt, %jit3A_721, %sign3A_731 : i32
        %sign3A_733 = arith.extui %sign3A_732 : i1 to i32
        %sign3A_734 = arith.subi %sign3A_730, %sign3A_733 : i32
        %ne3A_735 = arith.cmpi ne, %sign3A_727, %sign3A_734 : i32
        %rem3A_736 = arith.remsi %add3A_720, %jit3A_721 : i32
        %ne3A_737 = arith.constant 0 : i32
        %ne3A_738 = arith.cmpi ne, %rem3A_736, %ne3A_737 : i32
        %and3A_739 = arith.andi %ne3A_735, %ne3A_738 : i1
        %sub3A = arith.constant 1 : i32
        %sub3A_740 = arith.subi %div3A, %sub3A : i32
        %select_n3A_741 = arith.select %and3A_739, %sub3A_740, %div3A : i32
        %add3A_742 = arith.constant 1 : i32
        %add3A_743 = arith.addi %select_n3A_741, %add3A_742 : i32
        %jit3A_744 = arith.constant 2 : i32
        %eq3A_745 = arith.constant 0 : i32
        %eq3A_746 = arith.cmpi eq, %jit3A_744, %eq3A_745 : i32
        %jit3A_747 = arith.constant 1 : i32
        %select_n3A_748 = arith.select %eq3A_746, %jit3A_747, %jit3A_744 : i32
        %rem3A_749 = arith.remsi %add3A_743, %select_n3A_748 : i32
        %ne3A_750 = arith.constant 0 : i32
        %ne3A_751 = arith.cmpi ne, %rem3A_749, %ne3A_750 : i32
        %lt3A_752 = arith.constant 0 : i32
        %lt3A_753 = arith.cmpi slt, %rem3A_749, %lt3A_752 : i32
        %lt3A_754 = arith.constant 0 : i32
        %lt3A_755 = arith.cmpi slt, %select_n3A_748, %lt3A_754 : i32
        %ne3A_756 = arith.xori %lt3A_753, %lt3A_755 : i1
        %and3A_757 = arith.andi %ne3A_756, %ne3A_751 : i1
        %add3A_758 = arith.addi %rem3A_749, %select_n3A_748 : i32
        %select_n3A_759 = arith.select %and3A_757, %add3A_758, %rem3A_749 : i32
        %mul3A_760 = arith.constant 16 : i32
        %mul3A_761 = arith.muli %add3A_743, %mul3A_760 : i32
        %add3A_762 = arith.addi %mul3A_2, %mul3A_761 : i32
        %dma_start3A_763 = arith.constant 0 : i32
        %dma_start3A_764 = arith.constant 0 : i32
        %dma_start3A_765 = arith.constant 0 : i32
        %dma_start3A_766 = tpu.memref_slice %arg8[%select_n3A_759, %dma_start3A_763, %dma_start3A_764, %dma_start3A_765] : memref<2x16x2x100xi32, #tpu.memory_space<vmem>> -> memref<1x16x2x100xi32, #tpu.memory_space<vmem>>
        %dma_start3A_767 = tpu.memref_squeeze %dma_start3A_766 : memref<1x16x2x100xi32, #tpu.memory_space<vmem>> -> memref<16x2x100xi32, #tpu.memory_space<vmem>>
        %dma_start3A_768 = arith.constant 0 : i32
        %dma_start3A_769 = arith.constant 0 : i32
        %dma_start3A_770 = tpu.memref_slice %arg2[%add3A_762, %dma_start3A_768, %dma_start3A_769] : memref<4096x2x100xi32, #tpu.memory_space<hbm>> -> memref<16x2x100xi32, #tpu.memory_space<hbm>>
        %dma_start3A_771 = arith.constant 0 : i32
        %dma_start3A_772 = arith.constant 0 : i32
        %dma_start3A_773 = arith.constant 0 : i32
        %dma_start3A_774 = tpu.memref_slice %arg8[%select_n3A_759, %dma_start3A_771, %dma_start3A_772, %dma_start3A_773] : memref<2x16x2x100xi32, #tpu.memory_space<vmem>> -> memref<1x16x2x100xi32, #tpu.memory_space<vmem>>
        %dma_start3A_775 = tpu.memref_squeeze %dma_start3A_774 : memref<1x16x2x100xi32, #tpu.memory_space<vmem>> -> memref<16x2x100xi32, #tpu.memory_space<vmem>>
        %dma_start3A_776 = arith.constant 0 : i32
        %dma_start3A_777 = arith.constant 0 : i32
        %dma_start3A_778 = tpu.memref_slice %arg2[%add3A_762, %dma_start3A_776, %dma_start3A_777] : memref<4096x2x100xi32, #tpu.memory_space<hbm>> -> memref<16x2x100xi32, #tpu.memory_space<hbm>>
        tpu.enqueue_dma source(%dma_start3A_778 : memref<16x2x100xi32, #tpu.memory_space<hbm>>) target(%dma_start3A_775 : memref<16x2x100xi32, #tpu.memory_space<vmem>>) target_semaphore(%arg19 : memref<!tpu.dma_semaphore, #tpu.memory_space<semaphore_mem>>)
        %mul3A_779 = arith.constant 16 : i32
        %mul3A_780 = arith.muli %add3A_743, %mul3A_779 : i32
        %add3A_781 = arith.addi %mul3A_2, %mul3A_780 : i32
        %dma_start3A_782 = arith.constant 0 : i32
        %dma_start3A_783 = arith.constant 0 : i32
        %dma_start3A_784 = arith.constant 0 : i32
        %dma_start3A_785 = tpu.memref_slice %arg9[%select_n3A_759, %dma_start3A_782, %dma_start3A_783, %dma_start3A_784] : memref<2x16x2x100xi32, #tpu.memory_space<vmem>> -> memref<1x16x2x100xi32, #tpu.memory_space<vmem>>
        %dma_start3A_786 = tpu.memref_squeeze %dma_start3A_785 : memref<1x16x2x100xi32, #tpu.memory_space<vmem>> -> memref<16x2x100xi32, #tpu.memory_space<vmem>>
        %dma_start3A_787 = arith.constant 0 : i32
        %dma_start3A_788 = arith.constant 0 : i32
        %dma_start3A_789 = tpu.memref_slice %arg3[%add3A_781, %dma_start3A_787, %dma_start3A_788] : memref<4096x2x100xi32, #tpu.memory_space<hbm>> -> memref<16x2x100xi32, #tpu.memory_space<hbm>>
        %dma_start3A_790 = arith.constant 0 : i32
        %dma_start3A_791 = arith.constant 0 : i32
        %dma_start3A_792 = arith.constant 0 : i32
        %dma_start3A_793 = tpu.memref_slice %arg9[%select_n3A_759, %dma_start3A_790, %dma_start3A_791, %dma_start3A_792] : memref<2x16x2x100xi32, #tpu.memory_space<vmem>> -> memref<1x16x2x100xi32, #tpu.memory_space<vmem>>
        %dma_start3A_794 = tpu.memref_squeeze %dma_start3A_793 : memref<1x16x2x100xi32, #tpu.memory_space<vmem>> -> memref<16x2x100xi32, #tpu.memory_space<vmem>>
        %dma_start3A_795 = arith.constant 0 : i32
        %dma_start3A_796 = arith.constant 0 : i32
        %dma_start3A_797 = tpu.memref_slice %arg3[%add3A_781, %dma_start3A_795, %dma_start3A_796] : memref<4096x2x100xi32, #tpu.memory_space<hbm>> -> memref<16x2x100xi32, #tpu.memory_space<hbm>>
        tpu.enqueue_dma source(%dma_start3A_797 : memref<16x2x100xi32, #tpu.memory_space<hbm>>) target(%dma_start3A_794 : memref<16x2x100xi32, #tpu.memory_space<vmem>>) target_semaphore(%arg19 : memref<!tpu.dma_semaphore, #tpu.memory_space<semaphore_mem>>)
      } else {
      }
      %parallel_loop3A_707 = arith.constant 0 : i32
      %parallel_loop3A_708 = arith.constant 200 : i32
      %parallel_loop3A_709 = arith.constant 1 : i32
      scf.for %parallel_loop3A_719 = %parallel_loop3A_707 to %parallel_loop3A_708 step %parallel_loop3A_709  : i32 {
        %parallel_loop3A_720 = arith.index_cast %parallel_loop3A_719 : i32 to index
        %parallel_loop3A_721 = arith.constant 0 : index
        %parallel_loop3A_722 = tpu.vector_load %arg17[%parallel_loop3A_720, %parallel_loop3A_721] {strides = array<i32>} : memref<200x64xf32, #tpu.memory_space<vmem>>, vector<1x16xf32>,
        %parallel_loop3A_723 = vector.shape_cast %parallel_loop3A_722 : vector<1x16xf32> to vector<16xf32>
        %parallel_loop3A_724 = arith.index_cast %parallel_loop3A_719 : i32 to index
        %parallel_loop3A_725 = arith.constant 0 : index
        %parallel_loop3A_726 = tpu.vector_load %arg18[%parallel_loop3A_724, %parallel_loop3A_725] {strides = array<i32>} : memref<200x64xf32, #tpu.memory_space<vmem>>, vector<1x16xf32>,
        %parallel_loop3A_727 = vector.shape_cast %parallel_loop3A_726 : vector<1x16xf32> to vector<16xf32>
        %parallel_loop3A_728 = arith.addf %parallel_loop3A_723, %parallel_loop3A_727 : vector<16xf32>
        %parallel_loop3A_729 = arith.index_cast %parallel_loop3A_719 : i32 to index
        %parallel_loop3A_730 = arith.constant 0 : index
        %parallel_loop3A_731 = tpu.vector_load %arg13[%parallel_loop3A_729, %parallel_loop3A_730] {strides = array<i32>} : memref<200x64xf32, #tpu.memory_space<vmem>>, vector<1x16xf32>,
        %parallel_loop3A_732 = vector.shape_cast %parallel_loop3A_731 : vector<1x16xf32> to vector<16xf32>
        %parallel_loop3A_733 = vector.shape_cast %parallel_loop3A_728 : vector<16xf32> to vector<1x16xf32>
        tpu.vector_store %arg13[%parallel_loop3A_729, %parallel_loop3A_730], %parallel_loop3A_733 {add = true, strides = array<i32>} : memref<200x64xf32, #tpu.memory_space<vmem>>, vector<1x16xf32>,
        %parallel_loop3A_734 = arith.index_cast %parallel_loop3A_719 : i32 to index
        %parallel_loop3A_735 = arith.constant 16 : index
        %parallel_loop3A_736 = tpu.vector_load %arg17[%parallel_loop3A_734, %parallel_loop3A_735] {strides = array<i32>} : memref<200x64xf32, #tpu.memory_space<vmem>>, vector<1x16xf32>,
        %parallel_loop3A_737 = vector.shape_cast %parallel_loop3A_736 : vector<1x16xf32> to vector<16xf32>
        %parallel_loop3A_738 = arith.index_cast %parallel_loop3A_719 : i32 to index
        %parallel_loop3A_739 = arith.constant 16 : index
        %parallel_loop3A_740 = tpu.vector_load %arg18[%parallel_loop3A_738, %parallel_loop3A_739] {strides = array<i32>} : memref<200x64xf32, #tpu.memory_space<vmem>>, vector<1x16xf32>,
        %parallel_loop3A_741 = vector.shape_cast %parallel_loop3A_740 : vector<1x16xf32> to vector<16xf32>
        %parallel_loop3A_742 = arith.addf %parallel_loop3A_737, %parallel_loop3A_741 : vector<16xf32>
        %parallel_loop3A_743 = arith.index_cast %parallel_loop3A_719 : i32 to index
        %parallel_loop3A_744 = arith.constant 16 : index
        %parallel_loop3A_745 = tpu.vector_load %arg13[%parallel_loop3A_743, %parallel_loop3A_744] {strides = array<i32>} : memref<200x64xf32, #tpu.memory_space<vmem>>, vector<1x16xf32>,
        %parallel_loop3A_746 = vector.shape_cast %parallel_loop3A_745 : vector<1x16xf32> to vector<16xf32>
        %parallel_loop3A_747 = vector.shape_cast %parallel_loop3A_742 : vector<16xf32> to vector<1x16xf32>
        tpu.vector_store %arg13[%parallel_loop3A_743, %parallel_loop3A_744], %parallel_loop3A_747 {add = true, strides = array<i32>} : memref<200x64xf32, #tpu.memory_space<vmem>>, vector<1x16xf32>,
        %parallel_loop3A_748 = arith.index_cast %parallel_loop3A_719 : i32 to index
        %parallel_loop3A_749 = arith.constant 32 : index
        %parallel_loop3A_750 = tpu.vector_load %arg17[%parallel_loop3A_748, %parallel_loop3A_749] {strides = array<i32>} : memref<200x64xf32, #tpu.memory_space<vmem>>, vector<1x16xf32>,
        %parallel_loop3A_751 = vector.shape_cast %parallel_loop3A_750 : vector<1x16xf32> to vector<16xf32>
        %parallel_loop3A_752 = arith.index_cast %parallel_loop3A_719 : i32 to index
        %parallel_loop3A_753 = arith.constant 32 : index
        %parallel_loop3A_754 = tpu.vector_load %arg18[%parallel_loop3A_752, %parallel_loop3A_753] {strides = array<i32>} : memref<200x64xf32, #tpu.memory_space<vmem>>, vector<1x16xf32>,
        %parallel_loop3A_755 = vector.shape_cast %parallel_loop3A_754 : vector<1x16xf32> to vector<16xf32>
        %parallel_loop3A_756 = arith.addf %parallel_loop3A_751, %parallel_loop3A_755 : vector<16xf32>
        %parallel_loop3A_757 = arith.index_cast %parallel_loop3A_719 : i32 to index
        %parallel_loop3A_758 = arith.constant 32 : index
        %parallel_loop3A_759 = tpu.vector_load %arg13[%parallel_loop3A_757, %parallel_loop3A_758] {strides = array<i32>} : memref<200x64xf32, #tpu.memory_space<vmem>>, vector<1x16xf32>,
        %parallel_loop3A_760 = vector.shape_cast %parallel_loop3A_759 : vector<1x16xf32> to vector<16xf32>
        %parallel_loop3A_761 = vector.shape_cast %parallel_loop3A_756 : vector<16xf32> to vector<1x16xf32>
        tpu.vector_store %arg13[%parallel_loop3A_757, %parallel_loop3A_758], %parallel_loop3A_761 {add = true, strides = array<i32>} : memref<200x64xf32, #tpu.memory_space<vmem>>, vector<1x16xf32>,
        %parallel_loop3A_762 = arith.index_cast %parallel_loop3A_719 : i32 to index
        %parallel_loop3A_763 = arith.constant 48 : index
        %parallel_loop3A_764 = tpu.vector_load %arg17[%parallel_loop3A_762, %parallel_loop3A_763] {strides = array<i32>} : memref<200x64xf32, #tpu.memory_space<vmem>>, vector<1x16xf32>,
        %parallel_loop3A_765 = vector.shape_cast %parallel_loop3A_764 : vector<1x16xf32> to vector<16xf32>
        %parallel_loop3A_766 = arith.index_cast %parallel_loop3A_719 : i32 to index
        %parallel_loop3A_767 = arith.constant 48 : index
        %parallel_loop3A_768 = tpu.vector_load %arg18[%parallel_loop3A_766, %parallel_loop3A_767] {strides = array<i32>} : memref<200x64xf32, #tpu.memory_space<vmem>>, vector<1x16xf32>,
        %parallel_loop3A_769 = vector.shape_cast %parallel_loop3A_768 : vector<1x16xf32> to vector<16xf32>
        %parallel_loop3A_770 = arith.addf %parallel_loop3A_765, %parallel_loop3A_769 : vector<16xf32>
        %parallel_loop3A_771 = arith.index_cast %parallel_loop3A_719 : i32 to index
        %parallel_loop3A_772 = arith.constant 48 : index
        %parallel_loop3A_773 = tpu.vector_load %arg13[%parallel_loop3A_771, %parallel_loop3A_772] {strides = array<i32>} : memref<200x64xf32, #tpu.memory_space<vmem>>, vector<1x16xf32>,
        %parallel_loop3A_774 = vector.shape_cast %parallel_loop3A_773 : vector<1x16xf32> to vector<16xf32>
        %parallel_loop3A_775 = vector.shape_cast %parallel_loop3A_770 : vector<16xf32> to vector<1x16xf32>
        tpu.vector_store %arg13[%parallel_loop3A_771, %parallel_loop3A_772], %parallel_loop3A_775 {add = true, strides = array<i32>} : memref<200x64xf32, #tpu.memory_space<vmem>>, vector<1x16xf32>,
      } {sc.loop_unroll_factor = 2 : i64, sc.parallel_access}
      %add3A_710 = arith.addi %mul3A_2, %add3A_598 : i32
      %dma_start3A_711 = arith.constant 0 : i32
      %dma_start3A_712 = arith.constant 0 : i32
      %dma_start3A_713 = tpu.memref_slice %arg7[%add3A_710, %dma_start3A_711, %dma_start3A_712] : memref<4096x200x64xf32, #tpu.memory_space<hbm>> -> memref<1x200x64xf32, #tpu.memory_space<hbm>>
      %dma_start3A_714 = tpu.memref_squeeze %dma_start3A_713 : memref<1x200x64xf32, #tpu.memory_space<hbm>> -> memref<200x64xf32, #tpu.memory_space<hbm>>
      %dma_start3A_715 = arith.constant 0 : i32
      %dma_start3A_716 = arith.constant 0 : i32
      %dma_start3A_717 = tpu.memref_slice %arg7[%add3A_710, %dma_start3A_715, %dma_start3A_716] : memref<4096x200x64xf32, #tpu.memory_space<hbm>> -> memref<1x200x64xf32, #tpu.memory_space<hbm>>
      %dma_start3A_718 = tpu.memref_squeeze %dma_start3A_717 : memref<1x200x64xf32, #tpu.memory_space<hbm>> -> memref<200x64xf32, #tpu.memory_space<hbm>>
      tpu.enqueue_dma source(%arg13 : memref<200x64xf32, #tpu.memory_space<vmem>>) target(%dma_start3A_718 : memref<200x64xf32, #tpu.memory_space<hbm>>) target_semaphore(%arg27 : memref<!tpu.dma_semaphore, #tpu.memory_space<semaphore_mem>>)
    }
    %scan3A_215 = arith.constant 32 : i32
    %dma_wait3A_216 = arith.constant 0 : i32
    %dma_wait3A_217 = arith.constant 0 : i32
    %dma_wait3A_218 = arith.constant 0 : i32
    %dma_wait3A_219 = tpu.memref_slice %arg7[%dma_wait3A_216, %dma_wait3A_217, %dma_wait3A_218] : memref<4096x200x64xf32, #tpu.memory_space<hbm>> -> memref<1x200x64xf32, #tpu.memory_space<hbm>>
    %dma_wait3A_220 = tpu.memref_squeeze %dma_wait3A_219 : memref<1x200x64xf32, #tpu.memory_space<hbm>> -> memref<200x64xf32, #tpu.memory_space<hbm>>
    %dma_wait3A_221 = arith.constant 0 : i32
    %dma_wait3A_222 = arith.constant 0 : i32
    %dma_wait3A_223 = tpu.memref_slice %arg7[%dma_wait3A_216, %dma_wait3A_221, %dma_wait3A_222] : memref<4096x200x64xf32, #tpu.memory_space<hbm>> -> memref<1x200x64xf32, #tpu.memory_space<hbm>>
    %dma_wait3A_224 = tpu.memref_squeeze %dma_wait3A_223 : memref<1x200x64xf32, #tpu.memory_space<hbm>> -> memref<200x64xf32, #tpu.memory_space<hbm>>
    tpu.wait_dma2 semaphore(%arg26 : memref<!tpu.dma_semaphore, #tpu.memory_space<semaphore_mem>>) src(%arg12 : memref<200x64xf32, #tpu.memory_space<vmem>>) dst(%dma_wait3A_224 : memref<200x64xf32, #tpu.memory_space<hbm>>)
    %dma_wait3A_225 = arith.constant 0 : i32
    %dma_wait3A_226 = arith.constant 0 : i32
    %dma_wait3A_227 = arith.constant 0 : i32
    %dma_wait3A_228 = tpu.memref_slice %arg7[%dma_wait3A_225, %dma_wait3A_226, %dma_wait3A_227] : memref<4096x200x64xf32, #tpu.memory_space<hbm>> -> memref<1x200x64xf32, #tpu.memory_space<hbm>>
    %dma_wait3A_229 = tpu.memref_squeeze %dma_wait3A_228 : memref<1x200x64xf32, #tpu.memory_space<hbm>> -> memref<200x64xf32, #tpu.memory_space<hbm>>
    %dma_wait3A_230 = arith.constant 0 : i32
    %dma_wait3A_231 = arith.constant 0 : i32
    %dma_wait3A_232 = tpu.memref_slice %arg7[%dma_wait3A_225, %dma_wait3A_230, %dma_wait3A_231] : memref<4096x200x64xf32, #tpu.memory_space<hbm>> -> memref<1x200x64xf32, #tpu.memory_space<hbm>>
    %dma_wait3A_233 = tpu.memref_squeeze %dma_wait3A_232 : memref<1x200x64xf32, #tpu.memory_space<hbm>> -> memref<200x64xf32, #tpu.memory_space<hbm>>
    tpu.wait_dma2 semaphore(%arg27 : memref<!tpu.dma_semaphore, #tpu.memory_space<semaphore_mem>>) src(%arg13 : memref<200x64xf32, #tpu.memory_space<vmem>>) dst(%dma_wait3A_233 : memref<200x64xf32, #tpu.memory_space<hbm>>)
    return
  }
}

</mosaic_0001>

<sc_bundles>
// kernel: _sc_encode.3.cloned.1.call-start
scs
__scs_entry_jumppad:
0x0: {  	(pc) =	sbr.rel $0x88, $3  }
0x1: {  	(tag) =	ssettag $0x0;
	lr =	simm.s32 $0x1  }
0x2: {  	[smem:$0x3F9C] =	sst lr;
	_ =	strace $0xD0000000  }
0x3: {  	_ = 	snop  }
0x4: {  	_ = 	snop  }
0x5: {  	_ = 	snop  }
0x6: {  	_ = 	snop  }
0x7: {  	_ = 	snop  }
__scs_overlays_trampoline_lowered:
0x8: {  	[smem:$0x3FAB] =	sst s0  }
0x9: {  	[smem:$0x3FAC] =	sst s1  }
0xa: {  	[smem:$0x3FAD] =	sst s2  }
0xb: {  	[smem:$0x3FAE] =	sst s3  }
0xc: {  	[smem:$0x3FAF] =	sst s4  }
0xd: {  	[smem:$0x3FB0] =	sst s5  }
0xe: {  	[smem:$0x3FB1] =	sst s6  }
0xf: {  	[smem:$0x3FB2] =	sst s7  }
0x10: {  	[smem:$0x3FB3] =	sst s8  }
0x11: {  	[smem:$0x3FB4] =	sst s9;
	s0 =	simm.s32 @!p0 $0x0  }
0x12: {  	s1 =	sld [smem:$0x3F9A];
	s0 =	simm.s32 @p0 $0x1  }
0x13: {  	[smem:$0x3FB5] =	sst s0;
	s0 =	simm.s32 @!p1 $0x0  }
0x14: {  	s2 =	sld [smem:$0x3F99];
	s0 =	simm.s32 @p1 $0x1  }
0x15: {  	[smem:$0x3FB6] =	sst s0;
	s0 =	simm.s32 @!p2 $0x0  }
0x16: {  	s3 =	sld [smem:$0x3FDB];
	s0 =	simm.s32 @p2 $0x1  }
0x17: {  	s4 =	simm.s32 $0x1BF5;
	[smem:$0x3FB8] =	sst s0  }
0x18: {  	s0 =	sld [smem:$0x3F9B];
	_ =	swait.ge [sflag:s4], $0x0  }
0x19: {  	s7 =	sld [smem:$0x3F9C]  }
0x1a: {  	s8 =	sadd.s32 $0xFFFFE003, lr  }
0x1b: {  	s9 =	sadd.s32 $0xFFFFFEF7, lr;
	s5 =	simm.s32 $0xFFFFFFFF;
	p2 =	slt.u32 s8, $0xFFFFF086  }
0x1c: {  	p1 =	slt.u32 s9, $0xF7A;
	s5 =	simm.s32 @!p2 $0x0  }
0x1d: {  	s5 =	simm.s32 @p1 $0x1;
	p0 =	seq.s32 s7, s2  }
0x1e: {  	s7 =	smul.u32 @!p0 $0xF7A, s2;
	p2 =	seq.s32 @!p0 s5, $0x0  }
0x1f: {  	s9 =	smul.u32 $0xF7A, s1;
	s8 =	simm.s32 @!p0 $0x1BF5;
	p2 =	por !p2, p0  }
0x20: {  	[sflag:s8] =	ssyncset.s32 @!p0 $0xFFFFF086;
	s6 =	sadd.s32 @!p0 s3, s7;
	s7 =	simm.s32 @!p0 $0x108  }
0x21: {  	s3 =	sadd.s32 s3, s9;
	s6 =	sadd.s32 @!p0 $0x88, s6;
	s7 =	simm.s32 @p2 $0x1082  }
0x22: {  	[simem:s7], [sflag:s8] =	dma.local @!p0 [hbm:s6], $0xF7A  }
0x23: {  	s9 =	sor.u32 $0xD0000000, s2;
	s6 =	simm.s32 $0x108;
	_ =	swait.ge @!p0 [sflag:s8], $0x0  }
0x24: {  	s3 =	sadd.s32 $0x88, s3;
	s6 =	simm.s32 @!p1 $0x1082;
	[sflag:s4] =	ssyncset.s32 $0xFFFFF086  }
0x25: {  	[simem:s6], [sflag:s4] =	dma.local [hbm:s3], $0xF7A  }
0x26: {  	[smem:$0x3F9C] =	sst s1;
	(tag) =	ssettag s2;
	_ =	strace s9  }
0x27: {  	s1 =	sld [smem:$0x3FAC]  }
0x28: {  	s2 =	sld [smem:$0x3FAD]  }
0x29: {  	s4 =	sld [smem:$0x3FAF]  }
0x2a: {  	p0 =	seq.s32 s5, $0x0;
	s5 =	sld [smem:$0x3FB0]  }
0x2b: {  	s6 =	sld [smem:$0x3FB1]  }
0x2c: {  	s7 =	sld [smem:$0x3FB2]  }
0x2d: {  	s3 =	simm.s32 $0x108;
	s8 =	sld [smem:$0x3FB3]  }
0x2e: {  	s3 =	simm.s32 @!p0 $0x1082;
	s9 =	sld [smem:$0x3FB4]  }
0x2f: {  	lr =	sadd.s32 s0, s3;
	s0 =	sld [smem:$0x3FAB]  }
0x30: {  	s3 =	sld [smem:$0x3FAE]  }
0x31: {  	[smem:$0x3FB7] =	sst s10  }
0x32: {  	s10 =	sld [smem:$0x3FB5];
	_ =	sdelay $0x3  }
0x33: {  	p0 =	seq.s32 s10, $0x1;
	s10 =	sld [smem:$0x3FB7];
	_ =	sdelay $0x3  }
0x34: {  	[smem:$0x3FB7] =	sst s10  }
0x35: {  	s10 =	sld [smem:$0x3FB6];
	_ =	sdelay $0x3  }
0x36: {  	p1 =	seq.s32 s10, $0x1;
	s10 =	sld [smem:$0x3FB7];
	_ =	sdelay $0x3  }
0x37: {  	[smem:$0x3FB7] =	sst s10  }
0x38: {  	s10 =	sld [smem:$0x3FB8]  }
0x39: {  	_ = 	snop;
	(pc) =	sbr.ind lr, $3  }
0x3a: {  	_ = 	snop  }
0x3b: {  	_ = 	snop  }
0x3c: {  	p2 =	seq.s32 s10, $0x1;
	s10 =	sld [smem:$0x3FB7]  }
0x3d: {  	_ =	shalt  }
0x3e: {  	_ =	shalt  }
0x3f: {  	_ =	shalt  }
0x40: {  	_ =	shalt  }
0x41: {  	_ =	shalt  }
0x42: {  	_ =	shalt  }
0x43: {  	_ =	shalt  }
0x44: {  	_ =	shalt  }
0x45: {  	_ =	shalt  }
0x46: {  	_ =	shalt  }
0x47: {  	_ =	shalt  }
0x48: {  	_ =	shalt  }
0x49: {  	_ =	shalt  }
0x4a: {  	_ =	shalt  }
0x4b: {  	_ =	shalt  }
0x4c: {  	_ =	shalt  }
0x4d: {  	_ =	shalt  }
0x4e: {  	_ =	shalt  }
0x4f: {  	_ =	shalt  }
0x50: {  	_ =	shalt  }
0x51: {  	_ =	shalt  }
0x52: {  	_ =	shalt  }
0x53: {  	_ =	shalt  }
0x54: {  	_ =	shalt  }
0x55: {  	_ =	shalt  }
0x56: {  	_ =	shalt  }
0x57: {  	_ =	shalt  }
0x58: {  	_ =	shalt  }
0x59: {  	_ =	shalt  }
0x5a: {  	_ =	shalt  }
0x5b: {  	_ =	shalt  }
0x5c: {  	_ =	shalt  }
0x5d: {  	_ =	shalt  }
0x5e: {  	_ =	shalt  }
0x5f: {  	_ =	shalt  }
0x60: {  	_ =	shalt  }
0x61: {  	_ =	shalt  }
0x62: {  	_ =	shalt  }
0x63: {  	_ =	shalt  }
0x64: {  	_ =	shalt  }
0x65: {  	_ =	shalt  }
0x66: {  	_ =	shalt  }
0x67: {  	_ =	shalt  }
0x68: {  	_ =	shalt  }
0x69: {  	_ =	shalt  }
0x6a: {  	_ =	shalt  }
0x6b: {  	_ =	shalt  }
0x6c: {  	_ =	shalt  }
0x6d: {  	_ =	shalt  }
0x6e: {  	_ =	shalt  }
0x6f: {  	_ =	shalt  }
0x70: {  	_ =	shalt  }
0x71: {  	_ =	shalt  }
0x72: {  	_ =	shalt  }
0x73: {  	_ =	shalt  }
0x74: {  	_ =	shalt  }
0x75: {  	_ =	shalt  }
0x76: {  	_ =	shalt  }
0x77: {  	_ =	shalt  }
0x78: {  	_ =	shalt  }
0x79: {  	_ =	shalt  }
0x7a: {  	_ =	shalt  }
0x7b: {  	_ =	shalt  }
0x7c: {  	_ =	shalt  }
0x7d: {  	_ =	shalt  }
0x7e: {  	_ =	shalt  }
0x7f: {  	_ =	shalt  }
0x80: {  	_ =	shalt  }
0x81: {  	_ =	shalt  }
0x82: {  	_ =	shalt  }
0x83: {  	_ =	shalt  }
0x84: {  	_ =	shalt  }
0x85: {  	_ =	shalt  }
0x86: {  	_ =	shalt  }
0x87: {  	_ =	shalt  }
.Lfunc_end0:
.L_simem_size_0:
called_computation.1_lowered:
.L_overlay_start_0:
0x88: {  	s2 =	sld [smem:$0x3FD9]  }
0x89: {  	s3 =	sld [smem:$0x3FFE];
	_ =	sdelay $0x1  }
0x8a: {  	s1 =	srdreg.scid  }
0x8b: {  	s0 =	sand.u32 $0x1, s1  }
0x8c: {  	s17 =	sshll.u32 s0, $0xA;
	s2 =	sadd.s32 s3, s2  }
0x8d: {  	s2 =	sadd.s32 s2, s17  }
0x8e: {  	[smem:$0x3FC3] =	sst s2  }
0x8f: {  	_ = 	snop  }
0x90: {  	s2 =	sld [smem:$0x3FD0];
	(tm) =	ssettm $0x1  }
0x91: {  	s18 =	sld [smem:$0x3FFB];
	_ =	sdelay $0x3  }
0x92: {  	_ =	strace s18  }
0x93: {  	s3 =	sld [smem:$0x3FFC];
	_ =	sdelay $0x3  }
0x94: {  	_ =	strace s3  }
0x95: {  	s3 =	sld [smem:$0x3FFD];
	_ =	sdelay $0x3  }
0x96: {  	_ =	strace s3  }
0x97: {  	_ =	strace $0x8FFFFFFF  }
0x98: {  	s19 =	sld [smem:$0x3FDB];
	_ =	sdelay $0x1  }
0x99: {  	s4 =	simm.s32 $_scs_section_size  }
0x9a: {  	s5 =	simm.s32 $_size__tile_overlayer_lowered;
	s6 =	simm.s32 $_tile_overlayer_lowered  }
0x9b: {  	s22 =	simm.s32 $0x1BFF;
	s21 =	sshll.u32 s6, $0x1;
	s3 =	sadd.s32 s4, s19  }
0x9c: {  	s7 =	simm.s32 $0x0;
	s20 =	sshll.u32 s5, $0x1;
	s5 =	sadd.s32 s21, s3  }
0x9d: {  	[timem:s7], [sflag:s22] =	dma.local [hbm:s5], s20  }
0x9e: {  	_ =	swait.ge [sflag:s22], s20  }
0x9f: {  	s4 =	ssub.s32 $0x0, s20;
	[sflag:s22] =	ssyncset.done $0x0  }
0xa0: {  	[sflag:s22] =	ssyncadd.s32 s4;
	_ =	sdelay $0x1  }
0xa1: {  	s23 =	simm.s32 $0x1B8B  }
0xa2: {  	_ =	swait.ge [sflag:s23], $0x1  }
0xa3: {  	[sflag:s23] =	ssyncset.done $0x0  }
0xa4: {  	s25 =	simm.s32 $0x1B8E;
	s24 =	sld [smem:$0x3FFE];
	[sflag:s23] =	ssyncadd.s32 $0xFFFFFFFF  }
0xa5: {  	s26 =	simm.s32 $execute0_lowered;
	[smem:$0x3FD2] =	sst s25  }
0xa6: {  	s5 =	sshll.u32 s26, $0x1;
	_ =	strace $0x80000046;
	[dreg:$0x1] =	wrdreg $0xFFFFFFFF  }
0xa7: {  	s28 =	simm.s32 $_size_execute0_lowered;
	s3 =	sadd.s32 s3, s5;
	[dreg:$0x0] =	wrdreg $0x0  }
0xa8: {  	s5 =	sshll.u32 s28, $0x1;
	[dreg:$0x2] =	wrdreg s3  }
0xa9: {  	[dreg:$0x3] =	wrdreg s5  }
0xaa: {  	[dreg:$0x4] =	wrdreg $0xC0  }
0xab: {  	_ =	task [dreg:s7], $0x5FFFF  }
0xac: {  	[dreg:$0x1] =	wrdreg $0xFFFFFFFF  }
0xad: {  	[dreg:$0x0] =	wrdreg $0x60  }
0xae: {  	[dreg:$0x2] =	wrdreg s24  }
0xaf: {  	[dreg:$0x3] =	wrdreg s2  }
0xb0: {  	[dreg:$0x4] =	wrdreg $0x9  }
0xb1: {  	_ =	task.clear_ibuf [dreg:s7], $0x5FFFF;
	_ =	strace $0x90000046  }
0xb2: {  	s29 =	simm.s32 $0x9;
	_ =	strace $0x80000048  }
0xb3: {  	_ =	swait.ge [sflag:s29], $0x1  }
0xb4: {  	[sflag:s29] =	ssyncadd.s32 $0xFFFFFFFF  }
0xb5: {  	_ =	strace $0x90000048  }
0xb6: {  	_ =	sfence  }
0xb7: {  	s30 =	sld [smem:$0x0];
	_ =	sdelay $0x2  }
0xb8: {  	s31 =	sshll.u32 s1, $0xD;
	s1 =	sshrl.u32 s1, $0x2  }
0xb9: {  	s3 =	sand.u32 $0x4000, s31;
	s1 =	sadd.s32 s1, s30  }
0xba: {  	s0 =	sor.u32 s3, s0;
	s1 =	sshll.u32 s1, $0x11  }
0xbb: {  	s0 =	sor.u32 s1, s0  }
0xbc: {  	s0 =	sadd.s32 $0x8F2B, s0  }
0xbd: {  	[sflag:s0] =	ssyncadd.remote.s32 $0x1  }
0xbe: {  	_ =	sfence.sel $0xFFFF  }
0xbf: {  	[dreg:$0x0] =	wrdreg $0xFFFFFFFF;
	(pc) =	sbr.abs _section_cstart, $3  }
0xc0: {  	[dreg:$0x1] =	wrdreg $0xFFFFFFFF  }
0xc1: {  	_ =	task.clear_ibuf [dreg:s7], $0x2FFFF;
	_ =	strace $0x9FFFFFFF  }
0xc2: {  	(tm) =	ssettm $0x7FFFFFFF  }
0xc3: {  	_ =	shalt  }
tec
execute0_lowered:
.L_overlay_start_1:
0x0: {  	(tag) =	ssettag $0x1  }
0x1: {  	s0 =	rddreg [dreg:$0x0]  }
0x2: {  	s2 =	rddreg [dreg:$0x1];
	s1 =	srdreg.scid  }
0x3: {  	s3 =	simm.s32 $0x0;
	s4 =	stileid.u32;
	s18 =	simm.s32 $0x1  }
0x4: {  	s21 =	simm.s32 $0x64;
	s22 =	simm.s32 $0x3400;
	s30 =	simm.s32 $0x6600  }
0x5: {  	s23 =	simm.s32 $0x9800;
	s15 =	simm.s32 $0xE300;
	s19 =	simm.s32 $0x19200  }
0x6: {  	s20 =	simm.s32 $0x1AB00;
	s17 =	simm.s32 $0x6;
	s11 =	simm.s32 $0x7  }
0x7: {  	s12 =	simm.s32 $0x5;
	s1 =	sand.u32 $0x1, s1;
	[smem:$0x7FF] =	sst s3  }
0x8: {  	s5 =	sshll.u32 s4, $0x8;
	s4 =	sadd.s32 $0x1B000, s0;
	s7 =	sadd.s32 $0xF43400, s0  }
0x9: {  	s8 =	sadd.s32 $0x35000, s0;
	s6 =	sshll.u32 s1, $0x7;
	_ =	strace $0x80000047  }
0xa: {  	s1 =	ssub.s32 $0x2, s1;
	s5 =	sor.u32 s6, s5;
	s6 =	sadd.s32 $0x1000, s0  }
0xb: {  	s0 =	sadd.s32 $0x48A00, s0;
	s25 =	sshrl.u32 s1, $0x1;
	s9 =	smul.u32 $0xD0, s5  }
0xc: {  	s10 =	smul.u32 $0x1A, s5;
	[dreg:$0x3] =	wrdreg s0;
	s0 =	ssub.s32 s1, s25  }
0xd: {  	s16 =	simm.s32 $0x0;
	s0 =	smax.u32 s0, $0x1;
	s9 =	sshrl.u32 s9, $0x3  }
.Ltmp0:
0xe: {  	s26 =	sadd.s32 s4, s10;
	[dreg:$0x8] =	wrdreg s0;
	(pc) =	sbr.rel .LBB2_1-.Ltmp0, $4  }
0xf: {  	s29 =	sadd.s32 s6, s10;
	[dreg:$0x4] =	wrdreg s26;
	s28 =	sadd.s32 $0x1A0, s9  }
0x10: {  	s0 =	simm.s32 $0x2;
	[dreg:$0x5] =	wrdreg s29;
	s31 =	sadd.s32 s4, s28  }
0x11: {  	s10 =	simm.s32 $0x4;
	s1 =	sadd.s32 s6, s28;
	[dreg:$0x6] =	wrdreg s31  }
0x12: {  	s9 =	simm.s32 $0x3;
	[dreg:$0x7] =	wrdreg s1;
	s1 =	simm.s32 $0xCA00  }
.LBB2_15:
0x13: {  	s13 =	simm.s32 $0x8  }
0x14: {  	_ =	swait.ge [sflag:s13], $0x3200  }
0x15: {  	[sflag:s13] =	ssyncset.done $0x0  }
0x16: {  	s14 =	simm.s32 $0x9;
	[sflag:s13] =	ssyncadd.s32 $0xFFFFCE00  }
0x17: {  	_ =	swait.ge [sflag:s14], $0x3200  }
0x18: {  	s16 =	rddreg [dreg:$0x9]  }
0x19: {  	s31 =	rddreg [dreg:$0x8];
	s16 =	sadd.s32 $0x1, s16  }
0x1a: {  	p0 =	sne.s32 s16, s31  }
.Ltmp1:
0x1b: {  	_ = 	snop;
	(pc) =	sbr.rel @!p0 .LBB2_16-.Ltmp1, $3  }
0x1c: {  	_ =	sdelay $0x1  }
0x1d: {  	[sflag:s14] =	ssyncset.done $0x0  }
0x1e: {  	[sflag:s14] =	ssyncadd.s32 $0xFFFFCE00  }
.LBB2_1:
0x1f: {  	[dreg:$0x9] =	wrdreg s16  }
0x20: {  	s13 =	rddreg [dreg:$0x3];
	s14 =	simm.s32 $0x1C400;
	s25 =	simm.s32 $0xA  }
0x21: {  	[tilespmem:s14], [sflag:$0xA] =	stream.linear.gather [hbm4b:s13+s3], $0x3200, $0x38;
	[tilespmem:$0x1F600] =	vst v63  }
0x22: {  	_ =	swait.ge [sflag:s25], $0x3200  }
0x23: {  	[sflag:s25] =	ssyncset.done $0x0  }
0x24: {  	s26 =	rddreg [dreg:$0x4];
	[sflag:s25] =	ssyncadd.s32 $0xFFFFCE00  }
0x25: {  	[tilespmem:s3], [sflag:$0x1] =	stream.linear.gather [hbm4b:s26+s3], $0xD00, $0x38;
	[tilespmem:$0x1F600] =	vst v63  }
0x26: {  	s14 =	simm.s32 $0x1A00;
	s28 =	rddreg [dreg:$0x5]  }
0x27: {  	[tilespmem:s14], [sflag:$0x1] =	stream.linear.gather [hbm4b:s28+s3], $0xD00, $0x38;
	[tilespmem:$0x1F600] =	vst v63  }
0x28: {  	_ =	swait.ge [sflag:s18], $0xD00  }
0x29: {  	[sflag:s18] =	ssyncset.done $0x0  }
0x2a: {  	[sflag:s18] =	ssyncadd.s32 $0xFFFFF300  }
0x2b: {  	_ =	swait.ge [sflag:s18], $0xD00  }
0x2c: {  	[sflag:s18] =	ssyncset.done $0x0  }
0x2d: {  	s31 =	simm.s32 $0xD00;
	s29 =	rddreg [dreg:$0x6];
	[sflag:s18] =	ssyncadd.s32 $0xFFFFF300  }
0x2e: {  	[tilespmem:s31], [sflag:$0x1] =	stream.linear.gather [hbm4b:s29+s3], $0xD00, $0x38;
	[tilespmem:$0x1F600] =	vst v63  }
0x2f: {  	s24 =	simm.s32 $0x2700;
	s16 =	rddreg [dreg:$0x7]  }
0x30: {  	[tilespmem:s24], [sflag:$0x1] =	stream.linear.gather [hbm4b:s16+s3], $0xD00, $0x38;
	[tilespmem:$0x1F600] =	vst v63  }
0x31: {  	_ = 	snop  }
0x32: {  	[tilespmem:s22], [sflag:$0x2] =	stream.indirect.gather [hbm4b:s7+s21], $0x40, s3, s21, $0xb8;
	[tilespmem:$0x1F600] =	vst v63  }
0x33: {  	s25 =	simm.s32 $0x68;
	s26 =	simm.s32 $0x4D00  }
0x34: {  	[tilespmem:s26], [sflag:$0x2] =	stream.indirect.gather [hbm4b:s7+s21], $0x40, s25, s21, $0xb8;
	[tilespmem:$0x1F600] =	vst v63  }
0x35: {  	s28 =	simm.s32 $0xFC00  }
0x36: {  	[tilespmem:s28], [sflag:$0x2] =	stream.indirect.gather [hbm4b:s8+s21], $0x40, s14, s21, $0xb8;
	[tilespmem:$0x1F600] =	vst v63  }
0x37: {  	s29 =	simm.s32 $0x1A68;
	s31 =	simm.s32 $0x11500  }
0x38: {  	[tilespmem:s31], [sflag:$0x2] =	stream.indirect.gather [hbm4b:s8+s21], $0x40, s29, s21, $0xb8;
	[tilespmem:$0x1F600] =	vst v63  }
0x39: {  	s16 =	simm.s32 $0xD0  }
0x3a: {  	[tilespmem:s30], [sflag:$0x3] =	stream.indirect.gather [hbm4b:s7+s21], $0x40, s16, s21, $0xb8;
	[tilespmem:$0x1F600] =	vst v63  }
0x3b: {  	s24 =	simm.s32 $0x138;
	s25 =	simm.s32 $0x7F00  }
0x3c: {  	[tilespmem:s25], [sflag:$0x3] =	stream.indirect.gather [hbm4b:s7+s21], $0x40, s24, s21, $0xb8;
	[tilespmem:$0x1F600] =	vst v63  }
0x3d: {  	s26 =	simm.s32 $0x1AD0;
	s28 =	simm.s32 $0x12E00  }
0x3e: {  	[tilespmem:s28], [sflag:$0x3] =	stream.indirect.gather [hbm4b:s8+s21], $0x40, s26, s21, $0xb8;
	[tilespmem:$0x1F600] =	vst v63  }
0x3f: {  	s13 =	simm.s32 $0x0;
	s29 =	simm.s32 $0x1B38;
	s31 =	simm.s32 $0x14700  }
0x40: {  	[tilespmem:s31], [sflag:$0x3] =	stream.indirect.gather [hbm4b:s8+s21], $0x40, s29, s21, $0xb8;
	[tilespmem:$0x1F600] =	vst v63  }
.LBB2_2:
0x41: {  	s16 =	sshll.u32 s13, $0x2  }
0x42: {  	p0 =	seq.s32 s13, $0x0;
	s24 =	sor.u32 $0x2, s16  }
0x43: {  	s26 =	sshll.u32 s13, $0x1D;
	s14 =	simm.s32 @!p0 $0x8;
	s25 =	sand.u32 $0xE, s24  }
0x44: {  	s26 =	sshra.s32 s26, $0x1F;
	_ =	swait.ge @!p0 [sflag:s14], $0x3200;
	s25 =	smul.u32 $0xD0, s25  }
0x45: {  	s28 =	sand.u32 $0xD00, s26;
	[sflag:s14] =	ssyncset.done @!p0 $0x0  }
0x46: {  	[sflag:s14] =	ssyncadd.s32 @!p0 $0xFFFFCE00;
	s14 =	sadd.s32 s28, s25  }
0x47: {  	[tilespmem:s23], [sflag:$0x4] =	stream.indirect.gather [hbm4b:s7+s21], $0x40, s14, s21, $0xb8;
	[tilespmem:$0x1F600] =	vst v63  }
0x48: {  	s31 =	simm.s32 $0xB100;
	s25 =	sadd.s32 $0x68, s14  }
0x49: {  	[tilespmem:s31], [sflag:$0x4] =	stream.indirect.gather [hbm4b:s7+s21], $0x40, s25, s21, $0xb8;
	[tilespmem:$0x1F600] =	vst v63  }
0x4a: {  	s29 =	simm.s32 $0x16000;
	s26 =	sadd.s32 $0x1A00, s14  }
0x4b: {  	[tilespmem:s29], [sflag:$0x4] =	stream.indirect.gather [hbm4b:s8+s21], $0x40, s26, s21, $0xb8;
	[tilespmem:$0x1F600] =	vst v63  }
0x4c: {  	s14 =	sadd.s32 $0x1A68, s14;
	s31 =	simm.s32 $0x17900  }
0x4d: {  	[tilespmem:s31], [sflag:$0x4] =	stream.indirect.gather [hbm4b:s8+s21], $0x40, s14, s21, $0xb8;
	[tilespmem:$0x1F600] =	vst v63  }
0x4e: {  	_ =	swait.ge [sflag:s0], $0x1900  }
0x4f: {  	[sflag:s0] =	ssyncset.done $0x0  }
0x50: {  	[sflag:s0] =	ssyncadd.s32 $0xFFFFE700  }
0x51: {  	_ =	swait.ge [sflag:s0], $0x1900  }
0x52: {  	[sflag:s0] =	ssyncset.done $0x0  }
0x53: {  	[sflag:s0] =	ssyncadd.s32 $0xFFFFE700  }
0x54: {  	_ =	swait.ge [sflag:s0], $0x1900  }
0x55: {  	[sflag:s0] =	ssyncset.done $0x0  }
0x56: {  	[sflag:s0] =	ssyncadd.s32 $0xFFFFE700  }
0x57: {  	_ =	swait.ge [sflag:s0], $0x1900  }
0x58: {  	[sflag:s0] =	ssyncset.done $0x0  }
0x59: {  	s14 =	simm.s32 $0x0;
	[sflag:s0] =	ssyncadd.s32 $0xFFFFE700  }
0x5a: {  	v0 =	vld [tilespmem:s14+$0xFC70]  }
0x5b: {  	v1 =	vld [tilespmem:s14+$0x1C470]  }
0x5c: {  	v2 =	vld [tilespmem:s14+$0xFC00]  }
0x5d: {  	v3 =	vld [tilespmem:s14+$0x1C400]  }
0x5e: {  	v4 =	vld [tilespmem:s14+$0xFC10]  }
0x5f: {  	v5 =	vld [tilespmem:s14+$0x1C410]  }
0x60: {  	v6 =	vld [tilespmem:s14+$0xFC20]  }
0x61: {  	v7 =	vld [tilespmem:s14+$0x1C430]  }
0x62: {  	v8 =	vld [tilespmem:s14+$0xFC40]  }
0x63: {  	v9 =	vld [tilespmem:s14+$0xFC50]  }
0x64: {  	v62 =	vld [tilespmem:s14+$0xFC60]  }
0x65: {  	v0 =	vadd.f32 v1, v0;
	v1 =	vld [tilespmem:s14+$0x1C420]  }
0x66: {  	v2 =	vadd.f32 v3, v2;
	v3 =	vld [tilespmem:s14+$0x1C440]  }
0x67: {  	[tilespmem:s14+$0x3470] =	vst.add.f32.msk $0xffff, v0  }
0x68: {  	v0 =	vld [tilespmem:s14+$0xFC30]  }
0x69: {  	[tilespmem:s14+$0x3400] =	vst.add.f32.msk $0xffff, v2  }
0x6a: {  	v2 =	vld [tilespmem:s14+$0x1C450]  }
0x6b: {  	v63 =	vld [tilespmem:s14+$0x1C460];
	v4 =	vadd.f32 v5, v4  }
0x6c: {  	v1 =	vadd.f32 v1, v6  }
0x6d: {  	[tilespmem:s14+$0x3410] =	vst.add.f32.msk $0xffff, v4;
	v3 =	vadd.f32 v3, v8  }
0x6e: {  	v0 =	vadd.f32 v7, v0;
	[tilespmem:s14+$0x3420] =	vst.add.f32.msk $0xffff, v1  }
0x6f: {  	v1 =	vadd.f32 v2, v9;
	[tilespmem:s14+$0x3440] =	vst.add.f32.msk $0xffff, v3  }
0x70: {  	[tilespmem:s14+$0x3430] =	vst.add.f32.msk $0xffff, v0;
	v0 =	vadd.f32 v63, v62  }
0x71: {  	s25 =	simm.s32 $0x0;
	s26 =	simm.s32 $0x200;
	[tilespmem:s14+$0x3450] =	vst.add.f32.msk $0xffff, v1  }
.LBB2_3:
0x72: {  	[tilespmem:s14+$0x3460] =	vst.add.f32.msk $0xffff, v0;
	s14 =	sshra.s32 s26, $0x2  }
0x73: {  	s25 =	sadd.s32 $0x2, s25;
	v0 =	vld [tilespmem:s14+$0xFC70]  }
0x74: {  	p1 =	slt.u32 s25, $0xC6;
	v1 =	vld [tilespmem:s14+$0x1C470]  }
0x75: {  	v2 =	vld [tilespmem:s14+$0xFC00]  }
0x76: {  	v3 =	vld [tilespmem:s14+$0x1C400]  }
0x77: {  	v4 =	vld [tilespmem:s14+$0xFC10]  }
0x78: {  	v5 =	vld [tilespmem:s14+$0x1C410]  }
0x79: {  	v6 =	vld [tilespmem:s14+$0xFC20];
	v0 =	vadd.f32 v1, v0  }
0x7a: {  	v1 =	vld [tilespmem:s14+$0x1C420]  }
0x7b: {  	v2 =	vadd.f32 v3, v2;
	[tilespmem:s14+$0x3470] =	vst.add.f32.msk $0xffff, v0  }
0x7c: {  	v0 =	vld [tilespmem:s14+$0xFC30]  }
0x7d: {  	v3 =	vadd.f32 v5, v4;
	v4 =	vld [tilespmem:s14+$0x1C430]  }
0x7e: {  	v5 =	vld [tilespmem:s14+$0xFC40]  }
0x7f: {  	v1 =	vadd.f32 v1, v6;
	v6 =	vld [tilespmem:s14+$0x1C440]  }
0x80: {  	v7 =	vld [tilespmem:s14+$0xFC50]  }
0x81: {  	v8 =	vld [tilespmem:s14+$0x1C450]  }
0x82: {  	v0 =	vadd.f32 v4, v0;
	v4 =	vld [tilespmem:s14+$0xFC60]  }
0x83: {  	v9 =	vld [tilespmem:s14+$0x1C460]  }
0x84: {  	[tilespmem:s14+$0x3400] =	vst.add.f32.msk $0xffff, v2;
	v2 =	vadd.f32 v6, v5  }
.Ltmp2:
0x85: {  	[tilespmem:s14+$0x3410] =	vst.add.f32.msk $0xffff, v3;
	(pc) =	sbr.rel @p1 .LBB2_3-.Ltmp2, $4  }
0x86: {  	[tilespmem:s14+$0x3420] =	vst.add.f32.msk $0xffff, v1;
	v1 =	vadd.f32 v8, v7  }
0x87: {  	[tilespmem:s14+$0x3430] =	vst.add.f32.msk $0xffff, v0  }
0x88: {  	[tilespmem:s14+$0x3440] =	vst.add.f32.msk $0xffff, v2;
	v0 =	vadd.f32 v9, v4  }
0x89: {  	s26 =	sadd.s32 $0x200, s26;
	[tilespmem:s14+$0x3450] =	vst.add.f32.msk $0xffff, v1  }
0x8a: {  	s25 =	sadd.s32 s5, s16  }
0x8b: {  	s25 =	smul.u32 $0x640, s25;
	_ =	sdelay $0x1  }
0x8c: {  	[tilespmem:s14+$0x3460] =	vst.add.f32.msk $0xffff, v0;
	s14 =	sor.u32 $0x3, s16;
	s26 =	sadd.s32 s2, s25  }
0x8d: {  	[hbm4b:s26+s3] =	stream.linear.scatter [tilespmem:s22], [sflag:$0x6], $0x3200, $0x38;
	[tilespmem:$0x1F600] =	vst v63  }
0x8e: {  	s25 =	sand.u32 $0xF, s14;
	s26 =	simm.s32 @!p0 $0x9  }
0x8f: {  	s29 =	smul.u32 $0xD0, s25;
	_ =	swait.ge @!p0 [sflag:s26], $0x3200  }
0x90: {  	[sflag:s26] =	ssyncset.done @!p0 $0x0  }
0x91: {  	[sflag:s26] =	ssyncadd.s32 @!p0 $0xFFFFCE00;
	s26 =	sadd.s32 s28, s29  }
0x92: {  	[tilespmem:s1], [sflag:$0x5] =	stream.indirect.gather [hbm4b:s7+s21], $0x40, s26, s21, $0xb8;
	[tilespmem:$0x1F600] =	vst v63  }
0x93: {  	s28 =	sadd.s32 $0x68, s26  }
0x94: {  	[tilespmem:s15], [sflag:$0x5] =	stream.indirect.gather [hbm4b:s7+s21], $0x40, s28, s21, $0xb8;
	[tilespmem:$0x1F600] =	vst v63  }
0x95: {  	s28 =	sadd.s32 $0x1A00, s26  }
0x96: {  	[tilespmem:s19], [sflag:$0x5] =	stream.indirect.gather [hbm4b:s8+s21], $0x40, s28, s21, $0xb8;
	[tilespmem:$0x1F600] =	vst v63  }
0x97: {  	s26 =	sadd.s32 $0x1A68, s26  }
0x98: {  	[tilespmem:s20], [sflag:$0x5] =	stream.indirect.gather [hbm4b:s8+s21], $0x40, s26, s21, $0xb8;
	[tilespmem:$0x1F600] =	vst v63  }
0x99: {  	_ =	swait.ge [sflag:s9], $0x1900  }
0x9a: {  	[sflag:s9] =	ssyncset.done $0x0  }
0x9b: {  	[sflag:s9] =	ssyncadd.s32 $0xFFFFE700  }
0x9c: {  	_ =	swait.ge [sflag:s9], $0x1900  }
0x9d: {  	[sflag:s9] =	ssyncset.done $0x0  }
0x9e: {  	[sflag:s9] =	ssyncadd.s32 $0xFFFFE700  }
0x9f: {  	_ =	swait.ge [sflag:s9], $0x1900  }
0xa0: {  	[sflag:s9] =	ssyncset.done $0x0  }
0xa1: {  	[sflag:s9] =	ssyncadd.s32 $0xFFFFE700  }
0xa2: {  	_ =	swait.ge [sflag:s9], $0x1900  }
0xa3: {  	[sflag:s9] =	ssyncset.done $0x0  }
0xa4: {  	s28 =	simm.s32 $0x0;
	[sflag:s9] =	ssyncadd.s32 $0xFFFFE700  }
0xa5: {  	v0 =	vld [tilespmem:s28+$0x12E70]  }
0xa6: {  	v1 =	vld [tilespmem:s28+$0x1C470]  }
0xa7: {  	v2 =	vld [tilespmem:s28+$0x12E00]  }
0xa8: {  	v3 =	vld [tilespmem:s28+$0x1C400]  }
0xa9: {  	v4 =	vld [tilespmem:s28+$0x12E10]  }
0xaa: {  	v5 =	vld [tilespmem:s28+$0x1C410]  }
0xab: {  	v6 =	vld [tilespmem:s28+$0x12E20]  }
0xac: {  	v7 =	vld [tilespmem:s28+$0x1C430]  }
0xad: {  	v8 =	vld [tilespmem:s28+$0x12E40]  }
0xae: {  	v9 =	vld [tilespmem:s28+$0x12E50]  }
0xaf: {  	v62 =	vld [tilespmem:s28+$0x12E60]  }
0xb0: {  	v0 =	vadd.f32 v1, v0;
	v1 =	vld [tilespmem:s28+$0x1C420]  }
0xb1: {  	v2 =	vadd.f32 v3, v2;
	v3 =	vld [tilespmem:s28+$0x1C440]  }
0xb2: {  	[tilespmem:s28+$0x6670] =	vst.add.f32.msk $0xffff, v0  }
0xb3: {  	v0 =	vld [tilespmem:s28+$0x12E30]  }
0xb4: {  	[tilespmem:s28+$0x6600] =	vst.add.f32.msk $0xffff, v2  }
0xb5: {  	v2 =	vld [tilespmem:s28+$0x1C450]  }
0xb6: {  	v63 =	vld [tilespmem:s28+$0x1C460];
	v4 =	vadd.f32 v5, v4  }
0xb7: {  	v1 =	vadd.f32 v1, v6  }
0xb8: {  	[tilespmem:s28+$0x6610] =	vst.add.f32.msk $0xffff, v4;
	v3 =	vadd.f32 v3, v8  }
0xb9: {  	v0 =	vadd.f32 v7, v0;
	[tilespmem:s28+$0x6620] =	vst.add.f32.msk $0xffff, v1  }
0xba: {  	v1 =	vadd.f32 v2, v9;
	[tilespmem:s28+$0x6640] =	vst.add.f32.msk $0xffff, v3  }
0xbb: {  	[tilespmem:s28+$0x6630] =	vst.add.f32.msk $0xffff, v0;
	v0 =	vadd.f32 v63, v62  }
0xbc: {  	s31 =	simm.s32 $0x200;
	s29 =	simm.s32 $0x0;
	s26 =	sor.u32 $0x1, s16;
	[tilespmem:s28+$0x6650] =	vst.add.f32.msk $0xffff, v1  }
.LBB2_5:
0xbd: {  	[tilespmem:s28+$0x6660] =	vst.add.f32.msk $0xffff, v0;
	s28 =	sshra.s32 s31, $0x2  }
0xbe: {  	s29 =	sadd.s32 $0x2, s29;
	v0 =	vld [tilespmem:s28+$0x12E70]  }
0xbf: {  	p0 =	slt.u32 s29, $0xC6;
	v1 =	vld [tilespmem:s28+$0x1C470]  }
0xc0: {  	v2 =	vld [tilespmem:s28+$0x12E00]  }
0xc1: {  	v3 =	vld [tilespmem:s28+$0x1C400]  }
0xc2: {  	v4 =	vld [tilespmem:s28+$0x12E10]  }
0xc3: {  	v5 =	vld [tilespmem:s28+$0x1C410]  }
0xc4: {  	v6 =	vld [tilespmem:s28+$0x12E20];
	v0 =	vadd.f32 v1, v0  }
0xc5: {  	v1 =	vld [tilespmem:s28+$0x1C420]  }
0xc6: {  	v2 =	vadd.f32 v3, v2;
	[tilespmem:s28+$0x6670] =	vst.add.f32.msk $0xffff, v0  }
0xc7: {  	v0 =	vld [tilespmem:s28+$0x12E30]  }
0xc8: {  	v3 =	vadd.f32 v5, v4;
	v4 =	vld [tilespmem:s28+$0x1C430]  }
0xc9: {  	v5 =	vld [tilespmem:s28+$0x12E40]  }
0xca: {  	v1 =	vadd.f32 v1, v6;
	v6 =	vld [tilespmem:s28+$0x1C440]  }
0xcb: {  	v7 =	vld [tilespmem:s28+$0x12E50]  }
0xcc: {  	v8 =	vld [tilespmem:s28+$0x1C450]  }
0xcd: {  	v0 =	vadd.f32 v4, v0;
	v4 =	vld [tilespmem:s28+$0x12E60]  }
0xce: {  	v9 =	vld [tilespmem:s28+$0x1C460]  }
0xcf: {  	[tilespmem:s28+$0x6600] =	vst.add.f32.msk $0xffff, v2;
	v2 =	vadd.f32 v6, v5  }
.Ltmp3:
0xd0: {  	[tilespmem:s28+$0x6610] =	vst.add.f32.msk $0xffff, v3;
	(pc) =	sbr.rel @p0 .LBB2_5-.Ltmp3, $4  }
0xd1: {  	[tilespmem:s28+$0x6620] =	vst.add.f32.msk $0xffff, v1;
	v1 =	vadd.f32 v8, v7  }
0xd2: {  	[tilespmem:s28+$0x6630] =	vst.add.f32.msk $0xffff, v0  }
0xd3: {  	[tilespmem:s28+$0x6640] =	vst.add.f32.msk $0xffff, v2;
	v0 =	vadd.f32 v9, v4  }
0xd4: {  	s31 =	sadd.s32 $0x200, s31;
	[tilespmem:s28+$0x6650] =	vst.add.f32.msk $0xffff, v1  }
0xd5: {  	s26 =	sadd.s32 s5, s26  }
0xd6: {  	s26 =	smul.u32 $0x640, s26;
	_ =	sdelay $0x1  }
0xd7: {  	[tilespmem:s28+$0x6660] =	vst.add.f32.msk $0xffff, v0;
	s28 =	sadd.s32 $0x4, s16;
	s26 =	sadd.s32 s2, s26  }
0xd8: {  	[hbm4b:s26+s3] =	stream.linear.scatter [tilespmem:s30], [sflag:$0x7], $0x3200, $0x38;
	[tilespmem:$0x1F600] =	vst v63  }
0xd9: {  	p0 =	sgt.u32 s24, $0x7D;
	s26 =	sand.u32 $0xC, s28  }
0xda: {  	p1 =	sne.s32 @!p0 s26, $0x0  }
0xdb: {  	p1 =	por p0, p1  }
.Ltmp4:
0xdc: {  	_ = 	snop;
	(pc) =	sbr.rel @p1 .LBB2_8-.Ltmp4, $4  }
0xdd: {  	_ = 	snop  }
0xde: {  	_ =	swait.ge [sflag:s17], $0x3200  }
0xdf: {  	[sflag:s17] =	ssyncset.done $0x0  }
0xe0: {  	[sflag:s17] =	ssyncadd.s32 $0xFFFFCE00  }
0xe1: {  	_ =	swait.ge [sflag:s18], $0xD00  }
0xe2: {  	[sflag:s18] =	ssyncset.done $0x0  }
0xe3: {  	[sflag:s18] =	ssyncadd.s32 $0xFFFFF300  }
0xe4: {  	_ =	swait.ge [sflag:s18], $0xD00  }
0xe5: {  	[sflag:s18] =	ssyncset.done $0x0  }
0xe6: {  	[sflag:s18] =	ssyncadd.s32 $0xFFFFF300  }
.LBB2_9:
0xe7: {  	s29 =	sshll.u32 s28, $0x1B  }
0xe8: {  	s26 =	smul.u32 $0xD0, s26;
	s29 =	sshra.s32 s29, $0x1F  }
0xe9: {  	s29 =	sand.u32 $0xD00, s29  }
0xea: {  	s26 =	sadd.s32 s26, s29  }
0xeb: {  	[tilespmem:s22], [sflag:$0x2] =	stream.indirect.gather [hbm4b:s7+s21], $0x40, s26, s21, $0xb8;
	[tilespmem:$0x1F600] =	vst v63  }
0xec: {  	s31 =	simm.s32 $0x4D00;
	s29 =	sadd.s32 $0x68, s26  }
0xed: {  	[tilespmem:s31], [sflag:$0x2] =	stream.indirect.gather [hbm4b:s7+s21], $0x40, s29, s21, $0xb8;
	[tilespmem:$0x1F600] =	vst v63  }
0xee: {  	s29 =	sadd.s32 $0x1A00, s26;
	s31 =	simm.s32 $0xFC00  }
0xef: {  	[tilespmem:s31], [sflag:$0x2] =	stream.indirect.gather [hbm4b:s8+s21], $0x40, s29, s21, $0xb8;
	[tilespmem:$0x1F600] =	vst v63  }
0xf0: {  	s26 =	sadd.s32 $0x1A68, s26;
	s31 =	simm.s32 $0x11500  }
0xf1: {  	[tilespmem:s31], [sflag:$0x2] =	stream.indirect.gather [hbm4b:s8+s21], $0x40, s26, s21, $0xb8;
	[tilespmem:$0x1F600] =	vst v63  }
.LBB2_10:
0xf2: {  	_ =	swait.ge [sflag:s10], $0x1900  }
0xf3: {  	[sflag:s10] =	ssyncset.done $0x0  }
0xf4: {  	[sflag:s10] =	ssyncadd.s32 $0xFFFFE700  }
0xf5: {  	_ =	swait.ge [sflag:s10], $0x1900  }
0xf6: {  	[sflag:s10] =	ssyncset.done $0x0  }
0xf7: {  	[sflag:s10] =	ssyncadd.s32 $0xFFFFE700  }
0xf8: {  	_ =	swait.ge [sflag:s10], $0x1900  }
0xf9: {  	[sflag:s10] =	ssyncset.done $0x0  }
0xfa: {  	[sflag:s10] =	ssyncadd.s32 $0xFFFFE700  }
0xfb: {  	_ =	swait.ge [sflag:s10], $0x1900  }
0xfc: {  	[sflag:s10] =	ssyncset.done $0x0  }
0xfd: {  	s26 =	simm.s32 $0x0;
	[sflag:s10] =	ssyncadd.s32 $0xFFFFE700  }
0xfe: {  	v0 =	vld [tilespmem:s26+$0x16070]  }
0xff: {  	v1 =	vld [tilespmem:s26+$0x1C470]  }
0x100: {  	v2 =	vld [tilespmem:s26+$0x16000]  }
0x101: {  	v3 =	vld [tilespmem:s26+$0x1C400]  }
0x102: {  	v4 =	vld [tilespmem:s26+$0x16010]  }
0x103: {  	v5 =	vld [tilespmem:s26+$0x1C410]  }
0x104: {  	v6 =	vld [tilespmem:s26+$0x16020]  }
0x105: {  	v7 =	vld [tilespmem:s26+$0x1C430]  }
0x106: {  	v8 =	vld [tilespmem:s26+$0x16040]  }
0x107: {  	v9 =	vld [tilespmem:s26+$0x16050]  }
0x108: {  	v62 =	vld [tilespmem:s26+$0x16060]  }
0x109: {  	v0 =	vadd.f32 v1, v0;
	v1 =	vld [tilespmem:s26+$0x1C420]  }
0x10a: {  	v2 =	vadd.f32 v3, v2;
	v3 =	vld [tilespmem:s26+$0x1C440]  }
0x10b: {  	[tilespmem:s26+$0x9870] =	vst.add.f32.msk $0xffff, v0  }
0x10c: {  	v0 =	vld [tilespmem:s26+$0x16030]  }
0x10d: {  	[tilespmem:s26+$0x9800] =	vst.add.f32.msk $0xffff, v2  }
0x10e: {  	v2 =	vld [tilespmem:s26+$0x1C450]  }
0x10f: {  	v63 =	vld [tilespmem:s26+$0x1C460];
	v4 =	vadd.f32 v5, v4  }
0x110: {  	v1 =	vadd.f32 v1, v6  }
0x111: {  	[tilespmem:s26+$0x9810] =	vst.add.f32.msk $0xffff, v4;
	v3 =	vadd.f32 v3, v8  }
0x112: {  	v0 =	vadd.f32 v7, v0;
	[tilespmem:s26+$0x9820] =	vst.add.f32.msk $0xffff, v1  }
0x113: {  	v1 =	vadd.f32 v2, v9;
	[tilespmem:s26+$0x9840] =	vst.add.f32.msk $0xffff, v3  }
0x114: {  	[tilespmem:s26+$0x9830] =	vst.add.f32.msk $0xffff, v0;
	v0 =	vadd.f32 v63, v62  }
0x115: {  	s29 =	simm.s32 $0x0;
	s31 =	simm.s32 $0x200;
	[tilespmem:s26+$0x9850] =	vst.add.f32.msk $0xffff, v1  }
.LBB2_11:
0x116: {  	[tilespmem:s26+$0x9860] =	vst.add.f32.msk $0xffff, v0;
	s26 =	sshra.s32 s31, $0x2  }
0x117: {  	s29 =	sadd.s32 $0x2, s29;
	v0 =	vld [tilespmem:s26+$0x16070]  }
0x118: {  	p0 =	slt.u32 s29, $0xC6;
	v1 =	vld [tilespmem:s26+$0x1C470]  }
0x119: {  	v2 =	vld [tilespmem:s26+$0x16000]  }
0x11a: {  	v3 =	vld [tilespmem:s26+$0x1C400]  }
0x11b: {  	v4 =	vld [tilespmem:s26+$0x16010]  }
0x11c: {  	v5 =	vld [tilespmem:s26+$0x1C410]  }
0x11d: {  	v6 =	vld [tilespmem:s26+$0x16020];
	v0 =	vadd.f32 v1, v0  }
0x11e: {  	v1 =	vld [tilespmem:s26+$0x1C420]  }
0x11f: {  	v2 =	vadd.f32 v3, v2;
	[tilespmem:s26+$0x9870] =	vst.add.f32.msk $0xffff, v0  }
0x120: {  	v0 =	vld [tilespmem:s26+$0x16030]  }
0x121: {  	v3 =	vadd.f32 v5, v4;
	v4 =	vld [tilespmem:s26+$0x1C430]  }
0x122: {  	v5 =	vld [tilespmem:s26+$0x16040]  }
0x123: {  	v1 =	vadd.f32 v1, v6;
	v6 =	vld [tilespmem:s26+$0x1C440]  }
0x124: {  	v7 =	vld [tilespmem:s26+$0x16050]  }
0x125: {  	v8 =	vld [tilespmem:s26+$0x1C450]  }
0x126: {  	v0 =	vadd.f32 v4, v0;
	v4 =	vld [tilespmem:s26+$0x16060]  }
0x127: {  	v9 =	vld [tilespmem:s26+$0x1C460]  }
0x128: {  	[tilespmem:s26+$0x9800] =	vst.add.f32.msk $0xffff, v2;
	v2 =	vadd.f32 v6, v5  }
.Ltmp5:
0x129: {  	[tilespmem:s26+$0x9810] =	vst.add.f32.msk $0xffff, v3;
	(pc) =	sbr.rel @p0 .LBB2_11-.Ltmp5, $4  }
0x12a: {  	[tilespmem:s26+$0x9820] =	vst.add.f32.msk $0xffff, v1;
	v1 =	vadd.f32 v8, v7  }
0x12b: {  	[tilespmem:s26+$0x9830] =	vst.add.f32.msk $0xffff, v0  }
0x12c: {  	[tilespmem:s26+$0x9840] =	vst.add.f32.msk $0xffff, v2;
	v0 =	vadd.f32 v9, v4  }
0x12d: {  	s31 =	sadd.s32 $0x200, s31;
	[tilespmem:s26+$0x9850] =	vst.add.f32.msk $0xffff, v1  }
0x12e: {  	s24 =	sadd.s32 s5, s24  }
0x12f: {  	s24 =	smul.u32 $0x640, s24  }
0x130: {  	p0 =	sgt.u32 s14, $0x7D  }
0x131: {  	[tilespmem:s26+$0x9860] =	vst.add.f32.msk $0xffff, v0;
	s16 =	sadd.s32 @!p0 $0x5, s16;
	s24 =	sadd.s32 s2, s24  }
0x132: {  	[hbm4b:s24+s3] =	stream.linear.scatter [tilespmem:s23], [sflag:$0x8], $0x3200, $0x38;
	[tilespmem:$0x1F600] =	vst v63  }
0x133: {  	s24 =	sand.u32 @!p0 $0xD, s16;
	s16 =	sshll.u32 @!p0 s16, $0x1B  }
0x134: {  	_ =	swait.ge [sflag:s11], $0x3200;
	s16 =	sshra.s32 @!p0 s16, $0x1F;
	s24 =	smul.u32 @!p0 $0xD0, s24  }
0x135: {  	s26 =	simm.s32 @!p0 $0x6600;
	[sflag:s11] =	ssyncset.done $0x0;
	s16 =	sand.u32 @!p0 $0xD00, s16  }
0x136: {  	[sflag:s11] =	ssyncadd.s32 $0xFFFFCE00;
	s16 =	sadd.s32 @!p0 s24, s16;
	s24 =	simm.s32 @!p0 $0x64  }
0x137: {  	[tilespmem:s26], [sflag:$0x3] =	stream.indirect.gather @!p0 [hbm4b:s7+s24], $0x40, s16, s24, $0xb8;
	[tilespmem:$0x1F600] =	vst v63  }
0x138: {  	s29 =	simm.s32 @!p0 $0x7F00;
	s26 =	sadd.s32 @!p0 $0x68, s16  }
0x139: {  	[tilespmem:s29], [sflag:$0x3] =	stream.indirect.gather @!p0 [hbm4b:s7+s24], $0x40, s26, s24, $0xb8;
	[tilespmem:$0x1F600] =	vst v63  }
0x13a: {  	s26 =	sadd.s32 @!p0 $0x1A00, s16;
	s29 =	simm.s32 @!p0 $0x12E00  }
0x13b: {  	[tilespmem:s29], [sflag:$0x3] =	stream.indirect.gather @!p0 [hbm4b:s8+s24], $0x40, s26, s24, $0xb8;
	[tilespmem:$0x1F600] =	vst v63  }
0x13c: {  	s16 =	sadd.s32 @!p0 $0x1A68, s16;
	s26 =	simm.s32 @!p0 $0x14700  }
0x13d: {  	[tilespmem:s26], [sflag:$0x3] =	stream.indirect.gather @!p0 [hbm4b:s8+s24], $0x40, s16, s24, $0xb8;
	[tilespmem:$0x1F600] =	vst v63  }
0x13e: {  	_ =	swait.ge [sflag:s12], $0x1900  }
0x13f: {  	[sflag:s12] =	ssyncset.done $0x0  }
0x140: {  	p1 =	sgt.u32 s14, $0x6E;
	[sflag:s12] =	ssyncadd.s32 $0xFFFFE700  }
0x141: {  	p2 =	sne.s32 @!p1 s25, $0xF;
	_ =	swait.ge [sflag:s12], $0x1900  }
0x142: {  	p0 =	por p2, p1;
	[sflag:s12] =	ssyncset.done $0x0  }
0x143: {  	s16 =	sshrl.u32 @!p0 s28, $0x4;
	[sflag:s12] =	ssyncadd.s32 $0xFFFFE700  }
0x144: {  	s26 =	simm.s32 @!p0 $0x0;
	s16 =	sadd.s32 @!p0 $0x1, s16;
	_ =	swait.ge [sflag:s12], $0x1900  }
0x145: {  	s24 =	sshll.u32 @!p0 s16, $0x4;
	s16 =	sand.u32 @!p0 $0x1, s16;
	[sflag:s12] =	ssyncset.done $0x0  }
0x146: {  	s24 =	sadd.s32 @!p0 s5, s24;
	p3 =	seq.s32 @!p0 s16, $0x1;
	[sflag:s12] =	ssyncadd.s32 $0xFFFFE700  }
0x147: {  	p2 =	por @!p1 !p3, p2;
	s16 =	smul.u32 @!p0 $0x1A, s24;
	_ =	swait.ge [sflag:s12], $0x1900  }
0x148: {  	s24 =	simm.s32 @!p0 $0xD00;
	p1 =	por !p2, p1;
	[sflag:s12] =	ssyncset.done $0x0  }
0x149: {  	s24 =	simm.s32 @!p1 $0x0;
	s25 =	sadd.s32 @!p0 s4, s16;
	[sflag:s12] =	ssyncadd.s32 $0xFFFFE700  }
0x14a: {  	[tilespmem:s24], [sflag:$0x1] =	stream.linear.gather @!p0 [hbm4b:s25+s26], $0xD00, $0x38;
	[tilespmem:$0x1F600] =	vst v63  }
0x14b: {  	s16 =	sadd.s32 @!p0 s6, s16;
	s24 =	sadd.s32 @!p0 $0x1A00, s24  }
0x14c: {  	[tilespmem:s24], [sflag:$0x1] =	stream.linear.gather @!p0 [hbm4b:s16+s26], $0xD00, $0x38;
	[tilespmem:$0x1F600] =	vst v63  }
0x14d: {  	s16 =	simm.s32 $0x0  }
0x14e: {  	v0 =	vld [tilespmem:s16+$0x19270]  }
0x14f: {  	v1 =	vld [tilespmem:s16+$0x1C470]  }
0x150: {  	v2 =	vld [tilespmem:s16+$0x19200]  }
0x151: {  	v3 =	vld [tilespmem:s16+$0x1C400]  }
0x152: {  	v4 =	vld [tilespmem:s16+$0x19210]  }
0x153: {  	v5 =	vld [tilespmem:s16+$0x1C410]  }
0x154: {  	v6 =	vld [tilespmem:s16+$0x19220]  }
0x155: {  	v7 =	vld [tilespmem:s16+$0x1C430]  }
0x156: {  	v8 =	vld [tilespmem:s16+$0x19240]  }
0x157: {  	v9 =	vld [tilespmem:s16+$0x19250]  }
0x158: {  	v62 =	vld [tilespmem:s16+$0x19260]  }
0x159: {  	v0 =	vadd.f32 v1, v0;
	v1 =	vld [tilespmem:s16+$0x1C420]  }
0x15a: {  	v2 =	vadd.f32 v3, v2;
	v3 =	vld [tilespmem:s16+$0x1C440]  }
0x15b: {  	[tilespmem:s16+$0xCA70] =	vst.add.f32.msk $0xffff, v0  }
0x15c: {  	v0 =	vld [tilespmem:s16+$0x19230]  }
0x15d: {  	[tilespmem:s16+$0xCA00] =	vst.add.f32.msk $0xffff, v2  }
0x15e: {  	v2 =	vld [tilespmem:s16+$0x1C450]  }
0x15f: {  	v63 =	vld [tilespmem:s16+$0x1C460];
	v4 =	vadd.f32 v5, v4  }
0x160: {  	v1 =	vadd.f32 v1, v6  }
0x161: {  	[tilespmem:s16+$0xCA10] =	vst.add.f32.msk $0xffff, v4;
	v3 =	vadd.f32 v3, v8  }
0x162: {  	v0 =	vadd.f32 v7, v0;
	[tilespmem:s16+$0xCA20] =	vst.add.f32.msk $0xffff, v1  }
0x163: {  	v1 =	vadd.f32 v2, v9;
	[tilespmem:s16+$0xCA40] =	vst.add.f32.msk $0xffff, v3  }
0x164: {  	[tilespmem:s16+$0xCA30] =	vst.add.f32.msk $0xffff, v0;
	v0 =	vadd.f32 v63, v62  }
0x165: {  	s25 =	simm.s32 $0x200;
	s24 =	simm.s32 $0x0;
	[tilespmem:s16+$0xCA50] =	vst.add.f32.msk $0xffff, v1  }
.LBB2_13:
0x166: {  	[tilespmem:s16+$0xCA60] =	vst.add.f32.msk $0xffff, v0;
	s16 =	sshra.s32 s25, $0x2  }
0x167: {  	s24 =	sadd.s32 $0x2, s24;
	v0 =	vld [tilespmem:s16+$0x19270]  }
0x168: {  	p0 =	slt.u32 s24, $0xC6;
	v1 =	vld [tilespmem:s16+$0x1C470]  }
0x169: {  	v2 =	vld [tilespmem:s16+$0x19200]  }
0x16a: {  	v3 =	vld [tilespmem:s16+$0x1C400]  }
0x16b: {  	v4 =	vld [tilespmem:s16+$0x19210]  }
0x16c: {  	v5 =	vld [tilespmem:s16+$0x1C410]  }
0x16d: {  	v6 =	vld [tilespmem:s16+$0x19220];
	v0 =	vadd.f32 v1, v0  }
0x16e: {  	v1 =	vld [tilespmem:s16+$0x1C420]  }
0x16f: {  	v2 =	vadd.f32 v3, v2;
	[tilespmem:s16+$0xCA70] =	vst.add.f32.msk $0xffff, v0  }
0x170: {  	v0 =	vld [tilespmem:s16+$0x19230]  }
0x171: {  	v3 =	vadd.f32 v5, v4;
	v4 =	vld [tilespmem:s16+$0x1C430]  }
0x172: {  	v5 =	vld [tilespmem:s16+$0x19240]  }
0x173: {  	v1 =	vadd.f32 v1, v6;
	v6 =	vld [tilespmem:s16+$0x1C440]  }
0x174: {  	v7 =	vld [tilespmem:s16+$0x19250]  }
0x175: {  	v8 =	vld [tilespmem:s16+$0x1C450]  }
0x176: {  	v0 =	vadd.f32 v4, v0;
	v4 =	vld [tilespmem:s16+$0x19260]  }
0x177: {  	v9 =	vld [tilespmem:s16+$0x1C460]  }
0x178: {  	[tilespmem:s16+$0xCA00] =	vst.add.f32.msk $0xffff, v2;
	v2 =	vadd.f32 v6, v5  }
.Ltmp6:
0x179: {  	[tilespmem:s16+$0xCA10] =	vst.add.f32.msk $0xffff, v3;
	(pc) =	sbr.rel @p0 .LBB2_13-.Ltmp6, $4  }
0x17a: {  	[tilespmem:s16+$0xCA20] =	vst.add.f32.msk $0xffff, v1;
	v1 =	vadd.f32 v8, v7  }
0x17b: {  	[tilespmem:s16+$0xCA30] =	vst.add.f32.msk $0xffff, v0  }
0x17c: {  	[tilespmem:s16+$0xCA40] =	vst.add.f32.msk $0xffff, v2;
	v0 =	vadd.f32 v9, v4  }
0x17d: {  	s25 =	sadd.s32 $0x200, s25;
	[tilespmem:s16+$0xCA50] =	vst.add.f32.msk $0xffff, v1  }
0x17e: {  	s14 =	sadd.s32 s5, s14;
	s13 =	sadd.s32 $0x1, s13  }
0x17f: {  	s14 =	smul.u32 $0x640, s14;
	p0 =	sne.s32 s13, $0x20  }
.Ltmp7:
0x180: {  	_ = 	snop;
	(pc) =	sbr.rel @p0 .LBB2_2-.Ltmp7, $4  }
.Ltmp8:
0x181: {  	_ = 	snop;
	(pc) =	sbr.rel @!p0 .LBB2_15-.Ltmp8, $4  }
0x182: {  	_ = 	snop  }
0x183: {  	[tilespmem:s16+$0xCA60] =	vst.add.f32.msk $0xffff, v0;
	s14 =	sadd.s32 s2, s14  }
0x184: {  	[hbm4b:s14+s3] =	stream.linear.scatter [tilespmem:s1], [sflag:$0x9], $0x3200, $0x38;
	[tilespmem:$0x1F600] =	vst v63  }
0x185: {  	_ = 	snop  }
.LBB2_8:
.Ltmp9:
0x186: {  	(pc) =	sbr.rel @p0 .LBB2_10-.Ltmp9, $4  }
.Ltmp10:
0x187: {  	(pc) =	sbr.rel @!p0 .LBB2_9-.Ltmp10, $4  }
0x188: {  	_ = 	snop  }
0x189: {  	_ = 	snop  }
0x18a: {  	_ = 	snop  }
0x18b: {  	_ = 	snop  }
.LBB2_16:
0x18c: {  	_ =	sfence.sel $0x180000  }
0x18d: {  	[bflag:$0x0] =	sbarrier.arrive $0xFFFF  }
0x18e: {  	_ =	strace $0x90000047  }
0x18f: {  	s0 =	stileid.u32;
	[bflag:$0x2] =	sbarrier.arrive $0xFFFF  }
0x190: {  	p0 =	sne.s32 s0, $0x0;
	s0 =	rddreg [dreg:$0x2]  }
0x191: {  	s0 =	sadd.s32 @!p0 $0x100000, s0  }
0x192: {  	[sflag:s0] =	ssyncadd.tile.s32 @!p0 $0x1;
	_ =	shalt  }
.Lfunc_end2:
_tile_overlayer_lowered:
.L_overlay_start_2:
0x193: {  	(tag) =	ssettag $0x2  }
0x194: {  	s0 =	rddreg [dreg:$0x0];
	s2 =	stileid.u32  }
0x195: {  	s1 =	rddreg [dreg:$0x1];
	p0 =	sne.s32 s2, $0x0  }
0x196: {  	s3 =	rddreg [dreg:$0x2];
	[bflag:$0x3] =	sbarrier.arrive $0xFFFF;
	s2 =	simm.s32 @!p0 $0x1C0A  }
0x197: {  	[timem:s3], [sflag:s2] =	dma.local @!p0 [hbm:s0], s1  }
0x198: {  	s0 =	simm.s32 @!p0 $0xA  }
0x199: {  	_ =	swait.ge @!p0 [sflag:s0], s1  }
0x19a: {  	s1 =	ssub.s32 @!p0 $0x0, s1;
	[sflag:s0] =	ssyncset.done @!p0 $0x0  }
0x19b: {  	[sflag:s0] =	ssyncadd.s32 @!p0 s1  }
0x19c: {  	[bflag:$0x3] =	sbarrier.arrive $0xFFFF  }
0x19d: {  	_ =	shalt  }

// kernel: sparse-core-data-format-call.cloned.1.call-start
scs
called_computation_lowered:
.L_overlay_start_0:
0x0: {  	s2 =	sld [smem:$0x3FD9]  }
0x1: {  	s3 =	sld [smem:$0x3FFE];
	_ =	sdelay $0x1  }
0x2: {  	s1 =	srdreg.scid  }
0x3: {  	s0 =	sand.u32 $0x1, s1  }
0x4: {  	s18 =	sshll.u32 s0, $0xA;
	s2 =	sadd.s32 s3, s2  }
0x5: {  	s2 =	sadd.s32 s2, s18  }
0x6: {  	[smem:$0x3FC3] =	sst s2  }
0x7: {  	_ = 	snop  }
0x8: {  	s2 =	sld [smem:$0x3FD0];
	(tm) =	ssettm $0x1  }
0x9: {  	s19 =	sld [smem:$0x3FFB];
	_ =	sdelay $0x3  }
0xa: {  	_ =	strace s19  }
0xb: {  	s3 =	sld [smem:$0x3FFC];
	_ =	sdelay $0x3  }
0xc: {  	_ =	strace s3  }
0xd: {  	s3 =	sld [smem:$0x3FFD];
	_ =	sdelay $0x3  }
0xe: {  	_ =	strace s3  }
0xf: {  	_ =	strace $0x8FFFFFFF  }
0x10: {  	s20 =	sld [smem:$0x3FDB];
	_ =	sdelay $0x1  }
0x11: {  	s4 =	simm.s32 $_scs_section_size  }
0x12: {  	s5 =	simm.s32 $_size__tile_overlayer_lowered;
	s6 =	simm.s32 $_tile_overlayer_lowered  }
0x13: {  	s23 =	simm.s32 $0x1BFF;
	s22 =	sshll.u32 s6, $0x1;
	s3 =	sadd.s32 s4, s20  }
0x14: {  	s7 =	simm.s32 $0x0;
	s21 =	sshll.u32 s5, $0x1;
	s5 =	sadd.s32 s22, s3  }
0x15: {  	[timem:s7], [sflag:s23] =	dma.local [hbm:s5], s21  }
0x16: {  	_ =	swait.ge [sflag:s23], s21  }
0x17: {  	s4 =	ssub.s32 $0x0, s21;
	[sflag:s23] =	ssyncset.done $0x0  }
0x18: {  	[sflag:s23] =	ssyncadd.s32 s4;
	_ =	sdelay $0x1  }
0x19: {  	s24 =	simm.s32 $0x1B8B  }
0x1a: {  	_ =	swait.ge [sflag:s24], $0x1  }
0x1b: {  	[sflag:s24] =	ssyncset.done $0x0  }
0x1c: {  	s26 =	simm.s32 $0x1B8E;
	s25 =	sld [smem:$0x3FFE];
	[sflag:s24] =	ssyncadd.s32 $0xFFFFFFFF  }
0x1d: {  	s27 =	simm.s32 $execute0_lowered;
	[smem:$0x3FD2] =	sst s26  }
0x1e: {  	s5 =	sshll.u32 s27, $0x1;
	_ =	strace $0x80000049;
	[dreg:$0x1] =	wrdreg $0xFFFFFFFF  }
0x1f: {  	s28 =	simm.s32 $_size_execute0_lowered;
	s3 =	sadd.s32 s3, s5;
	[dreg:$0x0] =	wrdreg $0x0  }
0x20: {  	s5 =	sshll.u32 s28, $0x1;
	[dreg:$0x2] =	wrdreg s3  }
0x21: {  	[dreg:$0x3] =	wrdreg s5  }
0x22: {  	[dreg:$0x4] =	wrdreg $0xC0  }
0x23: {  	_ =	task [dreg:s7], $0x5FFFF  }
0x24: {  	[dreg:$0x1] =	wrdreg $0xFFFFFFFF  }
0x25: {  	[dreg:$0x0] =	wrdreg $0x60  }
0x26: {  	[dreg:$0x2] =	wrdreg s25  }
0x27: {  	[dreg:$0x3] =	wrdreg s2  }
0x28: {  	[dreg:$0x4] =	wrdreg $0x9  }
0x29: {  	_ =	task.clear_ibuf [dreg:s7], $0x5FFFF;
	_ =	strace $0x90000049  }
0x2a: {  	s29 =	simm.s32 $0x9;
	_ =	strace $0x8000004B  }
0x2b: {  	_ =	swait.ge [sflag:s29], $0x1  }
0x2c: {  	[sflag:s29] =	ssyncadd.s32 $0xFFFFFFFF  }
0x2d: {  	_ =	strace $0x9000004B  }
0x2e: {  	_ =	sfence  }
0x2f: {  	s30 =	sld [smem:$0x0];
	_ =	sdelay $0x2  }
0x30: {  	s31 =	sshll.u32 s1, $0xD;
	s1 =	sshrl.u32 s1, $0x2  }
0x31: {  	s3 =	sand.u32 $0x4000, s31;
	s1 =	sadd.s32 s1, s30  }
0x32: {  	s0 =	sor.u32 s3, s0;
	s1 =	sshll.u32 s1, $0x11  }
0x33: {  	s0 =	sor.u32 s1, s0  }
0x34: {  	s0 =	sadd.s32 $0x8F2B, s0  }
0x35: {  	[sflag:s0] =	ssyncadd.remote.s32 $0x1  }
0x36: {  	_ =	sfence.sel $0xFFFF  }
0x37: {  	[dreg:$0x0] =	wrdreg $0xFFFFFFFF;
	(pc) =	sbr.abs _section_cstart, $3  }
0x38: {  	[dreg:$0x1] =	wrdreg $0xFFFFFFFF  }
0x39: {  	_ =	task.clear_ibuf [dreg:s7], $0x2FFFF;
	_ =	strace $0x9FFFFFFF  }
0x3a: {  	(tm) =	ssettm $0x7FFFFFFF  }
0x3b: {  	_ =	shalt  }
tec
execute0_lowered:
.L_overlay_start_1:
0x0: {  	(tag) =	ssettag $0x1  }
0x1: {  	s0 =	srdreg.scid  }
0x2: {  	s1 =	sshll.u32 s0, $0x4  }
0x3: {  	s0 =	stileid.u32;
	s1 =	sand.u32 $0x10, s1  }
0x4: {  	s1 =	sor.u32 s0, s1  }
0x5: {  	s6 =	rddreg [dreg:$0x0];
	s4 =	simm.s32 $0x1;
	s2 =	sshll.u32 s1, $0x7  }
0x6: {  	s7 =	simm.s32 $0x2;
	s12 =	simm.s32 $0x0;
	s1 =	ssub.s32 $0x1000, s2  }
0x7: {  	s8 =	simm.s32 $0x8000;
	s13 =	simm.s32 $0x0;
	s3 =	sand.u32 $0xF80, s1  }
0x8: {  	s9 =	simm.s32 $0x0;
	s5 =	sshrl.u32 s1, $0xC;
	p0 =	sne.s32 s3, $0x0  }
.Ltmp0:
0x9: {  	s1 =	rddreg [dreg:$0x2];
	s4 =	simm.s32 @!p0 $0x0;
	(pc) =	sbr.rel .LBB1_1-.Ltmp0, $4  }
0xa: {  	s11 =	simm.s32 $0x0;
	s3 =	rddreg [dreg:$0x1];
	s5 =	sadd.s32 s4, s5  }
0xb: {  	_ =	strace $0x8000004A;
	s4 =	simm.s32 $0x1;
	s5 =	smul.u32 $0xC8, s5  }
0xc: {  	s6 =	sadd.s32 $0x1000, s6;
	s10 =	smov.u32 s2;
	[sflag:s4] =	ssyncpa.u1 $0x0  }
0xd: {  	p0 =	por $0x0, $0x0;
	[sflag:s7] =	ssyncpa.u1 $0x0;
	s7 =	sor.u32 $0x1, s5  }
.LBB1_4:
0xe: {  	s16 =	sshll.u32 s13, $0x3;
	s17 =	sand.u32 $0x78, s13  }
0xf: {  	s30 =	sand.u32 $0x7E00, s13;
	s12 =	sshll.u32 s12, $0xF;
	s16 =	sand.u32 $0xC00, s16  }
0x10: {  	[tilespmem:s15+$0x810 ss:$0x81] =	vst.msk $0xffff, v2;
	s31 =	sand.u32 $0x7, s13;
	s16 =	sor.u32 s17, s16;
	s17 =	sadd.s32 s3, s30  }
0x11: {  	[tilespmem:s15+$0x1020 ss:$0x81] =	vst.msk $0xffff, v0;
	s13 =	sshll.u32 s31, $0x12;
	s12 =	sadd.s32 s12, s17;
	s16 =	sshrl.u32 s16, $0x3  }
0x12: {  	[tilespmem:s15+$0x0 ss:$0x81] =	vst.msk $0xffff, v1;
	s13 =	sor.u32 $0x400, s13;
	s12 =	sadd.s32 s16, s12  }
0x13: {  	[hbm4b:s12+s13] =	stream.strided.scatter [tilespmem:s14], [sflag:$0x2], $0x2000, s8, s13, $0x20;
	[tilespmem:$0x8080] =	vst v63  }
.LBB1_5:
0x14: {  	s14 =	sadd.s32 $0x1, s9  }
0x15: {  	s12 =	sadd.s32 $0x1000, s10;
	s16 =	smov.u32 s10;
	p2 =	sgt.s32 s14, $0xC7  }
0x16: {  	s16 =	smov.u32 @p2 s12  }
0x17: {  	s14 =	simm.s32 @p2 $0x0;
	p2 =	sgt.s32 s16, $0xFFF  }
0x18: {  	s16 =	smov.u32 @p2 s2;
	p2 =	sne.s32 s11, s7  }
.Ltmp1:
0x19: {  	p1 =	slt.u32 s11, $0x2;
	(pc) =	sbr.rel @!p2 .LBB1_6-.Ltmp1, $4  }
0x1a: {  	s15 =	simm.s32 @!p1 $0x2  }
0x1b: {  	s13 =	smov.u32 s10;
	p0 =	por !p0, !p0;
	_ =	swait.ge @!p1 [sflag:s15], $0x2000  }
0x1c: {  	s12 =	smov.u32 s9;
	[sflag:s15] =	ssyncset.done @!p1 $0x0;
	s9 =	smov.u32 s14  }
0x1d: {  	s11 =	sadd.s32 $0x1, s11;
	[sflag:s15] =	ssyncadd.s32 @!p1 $0xFFFFE000;
	s10 =	smov.u32 s16  }
.LBB1_1:
0x1e: {  	p1 =	sge.u32 s11, s5  }
0x1f: {  	s14 =	sand.u32 @!p1 $0x1FFFFFF, s9  }
0x20: {  	s15 =	smulhi.u32 @!p1 $0x147AE15, s14;
	_ =	sdelay $0x1  }
0x21: {  	s15 =	smul.u32 @!p1 $0xC8, s15  }
0x22: {  	s16 =	sxor.u32 @!p1 $0xFFFFFFFF, s11;
	s17 =	smul.u32 @!p1 $0xC80, s10  }
0x23: {  	s31 =	sadd.s32 $0xFFFFFFFF, s11;
	s16 =	sshll.u32 @!p1 s16, $0xD;
	s14 =	ssub.s32 @!p1 s14, s15  }
0x24: {  	s15 =	sand.u32 @!p1 $0x2000, s16;
	s16 =	sadd.s32 @!p1 s6, s17;
	s14 =	sshll.u32 @!p1 s14, $0x4  }
0x25: {  	s17 =	simm.s32 @!p1 $0x6400;
	s14 =	sadd.s32 @!p1 s14, s16;
	s16 =	simm.s32 @!p1 $0x40  }
0x26: {  	[tilespmem:s15], [sflag:$0x1] =	stream.strided.gather @!p1 [hbm4b:s14+s16], $0x2000, s17, s16, $0x38;
	[tilespmem:$0x8080] =	vst v63  }
0x27: {  	p1 =	sge.u32 s31, s5  }
.Ltmp2:
0x28: {  	_ = 	snop;
	(pc) =	sbr.rel @p1 .LBB1_5-.Ltmp2, $1  }
0x29: {  	_ =	sdelay $0x3  }
0x2a: {  	s14 =	simm.s32 $0x1  }
0x2b: {  	_ =	swait.ge [sflag:s4], $0x2000;
	s14 =	simm.s32 @!p0 $0x0  }
0x2c: {  	[sflag:s4] =	ssyncset.done $0x0;
	s15 =	sshll.u32 s14, $0xD  }
0x2d: {  	[sflag:s4] =	ssyncadd.s32 $0xFFFFE000;
	s18 =	sor.u32 $0x20, s15  }
0x2e: {  	s14 =	smul.u32 $0x8100, s14;
	v3 =	vld [tilespmem:s18+$0x10]  }
0x2f: {  	s30 =	sand.u32 $0x1, s11;
	v2 =	vld [tilespmem:s18+$0xFFFFFFF0]  }
0x30: {  	s15 =	smul.u32 $0x8100, s30;
	s14 =	sshrl.u32 s14, $0x2;
	v0 =	vld [tilespmem:s18+$0x0]  }
0x31: {  	v1 =	vld [tilespmem:s18+$0xFFFFFFE0];
	s16 =	sor.u32 $0x4000, s14  }
0x32: {  	s31 =	sshrl.u32 s15, $0x2;
	s15 =	sadd.s32 $0x0, s16  }
0x33: {  	s17 =	simm.s32 $0x4;
	s18 =	sadd.s32 $0x40, s18;
	s14 =	sor.u32 $0x4000, s31;
	[tilespmem:s15+$0x1830 ss:$0x81] =	vst.msk $0xffff, v3  }
.LBB1_3:
0x34: {  	v3 =	vld [tilespmem:s18+$0x10];
	p1 =	sne.s32 s17, $0x1FC;
	[tilespmem:s15+$0x810 ss:$0x81] =	vst.msk $0xffff, v2;
	s19 =	smov.u32 s17;
	s17 =	sadd.s32 $0x4, s17  }
.Ltmp3:
0x35: {  	v2 =	vld [tilespmem:s18+$0xFFFFFFF0];
	[tilespmem:s15+$0x1020 ss:$0x81] =	vst.msk $0xffff, v0;
	(pc) =	sbr.rel @p1 .LBB1_3-.Ltmp3, $4  }
0x36: {  	v0 =	vld [tilespmem:s18+$0x0];
	[tilespmem:s15+$0x0 ss:$0x81] =	vst.msk $0xffff, v1  }
0x37: {  	s15 =	sshra.s32 s19, $0x2;
	v1 =	vld [tilespmem:s18+$0xFFFFFFE0]  }
0x38: {  	s15 =	sadd.s32 s15, s16  }
0x39: {  	s18 =	sadd.s32 $0x40, s18;
	[tilespmem:s15+$0x1830 ss:$0x81] =	vst.msk $0xffff, v3  }
.Ltmp4:
0x3a: {  	_ = 	snop;
	(pc) =	sbr.rel .LBB1_4-.Ltmp4, $1  }
0x3b: {  	_ =	sdelay $0x3  }
.LBB1_6:
0x3c: {  	_ =	sfence.sel $0x180000  }
0x3d: {  	s2 =	simm.s32 $0x1;
	[bflag:$0x0] =	sbarrier.arrive $0xFFFF  }
0x3e: {  	s31 =	simm.s32 $0x2;
	[sflag:s2] =	ssyncpa.u1 $0x1  }
0x3f: {  	[sflag:s31] =	ssyncpa.u1 $0x1  }
0x40: {  	p0 =	sne.s32 s0, $0x0;
	_ =	strace $0x9000004A  }
0x41: {  	s0 =	sadd.s32 @!p0 $0x100000, s1;
	[bflag:$0x2] =	sbarrier.arrive $0xFFFF  }
0x42: {  	[sflag:s0] =	ssyncadd.tile.s32 @!p0 $0x1;
	_ =	shalt  }
.Lfunc_end1:
_tile_overlayer_lowered:
.L_overlay_start_2:
0x43: {  	(tag) =	ssettag $0x2  }
0x44: {  	s0 =	rddreg [dreg:$0x0];
	s2 =	stileid.u32  }
0x45: {  	s1 =	rddreg [dreg:$0x1];
	p0 =	sne.s32 s2, $0x0  }
0x46: {  	s3 =	rddreg [dreg:$0x2];
	[bflag:$0x3] =	sbarrier.arrive $0xFFFF;
	s2 =	simm.s32 @!p0 $0x1C01  }
0x47: {  	[timem:s3], [sflag:s2] =	dma.local @!p0 [hbm:s0], s1  }
0x48: {  	s0 =	simm.s32 @!p0 $0x1  }
0x49: {  	_ =	swait.ge @!p0 [sflag:s0], s1  }
0x4a: {  	s1 =	ssub.s32 @!p0 $0x0, s1;
	[sflag:s0] =	ssyncset.done @!p0 $0x0  }
0x4b: {  	[sflag:s0] =	ssyncadd.s32 @!p0 s1  }
0x4c: {  	[bflag:$0x3] =	sbarrier.arrive $0xFFFF  }
0x4d: {  	_ =	shalt  }

</sc_bundles>
